<compile_context>
chip_gen: v7x
topology: tpu7x:2x2x1
jax: 0.10.2.dev20260603
libtpu: 0.0.44.dev20260713+nightly
codegen_flags: <defaults>
</compile_context>

<pallas_src>
import functools

import jax
import jax.numpy as jnp
from jax import lax
from jax.experimental import pallas as pl
from jax.experimental.pallas import tpu as pltpu
from jax.experimental.pallas import tpu_sc as plsc

N = 10000
E = 320000
D = 128
H = 5
C = 4
L = 16
NW = 32
NP = 10240
EPW = E // NW
NPW = NP // NW

_SC_PARAMS = pltpu.CompilerParams(
    needs_layout_passes=False, use_tc_tiling_on_sc=False
)


@functools.cache
def _mesh():
    return plsc.VectorSubcoreMesh(
        core_axis_name="c", subcore_axis_name="s", num_cores=2, num_subcores=16
    )


def _wid():
    return lax.axis_index("s") * 2 + lax.axis_index("c")


def _deg_body(dst_hbm, out_hbm, dst_v, acc_v, sem):
    wid = _wid()
    cp = pltpu.async_copy(dst_hbm.at[pl.ds(wid * EPW, EPW)], dst_v, sem)
    zeros = jnp.zeros((L,), jnp.float32)

    @plsc.parallel_loop(0, NP, step=L, unroll=4)
    def zbody(i):
        acc_v[pl.ds(i, L)] = zeros

    cp.wait()
    ones = jnp.ones((L,), jnp.float32)

    @plsc.parallel_loop(0, EPW, step=L, unroll=8)
    def ebody(i):
        didx = dst_v[pl.ds(i, L)]
        plsc.addupdate_scatter(acc_v, [didx], ones)

    pltpu.sync_copy(acc_v, out_hbm.at[wid])


@functools.cache
def _deg_call():
    return pl.kernel(
        _deg_body,
        out_type=jax.ShapeDtypeStruct((NW, NP), jnp.float32),
        mesh=_mesh(),
        compiler_params=_SC_PARAMS,
        scratch_types=[
            pltpu.VMEM((EPW,), jnp.int32),
            pltpu.VMEM((NP,), jnp.float32),
            pltpu.SemaphoreType.DMA,
        ],
    )


def _dense1_body(parts_ref, x_ref, w_ref, g_ref):
    deg = jnp.sum(parts_ref[...], axis=0, keepdims=True) + 1.0
    dinv = lax.rsqrt(deg)
    g = jnp.dot(w_ref[...], x_ref[...].T, preferred_element_type=jnp.float32,
                precision=jax.lax.Precision.HIGHEST)
    gp = jnp.pad(g[:H], ((0, 0), (0, NP - N)))
    g_ref[...] = jnp.concatenate([gp * dinv, dinv], axis=0)


def _dense1_call(parts, xt, w1p):
    return pl.pallas_call(
        _dense1_body,
        out_shape=jax.ShapeDtypeStruct((H + 1, NP), jnp.float32),
    )(parts, xt, w1p)


def _scatter_body(g_hbm, src_hbm, dst_hbm, out_hbm, *refs):
    g_vs = refs[:H]
    acc_vs = refs[H:2 * H]
    src_v, dst_v, sem1, sem2 = refs[2 * H:]
    wid = _wid()
    base = wid * EPW
    cp1 = pltpu.async_copy(src_hbm.at[pl.ds(base, EPW)], src_v, sem1)
    cp2 = pltpu.async_copy(dst_hbm.at[pl.ds(base, EPW)], dst_v, sem2)
    for p in range(H):
        pltpu.sync_copy(g_hbm.at[p], g_vs[p])
    zeros = jnp.zeros((L,), jnp.float32)

    @plsc.parallel_loop(0, NP, step=L, unroll=4)
    def zbody(i):
        for p in range(H):
            acc_vs[p][pl.ds(i, L)] = zeros

    cp1.wait()
    cp2.wait()

    @plsc.parallel_loop(0, EPW, step=L, unroll=4)
    def ebody(i):
        sidx = src_v[pl.ds(i, L)]
        didx = dst_v[pl.ds(i, L)]
        for p in range(H):
            v = plsc.load_gather(g_vs[p], [sidx])
            plsc.addupdate_scatter(acc_vs[p], [didx], v)

    for p in range(H):
        pltpu.sync_copy(acc_vs[p], out_hbm.at[wid, p])


@functools.cache
def _make_scatter():
    return pl.kernel(
        _scatter_body,
        out_type=jax.ShapeDtypeStruct((NW, H, NP), jnp.float32),
        mesh=_mesh(),
        compiler_params=_SC_PARAMS,
        scratch_types=(
            [pltpu.VMEM((NP,), jnp.float32) for _ in range(2 * H)]
            + [
                pltpu.VMEM((EPW,), jnp.int32),
                pltpu.VMEM((EPW,), jnp.int32),
                pltpu.SemaphoreType.DMA,
                pltpu.SemaphoreType.DMA,
            ]
        ),
    )


def _make_reduce(final):
    n_out = C if final else H

    def body(parts_hbm, g_hbm, cb_hbm, out_hbm, acc_v, pbuf_v, cb_v, outb_v):
        wid = _wid()
        nb = wid * NPW
        pltpu.sync_copy(g_hbm.at[:, pl.ds(nb, NPW)], acc_v)
        pltpu.sync_copy(cb_hbm, cb_v)
        pltpu.sync_copy(parts_hbm.at[:, :, pl.ds(nb, NPW)], pbuf_v)

        iota = lax.iota(jnp.int32, L)

        def gbody(i, _):
            dv = acc_v[H, pl.ds(i * L, L)]

            def tsum(t, carry):
                return tuple(
                    carry[p] + pbuf_v[t, p, pl.ds(i * L, L)] for p in range(H)
                )

            s = lax.fori_loop(
                0, NW, tsum,
                tuple(acc_v[p, pl.ds(i * L, L)] for p in range(H)),
                unroll=4,
            )
            r = []
            for j in range(H):
                o = s[j] * dv + cb_v[H * n_out + j]
                r.append(jnp.maximum(o, jnp.zeros((L,), jnp.float32)))
            for k in range(n_out):
                h = r[0] * cb_v[k]
                for j in range(1, H):
                    h = h + r[j] * cb_v[j * n_out + k]
                if final:
                    h = h + cb_v[H * n_out + H + k]
                    idx = (iota + i * L) * C + k
                    plsc.store_scatter(outb_v, [idx], h)
                else:
                    outb_v[k, pl.ds(i * L, L)] = h * dv
            if not final:
                outb_v[H, pl.ds(i * L, L)] = dv
            return 0

        lax.fori_loop(0, NPW // L, gbody, 0)
        if final:
            pltpu.sync_copy(outb_v, out_hbm.at[pl.ds(nb * C, NPW * C)])
        else:
            pltpu.sync_copy(outb_v, out_hbm.at[:, pl.ds(nb, NPW)])

    out_type = (jax.ShapeDtypeStruct((NP * C,), jnp.float32) if final
                else jax.ShapeDtypeStruct((H + 1, NP), jnp.float32))
    outb = (pltpu.VMEM((NPW * C,), jnp.float32) if final
            else pltpu.VMEM((H + 1, NPW), jnp.float32))
    ncb = H * n_out + H + (n_out if final else 0)
    return pl.kernel(
        body,
        out_type=out_type,
        mesh=_mesh(),
        compiler_params=_SC_PARAMS,
        scratch_types=[
            pltpu.VMEM((H + 1, NPW), jnp.float32),
            pltpu.VMEM((NW, H, NPW), jnp.float32),
            pltpu.VMEM((ncb, L), jnp.float32),
            outb,
        ],
    )


_make_reduce = functools.cache(_make_reduce)


def kernel(x, edge_index, W1, b1, W2, b2, Wl, bl):
    src = edge_index[0]
    dst = edge_index[1]
    w1p = jnp.zeros((8, D), jnp.float32).at[:H].set(W1.T)
    cb1 = jnp.broadcast_to(
        jnp.concatenate([W2.reshape(H * H), b1])[:, None], (H * H + H, L)
    )
    cb2 = jnp.broadcast_to(
        jnp.concatenate([Wl.reshape(H * C), b2, bl])[:, None],
        (H * C + H + C, L),
    )

    dparts = _deg_call()(dst)
    g1 = _dense1_call(dparts, x, w1p)
    p1 = _make_scatter()(g1, src, dst)
    g2 = _make_reduce(False)(p1, g1, cb1)
    p2 = _make_scatter()(g2, src, dst)
    flat = _make_reduce(True)(p2, g2, cb2)
    return flat.reshape(NP, C)[:N]

# --- scband reference (transcript-rebuilt; emitter-appended) ---
"""Pipeline reference for scband-net-41772851920951 (READ-ONLY COPY).

The authoritative reference and input builder live on the scoring server;
editing this copy changes nothing except your own understanding.
"""

import jax, jax.numpy as jnp
import numpy as np

N = 10000
E = 320000
D = 128
H = 5
C = 4


def gcn_conv(x, edge_index, W, b):
    n = x.shape[0]
    loop = jnp.arange(n, dtype=edge_index.dtype)
    src = jnp.concatenate([edge_index[0], loop])
    dst = jnp.concatenate([edge_index[1], loop])
    # symmetric normalization with self-loops (GCNConv default)
    deg = jnp.zeros((n,), x.dtype).at[dst].add(1.0)
    dinv = jnp.where(deg > 0, jax.lax.rsqrt(deg), 0.0)
    norm = dinv[src] * dinv[dst]
    h = x @ W
    msg = h[src] * norm[:, None]
    out = jax.ops.segment_sum(msg, dst, num_segments=n)
    return out + b


def setup_inputs(seed: int = 0):
    key = jax.random.key(seed)
    k = jax.random.split(key, 8)
    x = jax.random.normal(k[0], (N, D), dtype=jnp.float32)
    edge_index = jax.random.randint(k[1], (2, E), 0, N, dtype=jnp.int32)
    W1 = jax.random.normal(k[2], (D, H), dtype=jnp.float32) * 0.05
    b1 = jnp.zeros((H,), jnp.float32)
    W2 = jax.random.normal(k[3], (H, H), dtype=jnp.float32) * 0.05
    b2 = jnp.zeros((H,), jnp.float32)
    Wl = jax.random.normal(k[4], (H, C), dtype=jnp.float32) * 0.05
    bl = jnp.zeros((C,), jnp.float32)
    return {"x": x, "edge_index": edge_index, "W1": W1, "b1": b1, "W2": W2, "b2": b2, "Wl": Wl, "bl": bl}


def reference(x, edge_index, W1, b1, W2, b2, Wl, bl):
    h = jax.nn.relu(gcn_conv(x, edge_index, W1, b1))
    h = jax.nn.relu(gcn_conv(h, edge_index, W2, b2))
    return h @ Wl + bl

if __name__ == "__main__":
    import jax
    _d = setup_inputs()
    print(jax.jit(kernel)(*tuple(_d.values())))

</pallas_src>

<mosaic_0001>
#map = affine_map<(d0, d1) -> (0, 0, 0)>
#map1 = affine_map<(d0, d1) -> (0, 0)>
module attributes {stable_mosaic.version = 14 : i64} {
  func.func @body(%arg0: i32, %arg1: i32, %arg2: memref<32x5x10240xf32, #tpu.memory_space<hbm>>, %arg3: memref<6x10240xf32, #tpu.memory_space<hbm>>, %arg4: memref<30x16xf32, #tpu.memory_space<hbm>>, %arg5: memref<6x10240xf32, #tpu.memory_space<hbm>>, %arg6: memref<6x320xf32, #tpu.memory_space<vmem>>, %arg7: memref<32x5x320xf32, #tpu.memory_space<vmem>>, %arg8: memref<30x16xf32, #tpu.memory_space<vmem>>, %arg9: memref<6x320xf32, #tpu.memory_space<vmem>>) attributes {dimension_semantics = [#tpu.dimension_semantics<core_parallel>, #tpu.dimension_semantics<subcore_parallel>], iteration_bounds = array<i64: 2, 16>, scalar_prefetch = 0 : i64, scratch_operands = 4 : i64, tpu.core_type = #tpu.core_type<sc_vector_subcore>, window_params = [{transform_indices = #map}, {transform_indices = #map1}, {transform_indices = #map1}, {transform_indices = #map1}]} {
    %mul3A = arith.constant 2 : i32
    %mul3A_0 = arith.muli %arg1, %mul3A : i32
    %add3A = arith.addi %mul3A_0, %arg0 : i32
    %mul3A_1 = arith.constant 320 : i32
    %mul3A_2 = arith.muli %add3A, %mul3A_1 : i32
    "tpu.region"() ({
      %run_scoped3A = tpu.sem_alloc : memref<!tpu.dma_semaphore, #tpu.memory_space<semaphore_mem>>
      %dma_start3A = arith.constant 0 : i32
      %dma_start3A_9 = tpu.memref_slice %arg3[%dma_start3A, %mul3A_2] : memref<6x10240xf32, #tpu.memory_space<hbm>> -> memref<6x320xf32, #tpu.memory_space<hbm>>
      %dma_start3A_10 = arith.constant 0 : i32
      %dma_start3A_11 = tpu.memref_slice %arg3[%dma_start3A_10, %mul3A_2] : memref<6x10240xf32, #tpu.memory_space<hbm>> -> memref<6x320xf32, #tpu.memory_space<hbm>>
      tpu.enqueue_dma source(%dma_start3A_11 : memref<6x320xf32, #tpu.memory_space<hbm>>) target(%arg6 : memref<6x320xf32, #tpu.memory_space<vmem>>) target_semaphore(%run_scoped3A : memref<!tpu.dma_semaphore, #tpu.memory_space<semaphore_mem>>)
      %dma_wait3A = arith.constant 0 : i32
      %dma_wait3A_12 = tpu.memref_slice %arg3[%dma_wait3A, %mul3A_2] : memref<6x10240xf32, #tpu.memory_space<hbm>> -> memref<6x320xf32, #tpu.memory_space<hbm>>
      %dma_wait3A_13 = arith.constant 0 : i32
      %dma_wait3A_14 = tpu.memref_slice %arg3[%dma_wait3A_13, %mul3A_2] : memref<6x10240xf32, #tpu.memory_space<hbm>> -> memref<6x320xf32, #tpu.memory_space<hbm>>
      tpu.wait_dma2 semaphore(%run_scoped3A : memref<!tpu.dma_semaphore, #tpu.memory_space<semaphore_mem>>) src(%dma_wait3A_14 : memref<6x320xf32, #tpu.memory_space<hbm>>) dst(%arg6 : memref<6x320xf32, #tpu.memory_space<vmem>>)
      tpu.yield
    }) : () -> ()
    "tpu.region"() ({
      %run_scoped3A = tpu.sem_alloc : memref<!tpu.dma_semaphore, #tpu.memory_space<semaphore_mem>>
      tpu.enqueue_dma source(%arg4 : memref<30x16xf32, #tpu.memory_space<hbm>>) target(%arg8 : memref<30x16xf32, #tpu.memory_space<vmem>>) target_semaphore(%run_scoped3A : memref<!tpu.dma_semaphore, #tpu.memory_space<semaphore_mem>>)
      tpu.wait_dma2 semaphore(%run_scoped3A : memref<!tpu.dma_semaphore, #tpu.memory_space<semaphore_mem>>) src(%arg4 : memref<30x16xf32, #tpu.memory_space<hbm>>) dst(%arg8 : memref<30x16xf32, #tpu.memory_space<vmem>>)
      tpu.yield
    }) : () -> ()
    "tpu.region"() ({
      %run_scoped3A = tpu.sem_alloc : memref<!tpu.dma_semaphore, #tpu.memory_space<semaphore_mem>>
      %dma_start3A = arith.constant 0 : i32
      %dma_start3A_9 = arith.constant 0 : i32
      %dma_start3A_10 = tpu.memref_slice %arg2[%dma_start3A, %dma_start3A_9, %mul3A_2] : memref<32x5x10240xf32, #tpu.memory_space<hbm>> -> memref<32x5x320xf32, #tpu.memory_space<hbm>>
      %dma_start3A_11 = arith.constant 0 : i32
      %dma_start3A_12 = arith.constant 0 : i32
      %dma_start3A_13 = tpu.memref_slice %arg2[%dma_start3A_11, %dma_start3A_12, %mul3A_2] : memref<32x5x10240xf32, #tpu.memory_space<hbm>> -> memref<32x5x320xf32, #tpu.memory_space<hbm>>
      tpu.enqueue_dma source(%dma_start3A_13 : memref<32x5x320xf32, #tpu.memory_space<hbm>>) target(%arg7 : memref<32x5x320xf32, #tpu.memory_space<vmem>>) target_semaphore(%run_scoped3A : memref<!tpu.dma_semaphore, #tpu.memory_space<semaphore_mem>>)
      %dma_wait3A = arith.constant 0 : i32
      %dma_wait3A_14 = arith.constant 0 : i32
      %dma_wait3A_15 = tpu.memref_slice %arg2[%dma_wait3A, %dma_wait3A_14, %mul3A_2] : memref<32x5x10240xf32, #tpu.memory_space<hbm>> -> memref<32x5x320xf32, #tpu.memory_space<hbm>>
      %dma_wait3A_16 = arith.constant 0 : i32
      %dma_wait3A_17 = arith.constant 0 : i32
      %dma_wait3A_18 = tpu.memref_slice %arg2[%dma_wait3A_16, %dma_wait3A_17, %mul3A_2] : memref<32x5x10240xf32, #tpu.memory_space<hbm>> -> memref<32x5x320xf32, #tpu.memory_space<hbm>>
      tpu.wait_dma2 semaphore(%run_scoped3A : memref<!tpu.dma_semaphore, #tpu.memory_space<semaphore_mem>>) src(%dma_wait3A_18 : memref<32x5x320xf32, #tpu.memory_space<hbm>>) dst(%arg7 : memref<32x5x320xf32, #tpu.memory_space<vmem>>)
      tpu.yield
    }) : () -> ()
    %iota3A = tpu.iota {dimensions = array<i32: 0>} : vector<16xi32>
    %scan3A = arith.constant 0 : i32
    %scan3A_3 = arith.constant 0 : i32
    %scan3A_4 = arith.constant 20 : i32
    %scan3A_5 = arith.addi %scan3A_3, %scan3A_4 : i32
    %scan3A_6 = arith.constant 1 : i32
    %scan3A_7 = scf.for %scan3A_9 = %scan3A_3 to %scan3A_5 step %scan3A_6 iter_args(%scan3A_10 = %scan3A) -> (i32)  : i32 {
      %mul3A_11 = arith.constant 16 : i32
      %mul3A_12 = arith.muli %scan3A_9, %mul3A_11 : i32
      %get3A = arith.constant 5 : i32
      %get3A_13 = arith.index_cast %get3A : i32 to index
      %get3A_14 = arith.index_cast %mul3A_12 : i32 to index
      %get3A_15 = tpu.vector_load %arg6[%get3A_13, %get3A_14] {strides = array<i32>} : memref<6x320xf32, #tpu.memory_space<vmem>>, vector<16xf32>,
      %mul3A_16 = arith.constant 16 : i32
      %mul3A_17 = arith.muli %scan3A_9, %mul3A_16 : i32
      %get3A_18 = arith.constant 0 : i32
      %get3A_19 = arith.index_cast %get3A_18 : i32 to index
      %get3A_20 = arith.index_cast %mul3A_17 : i32 to index
      %get3A_21 = tpu.vector_load %arg6[%get3A_19, %get3A_20] {strides = array<i32>} : memref<6x320xf32, #tpu.memory_space<vmem>>, vector<16xf32>,
      %mul3A_22 = arith.constant 16 : i32
      %mul3A_23 = arith.muli %scan3A_9, %mul3A_22 : i32
      %get3A_24 = arith.constant 1 : i32
      %get3A_25 = arith.index_cast %get3A_24 : i32 to index
      %get3A_26 = arith.index_cast %mul3A_23 : i32 to index
      %get3A_27 = tpu.vector_load %arg6[%get3A_25, %get3A_26] {strides = array<i32>} : memref<6x320xf32, #tpu.memory_space<vmem>>, vector<16xf32>,
      %mul3A_28 = arith.constant 16 : i32
      %mul3A_29 = arith.muli %scan3A_9, %mul3A_28 : i32
      %get3A_30 = arith.constant 2 : i32
      %get3A_31 = arith.index_cast %get3A_30 : i32 to index
      %get3A_32 = arith.index_cast %mul3A_29 : i32 to index
      %get3A_33 = tpu.vector_load %arg6[%get3A_31, %get3A_32] {strides = array<i32>} : memref<6x320xf32, #tpu.memory_space<vmem>>, vector<16xf32>,
      %mul3A_34 = arith.constant 16 : i32
      %mul3A_35 = arith.muli %scan3A_9, %mul3A_34 : i32
      %get3A_36 = arith.constant 3 : i32
      %get3A_37 = arith.index_cast %get3A_36 : i32 to index
      %get3A_38 = arith.index_cast %mul3A_35 : i32 to index
      %get3A_39 = tpu.vector_load %arg6[%get3A_37, %get3A_38] {strides = array<i32>} : memref<6x320xf32, #tpu.memory_space<vmem>>, vector<16xf32>,
      %mul3A_40 = arith.constant 16 : i32
      %mul3A_41 = arith.muli %scan3A_9, %mul3A_40 : i32
      %get3A_42 = arith.constant 4 : i32
      %get3A_43 = arith.index_cast %get3A_42 : i32 to index
      %get3A_44 = arith.index_cast %mul3A_41 : i32 to index
      %get3A_45 = tpu.vector_load %arg6[%get3A_43, %get3A_44] {strides = array<i32>} : memref<6x320xf32, #tpu.memory_space<vmem>>, vector<16xf32>,
      %scan3A_46 = arith.constant 0 : i32
      %scan3A_47 = arith.constant 32 : i32
      %scan3A_48 = arith.addi %scan3A_46, %scan3A_47 : i32
      %scan3A_49 = arith.constant 4 : i32
      %scan3A_50:5 = scf.for %scan3A_281 = %scan3A_46 to %scan3A_48 step %scan3A_49 iter_args(%scan3A_282 = %get3A_21, %scan3A_283 = %get3A_27, %scan3A_284 = %get3A_33, %scan3A_285 = %get3A_39, %scan3A_286 = %get3A_45) -> (vector<16xf32>, vector<16xf32>, vector<16xf32>, vector<16xf32>, vector<16xf32>)  : i32 {
        %mul3A_287 = arith.constant 16 : i32
        %mul3A_288 = arith.muli %scan3A_9, %mul3A_287 : i32
        %get3A_289 = arith.constant 0 : i32
        %get3A_290 = arith.index_cast %scan3A_281 : i32 to index
        %get3A_291 = arith.index_cast %get3A_289 : i32 to index
        %get3A_292 = arith.index_cast %mul3A_288 : i32 to index
        %get3A_293 = tpu.vector_load %arg7[%get3A_290, %get3A_291, %get3A_292] {strides = array<i32>} : memref<32x5x320xf32, #tpu.memory_space<vmem>>, vector<16xf32>,
        %add3A_294 = arith.addf %scan3A_282, %get3A_293 : vector<16xf32>
        %mul3A_295 = arith.constant 16 : i32
        %mul3A_296 = arith.muli %scan3A_9, %mul3A_295 : i32
        %get3A_297 = arith.constant 1 : i32
        %get3A_298 = arith.index_cast %scan3A_281 : i32 to index
        %get3A_299 = arith.index_cast %get3A_297 : i32 to index
        %get3A_300 = arith.index_cast %mul3A_296 : i32 to index
        %get3A_301 = tpu.vector_load %arg7[%get3A_298, %get3A_299, %get3A_300] {strides = array<i32>} : memref<32x5x320xf32, #tpu.memory_space<vmem>>, vector<16xf32>,
        %add3A_302 = arith.addf %scan3A_283, %get3A_301 : vector<16xf32>
        %mul3A_303 = arith.constant 16 : i32
        %mul3A_304 = arith.muli %scan3A_9, %mul3A_303 : i32
        %get3A_305 = arith.constant 2 : i32
        %get3A_306 = arith.index_cast %scan3A_281 : i32 to index
        %get3A_307 = arith.index_cast %get3A_305 : i32 to index
        %get3A_308 = arith.index_cast %mul3A_304 : i32 to index
        %get3A_309 = tpu.vector_load %arg7[%get3A_306, %get3A_307, %get3A_308] {strides = array<i32>} : memref<32x5x320xf32, #tpu.memory_space<vmem>>, vector<16xf32>,
        %add3A_310 = arith.addf %scan3A_284, %get3A_309 : vector<16xf32>
        %mul3A_311 = arith.constant 16 : i32
        %mul3A_312 = arith.muli %scan3A_9, %mul3A_311 : i32
        %get3A_313 = arith.constant 3 : i32
        %get3A_314 = arith.index_cast %scan3A_281 : i32 to index
        %get3A_315 = arith.index_cast %get3A_313 : i32 to index
        %get3A_316 = arith.index_cast %mul3A_312 : i32 to index
        %get3A_317 = tpu.vector_load %arg7[%get3A_314, %get3A_315, %get3A_316] {strides = array<i32>} : memref<32x5x320xf32, #tpu.memory_space<vmem>>, vector<16xf32>,
        %add3A_318 = arith.addf %scan3A_285, %get3A_317 : vector<16xf32>
        %mul3A_319 = arith.constant 16 : i32
        %mul3A_320 = arith.muli %scan3A_9, %mul3A_319 : i32
        %get3A_321 = arith.constant 4 : i32
        %get3A_322 = arith.index_cast %scan3A_281 : i32 to index
        %get3A_323 = arith.index_cast %get3A_321 : i32 to index
        %get3A_324 = arith.index_cast %mul3A_320 : i32 to index
        %get3A_325 = tpu.vector_load %arg7[%get3A_322, %get3A_323, %get3A_324] {strides = array<i32>} : memref<32x5x320xf32, #tpu.memory_space<vmem>>, vector<16xf32>,
        %add3A_326 = arith.addf %scan3A_286, %get3A_325 : vector<16xf32>
        %scan3A_327 = arith.constant 1 : i32
        %scan3A_328 = arith.addi %scan3A_281, %scan3A_327 : i32
        %mul3A_329 = arith.constant 16 : i32
        %mul3A_330 = arith.muli %scan3A_9, %mul3A_329 : i32
        %get3A_331 = arith.constant 0 : i32
        %get3A_332 = arith.index_cast %scan3A_328 : i32 to index
        %get3A_333 = arith.index_cast %get3A_331 : i32 to index
        %get3A_334 = arith.index_cast %mul3A_330 : i32 to index
        %get3A_335 = tpu.vector_load %arg7[%get3A_332, %get3A_333, %get3A_334] {strides = array<i32>} : memref<32x5x320xf32, #tpu.memory_space<vmem>>, vector<16xf32>,
        %add3A_336 = arith.addf %add3A_294, %get3A_335 : vector<16xf32>
        %mul3A_337 = arith.constant 16 : i32
        %mul3A_338 = arith.muli %scan3A_9, %mul3A_337 : i32
        %get3A_339 = arith.constant 1 : i32
        %get3A_340 = arith.index_cast %scan3A_328 : i32 to index
        %get3A_341 = arith.index_cast %get3A_339 : i32 to index
        %get3A_342 = arith.index_cast %mul3A_338 : i32 to index
        %get3A_343 = tpu.vector_load %arg7[%get3A_340, %get3A_341, %get3A_342] {strides = array<i32>} : memref<32x5x320xf32, #tpu.memory_space<vmem>>, vector<16xf32>,
        %add3A_344 = arith.addf %add3A_302, %get3A_343 : vector<16xf32>
        %mul3A_345 = arith.constant 16 : i32
        %mul3A_346 = arith.muli %scan3A_9, %mul3A_345 : i32
        %get3A_347 = arith.constant 2 : i32
        %get3A_348 = arith.index_cast %scan3A_328 : i32 to index
        %get3A_349 = arith.index_cast %get3A_347 : i32 to index
        %get3A_350 = arith.index_cast %mul3A_346 : i32 to index
        %get3A_351 = tpu.vector_load %arg7[%get3A_348, %get3A_349, %get3A_350] {strides = array<i32>} : memref<32x5x320xf32, #tpu.memory_space<vmem>>, vector<16xf32>,
        %add3A_352 = arith.addf %add3A_310, %get3A_351 : vector<16xf32>
        %mul3A_353 = arith.constant 16 : i32
        %mul3A_354 = arith.muli %scan3A_9, %mul3A_353 : i32
        %get3A_355 = arith.constant 3 : i32
        %get3A_356 = arith.index_cast %scan3A_328 : i32 to index
        %get3A_357 = arith.index_cast %get3A_355 : i32 to index
        %get3A_358 = arith.index_cast %mul3A_354 : i32 to index
        %get3A_359 = tpu.vector_load %arg7[%get3A_356, %get3A_357, %get3A_358] {strides = array<i32>} : memref<32x5x320xf32, #tpu.memory_space<vmem>>, vector<16xf32>,
        %add3A_360 = arith.addf %add3A_318, %get3A_359 : vector<16xf32>
        %mul3A_361 = arith.constant 16 : i32
        %mul3A_362 = arith.muli %scan3A_9, %mul3A_361 : i32
        %get3A_363 = arith.constant 4 : i32
        %get3A_364 = arith.index_cast %scan3A_328 : i32 to index
        %get3A_365 = arith.index_cast %get3A_363 : i32 to index
        %get3A_366 = arith.index_cast %mul3A_362 : i32 to index
        %get3A_367 = tpu.vector_load %arg7[%get3A_364, %get3A_365, %get3A_366] {strides = array<i32>} : memref<32x5x320xf32, #tpu.memory_space<vmem>>, vector<16xf32>,
        %add3A_368 = arith.addf %add3A_326, %get3A_367 : vector<16xf32>
        %scan3A_369 = arith.constant 2 : i32
        %scan3A_370 = arith.addi %scan3A_281, %scan3A_369 : i32
        %mul3A_371 = arith.constant 16 : i32
        %mul3A_372 = arith.muli %scan3A_9, %mul3A_371 : i32
        %get3A_373 = arith.constant 0 : i32
        %get3A_374 = arith.index_cast %scan3A_370 : i32 to index
        %get3A_375 = arith.index_cast %get3A_373 : i32 to index
        %get3A_376 = arith.index_cast %mul3A_372 : i32 to index
        %get3A_377 = tpu.vector_load %arg7[%get3A_374, %get3A_375, %get3A_376] {strides = array<i32>} : memref<32x5x320xf32, #tpu.memory_space<vmem>>, vector<16xf32>,
        %add3A_378 = arith.addf %add3A_336, %get3A_377 : vector<16xf32>
        %mul3A_379 = arith.constant 16 : i32
        %mul3A_380 = arith.muli %scan3A_9, %mul3A_379 : i32
        %get3A_381 = arith.constant 1 : i32
        %get3A_382 = arith.index_cast %scan3A_370 : i32 to index
        %get3A_383 = arith.index_cast %get3A_381 : i32 to index
        %get3A_384 = arith.index_cast %mul3A_380 : i32 to index
        %get3A_385 = tpu.vector_load %arg7[%get3A_382, %get3A_383, %get3A_384] {strides = array<i32>} : memref<32x5x320xf32, #tpu.memory_space<vmem>>, vector<16xf32>,
        %add3A_386 = arith.addf %add3A_344, %get3A_385 : vector<16xf32>
        %mul3A_387 = arith.constant 16 : i32
        %mul3A_388 = arith.muli %scan3A_9, %mul3A_387 : i32
        %get3A_389 = arith.constant 2 : i32
        %get3A_390 = arith.index_cast %scan3A_370 : i32 to index
        %get3A_391 = arith.index_cast %get3A_389 : i32 to index
        %get3A_392 = arith.index_cast %mul3A_388 : i32 to index
        %get3A_393 = tpu.vector_load %arg7[%get3A_390, %get3A_391, %get3A_392] {strides = array<i32>} : memref<32x5x320xf32, #tpu.memory_space<vmem>>, vector<16xf32>,
        %add3A_394 = arith.addf %add3A_352, %get3A_393 : vector<16xf32>
        %mul3A_395 = arith.constant 16 : i32
        %mul3A_396 = arith.muli %scan3A_9, %mul3A_395 : i32
        %get3A_397 = arith.constant 3 : i32
        %get3A_398 = arith.index_cast %scan3A_370 : i32 to index
        %get3A_399 = arith.index_cast %get3A_397 : i32 to index
        %get3A_400 = arith.index_cast %mul3A_396 : i32 to index
        %get3A_401 = tpu.vector_load %arg7[%get3A_398, %get3A_399, %get3A_400] {strides = array<i32>} : memref<32x5x320xf32, #tpu.memory_space<vmem>>, vector<16xf32>,
        %add3A_402 = arith.addf %add3A_360, %get3A_401 : vector<16xf32>
        %mul3A_403 = arith.constant 16 : i32
        %mul3A_404 = arith.muli %scan3A_9, %mul3A_403 : i32
        %get3A_405 = arith.constant 4 : i32
        %get3A_406 = arith.index_cast %scan3A_370 : i32 to index
        %get3A_407 = arith.index_cast %get3A_405 : i32 to index
        %get3A_408 = arith.index_cast %mul3A_404 : i32 to index
        %get3A_409 = tpu.vector_load %arg7[%get3A_406, %get3A_407, %get3A_408] {strides = array<i32>} : memref<32x5x320xf32, #tpu.memory_space<vmem>>, vector<16xf32>,
        %add3A_410 = arith.addf %add3A_368, %get3A_409 : vector<16xf32>
        %scan3A_411 = arith.constant 3 : i32
        %scan3A_412 = arith.addi %scan3A_281, %scan3A_411 : i32
        %mul3A_413 = arith.constant 16 : i32
        %mul3A_414 = arith.muli %scan3A_9, %mul3A_413 : i32
        %get3A_415 = arith.constant 0 : i32
        %get3A_416 = arith.index_cast %scan3A_412 : i32 to index
        %get3A_417 = arith.index_cast %get3A_415 : i32 to index
        %get3A_418 = arith.index_cast %mul3A_414 : i32 to index
        %get3A_419 = tpu.vector_load %arg7[%get3A_416, %get3A_417, %get3A_418] {strides = array<i32>} : memref<32x5x320xf32, #tpu.memory_space<vmem>>, vector<16xf32>,
        %add3A_420 = arith.addf %add3A_378, %get3A_419 : vector<16xf32>
        %mul3A_421 = arith.constant 16 : i32
        %mul3A_422 = arith.muli %scan3A_9, %mul3A_421 : i32
        %get3A_423 = arith.constant 1 : i32
        %get3A_424 = arith.index_cast %scan3A_412 : i32 to index
        %get3A_425 = arith.index_cast %get3A_423 : i32 to index
        %get3A_426 = arith.index_cast %mul3A_422 : i32 to index
        %get3A_427 = tpu.vector_load %arg7[%get3A_424, %get3A_425, %get3A_426] {strides = array<i32>} : memref<32x5x320xf32, #tpu.memory_space<vmem>>, vector<16xf32>,
        %add3A_428 = arith.addf %add3A_386, %get3A_427 : vector<16xf32>
        %mul3A_429 = arith.constant 16 : i32
        %mul3A_430 = arith.muli %scan3A_9, %mul3A_429 : i32
        %get3A_431 = arith.constant 2 : i32
        %get3A_432 = arith.index_cast %scan3A_412 : i32 to index
        %get3A_433 = arith.index_cast %get3A_431 : i32 to index
        %get3A_434 = arith.index_cast %mul3A_430 : i32 to index
        %get3A_435 = tpu.vector_load %arg7[%get3A_432, %get3A_433, %get3A_434] {strides = array<i32>} : memref<32x5x320xf32, #tpu.memory_space<vmem>>, vector<16xf32>,
        %add3A_436 = arith.addf %add3A_394, %get3A_435 : vector<16xf32>
        %mul3A_437 = arith.constant 16 : i32
        %mul3A_438 = arith.muli %scan3A_9, %mul3A_437 : i32
        %get3A_439 = arith.constant 3 : i32
        %get3A_440 = arith.index_cast %scan3A_412 : i32 to index
        %get3A_441 = arith.index_cast %get3A_439 : i32 to index
        %get3A_442 = arith.index_cast %mul3A_438 : i32 to index
        %get3A_443 = tpu.vector_load %arg7[%get3A_440, %get3A_441, %get3A_442] {strides = array<i32>} : memref<32x5x320xf32, #tpu.memory_space<vmem>>, vector<16xf32>,
        %add3A_444 = arith.addf %add3A_402, %get3A_443 : vector<16xf32>
        %mul3A_445 = arith.constant 16 : i32
        %mul3A_446 = arith.muli %scan3A_9, %mul3A_445 : i32
        %get3A_447 = arith.constant 4 : i32
        %get3A_448 = arith.index_cast %scan3A_412 : i32 to index
        %get3A_449 = arith.index_cast %get3A_447 : i32 to index
        %get3A_450 = arith.index_cast %mul3A_446 : i32 to index
        %get3A_451 = tpu.vector_load %arg7[%get3A_448, %get3A_449, %get3A_450] {strides = array<i32>} : memref<32x5x320xf32, #tpu.memory_space<vmem>>, vector<16xf32>,
        %add3A_452 = arith.addf %add3A_410, %get3A_451 : vector<16xf32>
        scf.yield %add3A_420, %add3A_428, %add3A_436, %add3A_444, %add3A_452 : vector<16xf32>, vector<16xf32>, vector<16xf32>, vector<16xf32>, vector<16xf32>
      }
      %scan3A_51 = arith.constant 32 : i32
      %mul3A_52 = arith.mulf %scan3A_50#0, %get3A_15 : vector<16xf32>
      %get3A_53 = arith.constant 25 : i32
      %get3A_54 = arith.index_cast %get3A_53 : i32 to index
      %get3A_55 = arith.constant 0 : index
      %get3A_56 = tpu.vector_load %arg8[%get3A_54, %get3A_55] {strides = array<i32>} : memref<30x16xf32, #tpu.memory_space<vmem>>, vector<16xf32>,
      %add3A_57 = arith.addf %mul3A_52, %get3A_56 : vector<16xf32>
      %broadcast_in_dim3A = arith.constant 0.000000e+00 : f32
      %broadcast_in_dim3A_58 = vector.broadcast %broadcast_in_dim3A : f32 to vector<16xf32>
      %max3A = arith.maximumf %add3A_57, %broadcast_in_dim3A_58 : vector<16xf32>
      %mul3A_59 = arith.mulf %scan3A_50#1, %get3A_15 : vector<16xf32>
      %get3A_60 = arith.constant 26 : i32
      %get3A_61 = arith.index_cast %get3A_60 : i32 to index
      %get3A_62 = arith.constant 0 : index
      %get3A_63 = tpu.vector_load %arg8[%get3A_61, %get3A_62] {strides = array<i32>} : memref<30x16xf32, #tpu.memory_space<vmem>>, vector<16xf32>,
      %add3A_64 = arith.addf %mul3A_59, %get3A_63 : vector<16xf32>
      %broadcast_in_dim3A_65 = arith.constant 0.000000e+00 : f32
      %broadcast_in_dim3A_66 = vector.broadcast %broadcast_in_dim3A_65 : f32 to vector<16xf32>
      %max3A_67 = arith.maximumf %add3A_64, %broadcast_in_dim3A_66 : vector<16xf32>
      %mul3A_68 = arith.mulf %scan3A_50#2, %get3A_15 : vector<16xf32>
      %get3A_69 = arith.constant 27 : i32
      %get3A_70 = arith.index_cast %get3A_69 : i32 to index
      %get3A_71 = arith.constant 0 : index
      %get3A_72 = tpu.vector_load %arg8[%get3A_70, %get3A_71] {strides = array<i32>} : memref<30x16xf32, #tpu.memory_space<vmem>>, vector<16xf32>,
      %add3A_73 = arith.addf %mul3A_68, %get3A_72 : vector<16xf32>
      %broadcast_in_dim3A_74 = arith.constant 0.000000e+00 : f32
      %broadcast_in_dim3A_75 = vector.broadcast %broadcast_in_dim3A_74 : f32 to vector<16xf32>
      %max3A_76 = arith.maximumf %add3A_73, %broadcast_in_dim3A_75 : vector<16xf32>
      %mul3A_77 = arith.mulf %scan3A_50#3, %get3A_15 : vector<16xf32>
      %get3A_78 = arith.constant 28 : i32
      %get3A_79 = arith.index_cast %get3A_78 : i32 to index
      %get3A_80 = arith.constant 0 : index
      %get3A_81 = tpu.vector_load %arg8[%get3A_79, %get3A_80] {strides = array<i32>} : memref<30x16xf32, #tpu.memory_space<vmem>>, vector<16xf32>,
      %add3A_82 = arith.addf %mul3A_77, %get3A_81 : vector<16xf32>
      %broadcast_in_dim3A_83 = arith.constant 0.000000e+00 : f32
      %broadcast_in_dim3A_84 = vector.broadcast %broadcast_in_dim3A_83 : f32 to vector<16xf32>
      %max3A_85 = arith.maximumf %add3A_82, %broadcast_in_dim3A_84 : vector<16xf32>
      %mul3A_86 = arith.mulf %scan3A_50#4, %get3A_15 : vector<16xf32>
      %get3A_87 = arith.constant 29 : i32
      %get3A_88 = arith.index_cast %get3A_87 : i32 to index
      %get3A_89 = arith.constant 0 : index
      %get3A_90 = tpu.vector_load %arg8[%get3A_88, %get3A_89] {strides = array<i32>} : memref<30x16xf32, #tpu.memory_space<vmem>>, vector<16xf32>,
      %add3A_91 = arith.addf %mul3A_86, %get3A_90 : vector<16xf32>
      %broadcast_in_dim3A_92 = arith.constant 0.000000e+00 : f32
      %broadcast_in_dim3A_93 = vector.broadcast %broadcast_in_dim3A_92 : f32 to vector<16xf32>
      %max3A_94 = arith.maximumf %add3A_91, %broadcast_in_dim3A_93 : vector<16xf32>
      %get3A_95 = arith.constant 0 : i32
      %get3A_96 = arith.index_cast %get3A_95 : i32 to index
      %get3A_97 = arith.constant 0 : index
      %get3A_98 = tpu.vector_load %arg8[%get3A_96, %get3A_97] {strides = array<i32>} : memref<30x16xf32, #tpu.memory_space<vmem>>, vector<16xf32>,
      %mul3A_99 = arith.mulf %max3A, %get3A_98 : vector<16xf32>
      %get3A_100 = arith.constant 5 : i32
      %get3A_101 = arith.index_cast %get3A_100 : i32 to index
      %get3A_102 = arith.constant 0 : index
      %get3A_103 = tpu.vector_load %arg8[%get3A_101, %get3A_102] {strides = array<i32>} : memref<30x16xf32, #tpu.memory_space<vmem>>, vector<16xf32>,
      %mul3A_104 = arith.mulf %max3A_67, %get3A_103 : vector<16xf32>
      %add3A_105 = arith.addf %mul3A_99, %mul3A_104 : vector<16xf32>
      %get3A_106 = arith.constant 10 : i32
      %get3A_107 = arith.index_cast %get3A_106 : i32 to index
      %get3A_108 = arith.constant 0 : index
      %get3A_109 = tpu.vector_load %arg8[%get3A_107, %get3A_108] {strides = array<i32>} : memref<30x16xf32, #tpu.memory_space<vmem>>, vector<16xf32>,
      %mul3A_110 = arith.mulf %max3A_76, %get3A_109 : vector<16xf32>
      %add3A_111 = arith.addf %add3A_105, %mul3A_110 : vector<16xf32>
      %get3A_112 = arith.constant 15 : i32
      %get3A_113 = arith.index_cast %get3A_112 : i32 to index
      %get3A_114 = arith.constant 0 : index
      %get3A_115 = tpu.vector_load %arg8[%get3A_113, %get3A_114] {strides = array<i32>} : memref<30x16xf32, #tpu.memory_space<vmem>>, vector<16xf32>,
      %mul3A_116 = arith.mulf %max3A_85, %get3A_115 : vector<16xf32>
      %add3A_117 = arith.addf %add3A_111, %mul3A_116 : vector<16xf32>
      %get3A_118 = arith.constant 20 : i32
      %get3A_119 = arith.index_cast %get3A_118 : i32 to index
      %get3A_120 = arith.constant 0 : index
      %get3A_121 = tpu.vector_load %arg8[%get3A_119, %get3A_120] {strides = array<i32>} : memref<30x16xf32, #tpu.memory_space<vmem>>, vector<16xf32>,
      %mul3A_122 = arith.mulf %max3A_94, %get3A_121 : vector<16xf32>
      %add3A_123 = arith.addf %add3A_117, %mul3A_122 : vector<16xf32>
      %mul3A_124 = arith.mulf %add3A_123, %get3A_15 : vector<16xf32>
      %mul3A_125 = arith.constant 16 : i32
      %mul3A_126 = arith.muli %scan3A_9, %mul3A_125 : i32
      %swap3A = arith.constant 0 : i32
      %swap3A_127 = arith.index_cast %swap3A : i32 to index
      %swap3A_128 = arith.index_cast %mul3A_126 : i32 to index
      %swap3A_129 = tpu.vector_load %arg9[%swap3A_127, %swap3A_128] {strides = array<i32>} : memref<6x320xf32, #tpu.memory_space<vmem>>, vector<16xf32>,
      tpu.vector_store %arg9[%swap3A_127, %swap3A_128], %mul3A_124 {strides = array<i32>} : memref<6x320xf32, #tpu.memory_space<vmem>>, vector<16xf32>,
      %get3A_130 = arith.constant 1 : i32
      %get3A_131 = arith.index_cast %get3A_130 : i32 to index
      %get3A_132 = arith.constant 0 : index
      %get3A_133 = tpu.vector_load %arg8[%get3A_131, %get3A_132] {strides = array<i32>} : memref<30x16xf32, #tpu.memory_space<vmem>>, vector<16xf32>,
      %mul3A_134 = arith.mulf %max3A, %get3A_133 : vector<16xf32>
      %get3A_135 = arith.constant 6 : i32
      %get3A_136 = arith.index_cast %get3A_135 : i32 to index
      %get3A_137 = arith.constant 0 : index
      %get3A_138 = tpu.vector_load %arg8[%get3A_136, %get3A_137] {strides = array<i32>} : memref<30x16xf32, #tpu.memory_space<vmem>>, vector<16xf32>,
      %mul3A_139 = arith.mulf %max3A_67, %get3A_138 : vector<16xf32>
      %add3A_140 = arith.addf %mul3A_134, %mul3A_139 : vector<16xf32>
      %get3A_141 = arith.constant 11 : i32
      %get3A_142 = arith.index_cast %get3A_141 : i32 to index
      %get3A_143 = arith.constant 0 : index
      %get3A_144 = tpu.vector_load %arg8[%get3A_142, %get3A_143] {strides = array<i32>} : memref<30x16xf32, #tpu.memory_space<vmem>>, vector<16xf32>,
      %mul3A_145 = arith.mulf %max3A_76, %get3A_144 : vector<16xf32>
      %add3A_146 = arith.addf %add3A_140, %mul3A_145 : vector<16xf32>
      %get3A_147 = arith.constant 16 : i32
      %get3A_148 = arith.index_cast %get3A_147 : i32 to index
      %get3A_149 = arith.constant 0 : index
      %get3A_150 = tpu.vector_load %arg8[%get3A_148, %get3A_149] {strides = array<i32>} : memref<30x16xf32, #tpu.memory_space<vmem>>, vector<16xf32>,
      %mul3A_151 = arith.mulf %max3A_85, %get3A_150 : vector<16xf32>
      %add3A_152 = arith.addf %add3A_146, %mul3A_151 : vector<16xf32>
      %get3A_153 = arith.constant 21 : i32
      %get3A_154 = arith.index_cast %get3A_153 : i32 to index
      %get3A_155 = arith.constant 0 : index
      %get3A_156 = tpu.vector_load %arg8[%get3A_154, %get3A_155] {strides = array<i32>} : memref<30x16xf32, #tpu.memory_space<vmem>>, vector<16xf32>,
      %mul3A_157 = arith.mulf %max3A_94, %get3A_156 : vector<16xf32>
      %add3A_158 = arith.addf %add3A_152, %mul3A_157 : vector<16xf32>
      %mul3A_159 = arith.mulf %add3A_158, %get3A_15 : vector<16xf32>
      %mul3A_160 = arith.constant 16 : i32
      %mul3A_161 = arith.muli %scan3A_9, %mul3A_160 : i32
      %swap3A_162 = arith.constant 1 : i32
      %swap3A_163 = arith.index_cast %swap3A_162 : i32 to index
      %swap3A_164 = arith.index_cast %mul3A_161 : i32 to index
      %swap3A_165 = tpu.vector_load %arg9[%swap3A_163, %swap3A_164] {strides = array<i32>} : memref<6x320xf32, #tpu.memory_space<vmem>>, vector<16xf32>,
      tpu.vector_store %arg9[%swap3A_163, %swap3A_164], %mul3A_159 {strides = array<i32>} : memref<6x320xf32, #tpu.memory_space<vmem>>, vector<16xf32>,
      %get3A_166 = arith.constant 2 : i32
      %get3A_167 = arith.index_cast %get3A_166 : i32 to index
      %get3A_168 = arith.constant 0 : index
      %get3A_169 = tpu.vector_load %arg8[%get3A_167, %get3A_168] {strides = array<i32>} : memref<30x16xf32, #tpu.memory_space<vmem>>, vector<16xf32>,
      %mul3A_170 = arith.mulf %max3A, %get3A_169 : vector<16xf32>
      %get3A_171 = arith.constant 7 : i32
      %get3A_172 = arith.index_cast %get3A_171 : i32 to index
      %get3A_173 = arith.constant 0 : index
      %get3A_174 = tpu.vector_load %arg8[%get3A_172, %get3A_173] {strides = array<i32>} : memref<30x16xf32, #tpu.memory_space<vmem>>, vector<16xf32>,
      %mul3A_175 = arith.mulf %max3A_67, %get3A_174 : vector<16xf32>
      %add3A_176 = arith.addf %mul3A_170, %mul3A_175 : vector<16xf32>
      %get3A_177 = arith.constant 12 : i32
      %get3A_178 = arith.index_cast %get3A_177 : i32 to index
      %get3A_179 = arith.constant 0 : index
      %get3A_180 = tpu.vector_load %arg8[%get3A_178, %get3A_179] {strides = array<i32>} : memref<30x16xf32, #tpu.memory_space<vmem>>, vector<16xf32>,
      %mul3A_181 = arith.mulf %max3A_76, %get3A_180 : vector<16xf32>
      %add3A_182 = arith.addf %add3A_176, %mul3A_181 : vector<16xf32>
      %get3A_183 = arith.constant 17 : i32
      %get3A_184 = arith.index_cast %get3A_183 : i32 to index
      %get3A_185 = arith.constant 0 : index
      %get3A_186 = tpu.vector_load %arg8[%get3A_184, %get3A_185] {strides = array<i32>} : memref<30x16xf32, #tpu.memory_space<vmem>>, vector<16xf32>,
      %mul3A_187 = arith.mulf %max3A_85, %get3A_186 : vector<16xf32>
      %add3A_188 = arith.addf %add3A_182, %mul3A_187 : vector<16xf32>
      %get3A_189 = arith.constant 22 : i32
      %get3A_190 = arith.index_cast %get3A_189 : i32 to index
      %get3A_191 = arith.constant 0 : index
      %get3A_192 = tpu.vector_load %arg8[%get3A_190, %get3A_191] {strides = array<i32>} : memref<30x16xf32, #tpu.memory_space<vmem>>, vector<16xf32>,
      %mul3A_193 = arith.mulf %max3A_94, %get3A_192 : vector<16xf32>
      %add3A_194 = arith.addf %add3A_188, %mul3A_193 : vector<16xf32>
      %mul3A_195 = arith.mulf %add3A_194, %get3A_15 : vector<16xf32>
      %mul3A_196 = arith.constant 16 : i32
      %mul3A_197 = arith.muli %scan3A_9, %mul3A_196 : i32
      %swap3A_198 = arith.constant 2 : i32
      %swap3A_199 = arith.index_cast %swap3A_198 : i32 to index
      %swap3A_200 = arith.index_cast %mul3A_197 : i32 to index
      %swap3A_201 = tpu.vector_load %arg9[%swap3A_199, %swap3A_200] {strides = array<i32>} : memref<6x320xf32, #tpu.memory_space<vmem>>, vector<16xf32>,
      tpu.vector_store %arg9[%swap3A_199, %swap3A_200], %mul3A_195 {strides = array<i32>} : memref<6x320xf32, #tpu.memory_space<vmem>>, vector<16xf32>,
      %get3A_202 = arith.constant 3 : i32
      %get3A_203 = arith.index_cast %get3A_202 : i32 to index
      %get3A_204 = arith.constant 0 : index
      %get3A_205 = tpu.vector_load %arg8[%get3A_203, %get3A_204] {strides = array<i32>} : memref<30x16xf32, #tpu.memory_space<vmem>>, vector<16xf32>,
      %mul3A_206 = arith.mulf %max3A, %get3A_205 : vector<16xf32>
      %get3A_207 = arith.constant 8 : i32
      %get3A_208 = arith.index_cast %get3A_207 : i32 to index
      %get3A_209 = arith.constant 0 : index
      %get3A_210 = tpu.vector_load %arg8[%get3A_208, %get3A_209] {strides = array<i32>} : memref<30x16xf32, #tpu.memory_space<vmem>>, vector<16xf32>,
      %mul3A_211 = arith.mulf %max3A_67, %get3A_210 : vector<16xf32>
      %add3A_212 = arith.addf %mul3A_206, %mul3A_211 : vector<16xf32>
      %get3A_213 = arith.constant 13 : i32
      %get3A_214 = arith.index_cast %get3A_213 : i32 to index
      %get3A_215 = arith.constant 0 : index
      %get3A_216 = tpu.vector_load %arg8[%get3A_214, %get3A_215] {strides = array<i32>} : memref<30x16xf32, #tpu.memory_space<vmem>>, vector<16xf32>,
      %mul3A_217 = arith.mulf %max3A_76, %get3A_216 : vector<16xf32>
      %add3A_218 = arith.addf %add3A_212, %mul3A_217 : vector<16xf32>
      %get3A_219 = arith.constant 18 : i32
      %get3A_220 = arith.index_cast %get3A_219 : i32 to index
      %get3A_221 = arith.constant 0 : index
      %get3A_222 = tpu.vector_load %arg8[%get3A_220, %get3A_221] {strides = array<i32>} : memref<30x16xf32, #tpu.memory_space<vmem>>, vector<16xf32>,
      %mul3A_223 = arith.mulf %max3A_85, %get3A_222 : vector<16xf32>
      %add3A_224 = arith.addf %add3A_218, %mul3A_223 : vector<16xf32>
      %get3A_225 = arith.constant 23 : i32
      %get3A_226 = arith.index_cast %get3A_225 : i32 to index
      %get3A_227 = arith.constant 0 : index
      %get3A_228 = tpu.vector_load %arg8[%get3A_226, %get3A_227] {strides = array<i32>} : memref<30x16xf32, #tpu.memory_space<vmem>>, vector<16xf32>,
      %mul3A_229 = arith.mulf %max3A_94, %get3A_228 : vector<16xf32>
      %add3A_230 = arith.addf %add3A_224, %mul3A_229 : vector<16xf32>
      %mul3A_231 = arith.mulf %add3A_230, %get3A_15 : vector<16xf32>
      %mul3A_232 = arith.constant 16 : i32
      %mul3A_233 = arith.muli %scan3A_9, %mul3A_232 : i32
      %swap3A_234 = arith.constant 3 : i32
      %swap3A_235 = arith.index_cast %swap3A_234 : i32 to index
      %swap3A_236 = arith.index_cast %mul3A_233 : i32 to index
      %swap3A_237 = tpu.vector_load %arg9[%swap3A_235, %swap3A_236] {strides = array<i32>} : memref<6x320xf32, #tpu.memory_space<vmem>>, vector<16xf32>,
      tpu.vector_store %arg9[%swap3A_235, %swap3A_236], %mul3A_231 {strides = array<i32>} : memref<6x320xf32, #tpu.memory_space<vmem>>, vector<16xf32>,
      %get3A_238 = arith.constant 4 : i32
      %get3A_239 = arith.index_cast %get3A_238 : i32 to index
      %get3A_240 = arith.constant 0 : index
      %get3A_241 = tpu.vector_load %arg8[%get3A_239, %get3A_240] {strides = array<i32>} : memref<30x16xf32, #tpu.memory_space<vmem>>, vector<16xf32>,
      %mul3A_242 = arith.mulf %max3A, %get3A_241 : vector<16xf32>
      %get3A_243 = arith.constant 9 : i32
      %get3A_244 = arith.index_cast %get3A_243 : i32 to index
      %get3A_245 = arith.constant 0 : index
      %get3A_246 = tpu.vector_load %arg8[%get3A_244, %get3A_245] {strides = array<i32>} : memref<30x16xf32, #tpu.memory_space<vmem>>, vector<16xf32>,
      %mul3A_247 = arith.mulf %max3A_67, %get3A_246 : vector<16xf32>
      %add3A_248 = arith.addf %mul3A_242, %mul3A_247 : vector<16xf32>
      %get3A_249 = arith.constant 14 : i32
      %get3A_250 = arith.index_cast %get3A_249 : i32 to index
      %get3A_251 = arith.constant 0 : index
      %get3A_252 = tpu.vector_load %arg8[%get3A_250, %get3A_251] {strides = array<i32>} : memref<30x16xf32, #tpu.memory_space<vmem>>, vector<16xf32>,
      %mul3A_253 = arith.mulf %max3A_76, %get3A_252 : vector<16xf32>
      %add3A_254 = arith.addf %add3A_248, %mul3A_253 : vector<16xf32>
      %get3A_255 = arith.constant 19 : i32
      %get3A_256 = arith.index_cast %get3A_255 : i32 to index
      %get3A_257 = arith.constant 0 : index
      %get3A_258 = tpu.vector_load %arg8[%get3A_256, %get3A_257] {strides = array<i32>} : memref<30x16xf32, #tpu.memory_space<vmem>>, vector<16xf32>,
      %mul3A_259 = arith.mulf %max3A_85, %get3A_258 : vector<16xf32>
      %add3A_260 = arith.addf %add3A_254, %mul3A_259 : vector<16xf32>
      %get3A_261 = arith.constant 24 : i32
      %get3A_262 = arith.index_cast %get3A_261 : i32 to index
      %get3A_263 = arith.constant 0 : index
      %get3A_264 = tpu.vector_load %arg8[%get3A_262, %get3A_263] {strides = array<i32>} : memref<30x16xf32, #tpu.memory_space<vmem>>, vector<16xf32>,
      %mul3A_265 = arith.mulf %max3A_94, %get3A_264 : vector<16xf32>
      %add3A_266 = arith.addf %add3A_260, %mul3A_265 : vector<16xf32>
      %mul3A_267 = arith.mulf %add3A_266, %get3A_15 : vector<16xf32>
      %mul3A_268 = arith.constant 16 : i32
      %mul3A_269 = arith.muli %scan3A_9, %mul3A_268 : i32
      %swap3A_270 = arith.constant 4 : i32
      %swap3A_271 = arith.index_cast %swap3A_270 : i32 to index
      %swap3A_272 = arith.index_cast %mul3A_269 : i32 to index
      %swap3A_273 = tpu.vector_load %arg9[%swap3A_271, %swap3A_272] {strides = array<i32>} : memref<6x320xf32, #tpu.memory_space<vmem>>, vector<16xf32>,
      tpu.vector_store %arg9[%swap3A_271, %swap3A_272], %mul3A_267 {strides = array<i32>} : memref<6x320xf32, #tpu.memory_space<vmem>>, vector<16xf32>,
      %mul3A_274 = arith.constant 16 : i32
      %mul3A_275 = arith.muli %scan3A_9, %mul3A_274 : i32
      %swap3A_276 = arith.constant 5 : i32
      %swap3A_277 = arith.index_cast %swap3A_276 : i32 to index
      %swap3A_278 = arith.index_cast %mul3A_275 : i32 to index
      %swap3A_279 = tpu.vector_load %arg9[%swap3A_277, %swap3A_278] {strides = array<i32>} : memref<6x320xf32, #tpu.memory_space<vmem>>, vector<16xf32>,
      tpu.vector_store %arg9[%swap3A_277, %swap3A_278], %get3A_15 {strides = array<i32>} : memref<6x320xf32, #tpu.memory_space<vmem>>, vector<16xf32>,
      %scan3A_280 = arith.constant 0 : i32
      scf.yield %scan3A_280 : i32
    }
    %scan3A_8 = arith.constant 20 : i32
    "tpu.region"() ({
      %run_scoped3A = tpu.sem_alloc : memref<!tpu.dma_semaphore, #tpu.memory_space<semaphore_mem>>
      %dma_start3A = arith.constant 0 : i32
      %dma_start3A_9 = tpu.memref_slice %arg5[%dma_start3A, %mul3A_2] : memref<6x10240xf32, #tpu.memory_space<hbm>> -> memref<6x320xf32, #tpu.memory_space<hbm>>
      %dma_start3A_10 = arith.constant 0 : i32
      %dma_start3A_11 = tpu.memref_slice %arg5[%dma_start3A_10, %mul3A_2] : memref<6x10240xf32, #tpu.memory_space<hbm>> -> memref<6x320xf32, #tpu.memory_space<hbm>>
      tpu.enqueue_dma source(%arg9 : memref<6x320xf32, #tpu.memory_space<vmem>>) target(%dma_start3A_11 : memref<6x320xf32, #tpu.memory_space<hbm>>) target_semaphore(%run_scoped3A : memref<!tpu.dma_semaphore, #tpu.memory_space<semaphore_mem>>)
      %dma_wait3A = arith.constant 0 : i32
      %dma_wait3A_12 = tpu.memref_slice %arg5[%dma_wait3A, %mul3A_2] : memref<6x10240xf32, #tpu.memory_space<hbm>> -> memref<6x320xf32, #tpu.memory_space<hbm>>
      %dma_wait3A_13 = arith.constant 0 : i32
      %dma_wait3A_14 = tpu.memref_slice %arg5[%dma_wait3A_13, %mul3A_2] : memref<6x10240xf32, #tpu.memory_space<hbm>> -> memref<6x320xf32, #tpu.memory_space<hbm>>
      tpu.wait_dma2 semaphore(%run_scoped3A : memref<!tpu.dma_semaphore, #tpu.memory_space<semaphore_mem>>) src(%arg9 : memref<6x320xf32, #tpu.memory_space<vmem>>) dst(%dma_wait3A_14 : memref<6x320xf32, #tpu.memory_space<hbm>>)
      tpu.yield
    }) : () -> ()
    return
  }
}

#map = affine_map<(d0, d1) -> (0)>
#map1 = affine_map<(d0, d1) -> (0, 0)>
module attributes {stable_mosaic.version = 14 : i64} {
  func.func @_deg_body(%arg0: i32, %arg1: i32, %arg2: memref<320000xi32, #tpu.memory_space<hbm>>, %arg3: memref<32x10240xf32, #tpu.memory_space<hbm>>, %arg4: memref<10000xi32, #tpu.memory_space<vmem>>, %arg5: memref<10240xf32, #tpu.memory_space<vmem>>, %arg6: memref<!tpu.dma_semaphore, #tpu.memory_space<semaphore_mem>>) attributes {dimension_semantics = [#tpu.dimension_semantics<core_parallel>, #tpu.dimension_semantics<subcore_parallel>], iteration_bounds = array<i64: 2, 16>, scalar_prefetch = 0 : i64, scratch_operands = 3 : i64, tpu.core_type = #tpu.core_type<sc_vector_subcore>, window_params = [{transform_indices = #map}, {transform_indices = #map1}]} {
    %mul3A = arith.constant 2 : i32
    %mul3A_0 = arith.muli %arg1, %mul3A : i32
    %add3A = arith.addi %mul3A_0, %arg0 : i32
    %mul3A_1 = arith.constant 10000 : i32
    %mul3A_2 = arith.muli %add3A, %mul3A_1 : i32
    %dma_start3A = tpu.memref_slice %arg2[%mul3A_2] : memref<320000xi32, #tpu.memory_space<hbm>> -> memref<10000xi32, #tpu.memory_space<hbm>>
    %dma_start3A_3 = tpu.memref_slice %arg2[%mul3A_2] : memref<320000xi32, #tpu.memory_space<hbm>> -> memref<10000xi32, #tpu.memory_space<hbm>>
    tpu.enqueue_dma source(%dma_start3A_3 : memref<10000xi32, #tpu.memory_space<hbm>>) target(%arg4 : memref<10000xi32, #tpu.memory_space<vmem>>) target_semaphore(%arg6 : memref<!tpu.dma_semaphore, #tpu.memory_space<semaphore_mem>>)
    %broadcast_in_dim3A = arith.constant 0.000000e+00 : f32
    %broadcast_in_dim3A_4 = vector.broadcast %broadcast_in_dim3A : f32 to vector<16xf32>
    %parallel_loop3A = arith.constant 0 : i32
    %parallel_loop3A_5 = arith.constant 10240 : i32
    %parallel_loop3A_6 = arith.constant 16 : i32
    scf.for %parallel_loop3A_13 = %parallel_loop3A to %parallel_loop3A_5 step %parallel_loop3A_6  : i32 {
      %parallel_loop3A_14 = arith.index_cast %parallel_loop3A_13 : i32 to index
      %parallel_loop3A_15 = tpu.vector_load %arg5[%parallel_loop3A_14] {strides = array<i32>} : memref<10240xf32, #tpu.memory_space<vmem>>, vector<16xf32>,
      tpu.vector_store %arg5[%parallel_loop3A_14], %broadcast_in_dim3A_4 {strides = array<i32>} : memref<10240xf32, #tpu.memory_space<vmem>>, vector<16xf32>,
    } {sc.loop_unroll_factor = 4 : i64, sc.parallel_access}
    %dma_wait3A = tpu.memref_slice %arg2[%mul3A_2] : memref<320000xi32, #tpu.memory_space<hbm>> -> memref<10000xi32, #tpu.memory_space<hbm>>
    %dma_wait3A_7 = tpu.memref_slice %arg2[%mul3A_2] : memref<320000xi32, #tpu.memory_space<hbm>> -> memref<10000xi32, #tpu.memory_space<hbm>>
    tpu.wait_dma2 semaphore(%arg6 : memref<!tpu.dma_semaphore, #tpu.memory_space<semaphore_mem>>) src(%dma_wait3A_7 : memref<10000xi32, #tpu.memory_space<hbm>>) dst(%arg4 : memref<10000xi32, #tpu.memory_space<vmem>>)
    %broadcast_in_dim3A_8 = arith.constant 1.000000e+00 : f32
    %broadcast_in_dim3A_9 = vector.broadcast %broadcast_in_dim3A_8 : f32 to vector<16xf32>
    %parallel_loop3A_10 = arith.constant 0 : i32
    %parallel_loop3A_11 = arith.constant 10000 : i32
    %parallel_loop3A_12 = arith.constant 16 : i32
    scf.for %parallel_loop3A_13 = %parallel_loop3A_10 to %parallel_loop3A_11 step %parallel_loop3A_12  : i32 {
      %parallel_loop3A_14 = arith.index_cast %parallel_loop3A_13 : i32 to index
      %parallel_loop3A_15 = tpu.vector_load %arg4[%parallel_loop3A_14] {strides = array<i32>} : memref<10000xi32, #tpu.memory_space<vmem>>, vector<16xi32>,
      tpu.vector_store_idx %arg5[%parallel_loop3A_15], %broadcast_in_dim3A_9 {add = true} : memref<10240xf32, #tpu.memory_space<vmem>>[vector<16xi32>], vector<16xf32>,
    } {sc.loop_unroll_factor = 8 : i64, sc.parallel_access}
    "tpu.region"() ({
      %run_scoped3A = tpu.sem_alloc : memref<!tpu.dma_semaphore, #tpu.memory_space<semaphore_mem>>
      %dma_start3A_13 = arith.constant 0 : i32
      %dma_start3A_14 = tpu.memref_slice %arg3[%add3A, %dma_start3A_13] : memref<32x10240xf32, #tpu.memory_space<hbm>> -> memref<1x10240xf32, #tpu.memory_space<hbm>>
      %dma_start3A_15 = tpu.memref_squeeze %dma_start3A_14 : memref<1x10240xf32, #tpu.memory_space<hbm>> -> memref<10240xf32, #tpu.memory_space<hbm>>
      %dma_start3A_16 = arith.constant 0 : i32
      %dma_start3A_17 = tpu.memref_slice %arg3[%add3A, %dma_start3A_16] : memref<32x10240xf32, #tpu.memory_space<hbm>> -> memref<1x10240xf32, #tpu.memory_space<hbm>>
      %dma_start3A_18 = tpu.memref_squeeze %dma_start3A_17 : memref<1x10240xf32, #tpu.memory_space<hbm>> -> memref<10240xf32, #tpu.memory_space<hbm>>
      tpu.enqueue_dma source(%arg5 : memref<10240xf32, #tpu.memory_space<vmem>>) target(%dma_start3A_18 : memref<10240xf32, #tpu.memory_space<hbm>>) target_semaphore(%run_scoped3A : memref<!tpu.dma_semaphore, #tpu.memory_space<semaphore_mem>>)
      %dma_wait3A_19 = arith.constant 0 : i32
      %dma_wait3A_20 = tpu.memref_slice %arg3[%add3A, %dma_wait3A_19] : memref<32x10240xf32, #tpu.memory_space<hbm>> -> memref<1x10240xf32, #tpu.memory_space<hbm>>
      %dma_wait3A_21 = tpu.memref_squeeze %dma_wait3A_20 : memref<1x10240xf32, #tpu.memory_space<hbm>> -> memref<10240xf32, #tpu.memory_space<hbm>>
      %dma_wait3A_22 = arith.constant 0 : i32
      %dma_wait3A_23 = tpu.memref_slice %arg3[%add3A, %dma_wait3A_22] : memref<32x10240xf32, #tpu.memory_space<hbm>> -> memref<1x10240xf32, #tpu.memory_space<hbm>>
      %dma_wait3A_24 = tpu.memref_squeeze %dma_wait3A_23 : memref<1x10240xf32, #tpu.memory_space<hbm>> -> memref<10240xf32, #tpu.memory_space<hbm>>
      tpu.wait_dma2 semaphore(%run_scoped3A : memref<!tpu.dma_semaphore, #tpu.memory_space<semaphore_mem>>) src(%arg5 : memref<10240xf32, #tpu.memory_space<vmem>>) dst(%dma_wait3A_24 : memref<10240xf32, #tpu.memory_space<hbm>>)
      tpu.yield
    }) : () -> ()
    return
  }
}

#map = affine_map<(d0, d1) -> (0, 0)>
#map1 = affine_map<(d0, d1) -> (0)>
#map2 = affine_map<(d0, d1) -> (0, 0, 0)>
module attributes {stable_mosaic.version = 14 : i64} {
  func.func @_scatter_body(%arg0: i32, %arg1: i32, %arg2: memref<6x10240xf32, #tpu.memory_space<hbm>>, %arg3: memref<320000xi32, #tpu.memory_space<hbm>>, %arg4: memref<320000xi32, #tpu.memory_space<hbm>>, %arg5: memref<32x5x10240xf32, #tpu.memory_space<hbm>>, %arg6: memref<10240xf32, #tpu.memory_space<vmem>>, %arg7: memref<10240xf32, #tpu.memory_space<vmem>>, %arg8: memref<10240xf32, #tpu.memory_space<vmem>>, %arg9: memref<10240xf32, #tpu.memory_space<vmem>>, %arg10: memref<10240xf32, #tpu.memory_space<vmem>>, %arg11: memref<10240xf32, #tpu.memory_space<vmem>>, %arg12: memref<10240xf32, #tpu.memory_space<vmem>>, %arg13: memref<10240xf32, #tpu.memory_space<vmem>>, %arg14: memref<10240xf32, #tpu.memory_space<vmem>>, %arg15: memref<10240xf32, #tpu.memory_space<vmem>>, %arg16: memref<10000xi32, #tpu.memory_space<vmem>>, %arg17: memref<10000xi32, #tpu.memory_space<vmem>>, %arg18: memref<!tpu.dma_semaphore, #tpu.memory_space<semaphore_mem>>, %arg19: memref<!tpu.dma_semaphore, #tpu.memory_space<semaphore_mem>>) attributes {dimension_semantics = [#tpu.dimension_semantics<core_parallel>, #tpu.dimension_semantics<subcore_parallel>], iteration_bounds = array<i64: 2, 16>, scalar_prefetch = 0 : i64, scratch_operands = 14 : i64, tpu.core_type = #tpu.core_type<sc_vector_subcore>, window_params = [{transform_indices = #map}, {transform_indices = #map1}, {transform_indices = #map1}, {transform_indices = #map2}]} {
    %mul3A = arith.constant 2 : i32
    %mul3A_0 = arith.muli %arg1, %mul3A : i32
    %add3A = arith.addi %mul3A_0, %arg0 : i32
    %mul3A_1 = arith.constant 10000 : i32
    %mul3A_2 = arith.muli %add3A, %mul3A_1 : i32
    %dma_start3A = tpu.memref_slice %arg3[%mul3A_2] : memref<320000xi32, #tpu.memory_space<hbm>> -> memref<10000xi32, #tpu.memory_space<hbm>>
    %dma_start3A_3 = tpu.memref_slice %arg3[%mul3A_2] : memref<320000xi32, #tpu.memory_space<hbm>> -> memref<10000xi32, #tpu.memory_space<hbm>>
    tpu.enqueue_dma source(%dma_start3A_3 : memref<10000xi32, #tpu.memory_space<hbm>>) target(%arg16 : memref<10000xi32, #tpu.memory_space<vmem>>) target_semaphore(%arg18 : memref<!tpu.dma_semaphore, #tpu.memory_space<semaphore_mem>>)
    %dma_start3A_4 = tpu.memref_slice %arg4[%mul3A_2] : memref<320000xi32, #tpu.memory_space<hbm>> -> memref<10000xi32, #tpu.memory_space<hbm>>
    %dma_start3A_5 = tpu.memref_slice %arg4[%mul3A_2] : memref<320000xi32, #tpu.memory_space<hbm>> -> memref<10000xi32, #tpu.memory_space<hbm>>
    tpu.enqueue_dma source(%dma_start3A_5 : memref<10000xi32, #tpu.memory_space<hbm>>) target(%arg17 : memref<10000xi32, #tpu.memory_space<vmem>>) target_semaphore(%arg19 : memref<!tpu.dma_semaphore, #tpu.memory_space<semaphore_mem>>)
    %run_scoped3A = arith.constant 0 : i32
    "tpu.region"() ({
      %run_scoped3A_24 = tpu.sem_alloc : memref<!tpu.dma_semaphore, #tpu.memory_space<semaphore_mem>>
      %dma_start3A_25 = arith.constant 0 : i32
      %dma_start3A_26 = tpu.memref_slice %arg2[%run_scoped3A, %dma_start3A_25] : memref<6x10240xf32, #tpu.memory_space<hbm>> -> memref<1x10240xf32, #tpu.memory_space<hbm>>
      %dma_start3A_27 = tpu.memref_squeeze %dma_start3A_26 : memref<1x10240xf32, #tpu.memory_space<hbm>> -> memref<10240xf32, #tpu.memory_space<hbm>>
      %dma_start3A_28 = arith.constant 0 : i32
      %dma_start3A_29 = tpu.memref_slice %arg2[%run_scoped3A, %dma_start3A_28] : memref<6x10240xf32, #tpu.memory_space<hbm>> -> memref<1x10240xf32, #tpu.memory_space<hbm>>
      %dma_start3A_30 = tpu.memref_squeeze %dma_start3A_29 : memref<1x10240xf32, #tpu.memory_space<hbm>> -> memref<10240xf32, #tpu.memory_space<hbm>>
      tpu.enqueue_dma source(%dma_start3A_30 : memref<10240xf32, #tpu.memory_space<hbm>>) target(%arg6 : memref<10240xf32, #tpu.memory_space<vmem>>) target_semaphore(%run_scoped3A_24 : memref<!tpu.dma_semaphore, #tpu.memory_space<semaphore_mem>>)
      %dma_wait3A_31 = arith.constant 0 : i32
      %dma_wait3A_32 = tpu.memref_slice %arg2[%run_scoped3A, %dma_wait3A_31] : memref<6x10240xf32, #tpu.memory_space<hbm>> -> memref<1x10240xf32, #tpu.memory_space<hbm>>
      %dma_wait3A_33 = tpu.memref_squeeze %dma_wait3A_32 : memref<1x10240xf32, #tpu.memory_space<hbm>> -> memref<10240xf32, #tpu.memory_space<hbm>>
      %dma_wait3A_34 = arith.constant 0 : i32
      %dma_wait3A_35 = tpu.memref_slice %arg2[%run_scoped3A, %dma_wait3A_34] : memref<6x10240xf32, #tpu.memory_space<hbm>> -> memref<1x10240xf32, #tpu.memory_space<hbm>>
      %dma_wait3A_36 = tpu.memref_squeeze %dma_wait3A_35 : memref<1x10240xf32, #tpu.memory_space<hbm>> -> memref<10240xf32, #tpu.memory_space<hbm>>
      tpu.wait_dma2 semaphore(%run_scoped3A_24 : memref<!tpu.dma_semaphore, #tpu.memory_space<semaphore_mem>>) src(%dma_wait3A_36 : memref<10240xf32, #tpu.memory_space<hbm>>) dst(%arg6 : memref<10240xf32, #tpu.memory_space<vmem>>)
      tpu.yield
    }) : () -> ()
    %run_scoped3A_6 = arith.constant 1 : i32
    "tpu.region"() ({
      %run_scoped3A_24 = tpu.sem_alloc : memref<!tpu.dma_semaphore, #tpu.memory_space<semaphore_mem>>
      %dma_start3A_25 = arith.constant 0 : i32
      %dma_start3A_26 = tpu.memref_slice %arg2[%run_scoped3A_6, %dma_start3A_25] : memref<6x10240xf32, #tpu.memory_space<hbm>> -> memref<1x10240xf32, #tpu.memory_space<hbm>>
      %dma_start3A_27 = tpu.memref_squeeze %dma_start3A_26 : memref<1x10240xf32, #tpu.memory_space<hbm>> -> memref<10240xf32, #tpu.memory_space<hbm>>
      %dma_start3A_28 = arith.constant 0 : i32
      %dma_start3A_29 = tpu.memref_slice %arg2[%run_scoped3A_6, %dma_start3A_28] : memref<6x10240xf32, #tpu.memory_space<hbm>> -> memref<1x10240xf32, #tpu.memory_space<hbm>>
      %dma_start3A_30 = tpu.memref_squeeze %dma_start3A_29 : memref<1x10240xf32, #tpu.memory_space<hbm>> -> memref<10240xf32, #tpu.memory_space<hbm>>
      tpu.enqueue_dma source(%dma_start3A_30 : memref<10240xf32, #tpu.memory_space<hbm>>) target(%arg7 : memref<10240xf32, #tpu.memory_space<vmem>>) target_semaphore(%run_scoped3A_24 : memref<!tpu.dma_semaphore, #tpu.memory_space<semaphore_mem>>)
      %dma_wait3A_31 = arith.constant 0 : i32
      %dma_wait3A_32 = tpu.memref_slice %arg2[%run_scoped3A_6, %dma_wait3A_31] : memref<6x10240xf32, #tpu.memory_space<hbm>> -> memref<1x10240xf32, #tpu.memory_space<hbm>>
      %dma_wait3A_33 = tpu.memref_squeeze %dma_wait3A_32 : memref<1x10240xf32, #tpu.memory_space<hbm>> -> memref<10240xf32, #tpu.memory_space<hbm>>
      %dma_wait3A_34 = arith.constant 0 : i32
      %dma_wait3A_35 = tpu.memref_slice %arg2[%run_scoped3A_6, %dma_wait3A_34] : memref<6x10240xf32, #tpu.memory_space<hbm>> -> memref<1x10240xf32, #tpu.memory_space<hbm>>
      %dma_wait3A_36 = tpu.memref_squeeze %dma_wait3A_35 : memref<1x10240xf32, #tpu.memory_space<hbm>> -> memref<10240xf32, #tpu.memory_space<hbm>>
      tpu.wait_dma2 semaphore(%run_scoped3A_24 : memref<!tpu.dma_semaphore, #tpu.memory_space<semaphore_mem>>) src(%dma_wait3A_36 : memref<10240xf32, #tpu.memory_space<hbm>>) dst(%arg7 : memref<10240xf32, #tpu.memory_space<vmem>>)
      tpu.yield
    }) : () -> ()
    %run_scoped3A_7 = arith.constant 2 : i32
    "tpu.region"() ({
      %run_scoped3A_24 = tpu.sem_alloc : memref<!tpu.dma_semaphore, #tpu.memory_space<semaphore_mem>>
      %dma_start3A_25 = arith.constant 0 : i32
      %dma_start3A_26 = tpu.memref_slice %arg2[%run_scoped3A_7, %dma_start3A_25] : memref<6x10240xf32, #tpu.memory_space<hbm>> -> memref<1x10240xf32, #tpu.memory_space<hbm>>
      %dma_start3A_27 = tpu.memref_squeeze %dma_start3A_26 : memref<1x10240xf32, #tpu.memory_space<hbm>> -> memref<10240xf32, #tpu.memory_space<hbm>>
      %dma_start3A_28 = arith.constant 0 : i32
      %dma_start3A_29 = tpu.memref_slice %arg2[%run_scoped3A_7, %dma_start3A_28] : memref<6x10240xf32, #tpu.memory_space<hbm>> -> memref<1x10240xf32, #tpu.memory_space<hbm>>
      %dma_start3A_30 = tpu.memref_squeeze %dma_start3A_29 : memref<1x10240xf32, #tpu.memory_space<hbm>> -> memref<10240xf32, #tpu.memory_space<hbm>>
      tpu.enqueue_dma source(%dma_start3A_30 : memref<10240xf32, #tpu.memory_space<hbm>>) target(%arg8 : memref<10240xf32, #tpu.memory_space<vmem>>) target_semaphore(%run_scoped3A_24 : memref<!tpu.dma_semaphore, #tpu.memory_space<semaphore_mem>>)
      %dma_wait3A_31 = arith.constant 0 : i32
      %dma_wait3A_32 = tpu.memref_slice %arg2[%run_scoped3A_7, %dma_wait3A_31] : memref<6x10240xf32, #tpu.memory_space<hbm>> -> memref<1x10240xf32, #tpu.memory_space<hbm>>
      %dma_wait3A_33 = tpu.memref_squeeze %dma_wait3A_32 : memref<1x10240xf32, #tpu.memory_space<hbm>> -> memref<10240xf32, #tpu.memory_space<hbm>>
      %dma_wait3A_34 = arith.constant 0 : i32
      %dma_wait3A_35 = tpu.memref_slice %arg2[%run_scoped3A_7, %dma_wait3A_34] : memref<6x10240xf32, #tpu.memory_space<hbm>> -> memref<1x10240xf32, #tpu.memory_space<hbm>>
      %dma_wait3A_36 = tpu.memref_squeeze %dma_wait3A_35 : memref<1x10240xf32, #tpu.memory_space<hbm>> -> memref<10240xf32, #tpu.memory_space<hbm>>
      tpu.wait_dma2 semaphore(%run_scoped3A_24 : memref<!tpu.dma_semaphore, #tpu.memory_space<semaphore_mem>>) src(%dma_wait3A_36 : memref<10240xf32, #tpu.memory_space<hbm>>) dst(%arg8 : memref<10240xf32, #tpu.memory_space<vmem>>)
      tpu.yield
    }) : () -> ()
    %run_scoped3A_8 = arith.constant 3 : i32
    "tpu.region"() ({
      %run_scoped3A_24 = tpu.sem_alloc : memref<!tpu.dma_semaphore, #tpu.memory_space<semaphore_mem>>
      %dma_start3A_25 = arith.constant 0 : i32
      %dma_start3A_26 = tpu.memref_slice %arg2[%run_scoped3A_8, %dma_start3A_25] : memref<6x10240xf32, #tpu.memory_space<hbm>> -> memref<1x10240xf32, #tpu.memory_space<hbm>>
      %dma_start3A_27 = tpu.memref_squeeze %dma_start3A_26 : memref<1x10240xf32, #tpu.memory_space<hbm>> -> memref<10240xf32, #tpu.memory_space<hbm>>
      %dma_start3A_28 = arith.constant 0 : i32
      %dma_start3A_29 = tpu.memref_slice %arg2[%run_scoped3A_8, %dma_start3A_28] : memref<6x10240xf32, #tpu.memory_space<hbm>> -> memref<1x10240xf32, #tpu.memory_space<hbm>>
      %dma_start3A_30 = tpu.memref_squeeze %dma_start3A_29 : memref<1x10240xf32, #tpu.memory_space<hbm>> -> memref<10240xf32, #tpu.memory_space<hbm>>
      tpu.enqueue_dma source(%dma_start3A_30 : memref<10240xf32, #tpu.memory_space<hbm>>) target(%arg9 : memref<10240xf32, #tpu.memory_space<vmem>>) target_semaphore(%run_scoped3A_24 : memref<!tpu.dma_semaphore, #tpu.memory_space<semaphore_mem>>)
      %dma_wait3A_31 = arith.constant 0 : i32
      %dma_wait3A_32 = tpu.memref_slice %arg2[%run_scoped3A_8, %dma_wait3A_31] : memref<6x10240xf32, #tpu.memory_space<hbm>> -> memref<1x10240xf32, #tpu.memory_space<hbm>>
      %dma_wait3A_33 = tpu.memref_squeeze %dma_wait3A_32 : memref<1x10240xf32, #tpu.memory_space<hbm>> -> memref<10240xf32, #tpu.memory_space<hbm>>
      %dma_wait3A_34 = arith.constant 0 : i32
      %dma_wait3A_35 = tpu.memref_slice %arg2[%run_scoped3A_8, %dma_wait3A_34] : memref<6x10240xf32, #tpu.memory_space<hbm>> -> memref<1x10240xf32, #tpu.memory_space<hbm>>
      %dma_wait3A_36 = tpu.memref_squeeze %dma_wait3A_35 : memref<1x10240xf32, #tpu.memory_space<hbm>> -> memref<10240xf32, #tpu.memory_space<hbm>>
      tpu.wait_dma2 semaphore(%run_scoped3A_24 : memref<!tpu.dma_semaphore, #tpu.memory_space<semaphore_mem>>) src(%dma_wait3A_36 : memref<10240xf32, #tpu.memory_space<hbm>>) dst(%arg9 : memref<10240xf32, #tpu.memory_space<vmem>>)
      tpu.yield
    }) : () -> ()
    %run_scoped3A_9 = arith.constant 4 : i32
    "tpu.region"() ({
      %run_scoped3A_24 = tpu.sem_alloc : memref<!tpu.dma_semaphore, #tpu.memory_space<semaphore_mem>>
      %dma_start3A_25 = arith.constant 0 : i32
      %dma_start3A_26 = tpu.memref_slice %arg2[%run_scoped3A_9, %dma_start3A_25] : memref<6x10240xf32, #tpu.memory_space<hbm>> -> memref<1x10240xf32, #tpu.memory_space<hbm>>
      %dma_start3A_27 = tpu.memref_squeeze %dma_start3A_26 : memref<1x10240xf32, #tpu.memory_space<hbm>> -> memref<10240xf32, #tpu.memory_space<hbm>>
      %dma_start3A_28 = arith.constant 0 : i32
      %dma_start3A_29 = tpu.memref_slice %arg2[%run_scoped3A_9, %dma_start3A_28] : memref<6x10240xf32, #tpu.memory_space<hbm>> -> memref<1x10240xf32, #tpu.memory_space<hbm>>
      %dma_start3A_30 = tpu.memref_squeeze %dma_start3A_29 : memref<1x10240xf32, #tpu.memory_space<hbm>> -> memref<10240xf32, #tpu.memory_space<hbm>>
      tpu.enqueue_dma source(%dma_start3A_30 : memref<10240xf32, #tpu.memory_space<hbm>>) target(%arg10 : memref<10240xf32, #tpu.memory_space<vmem>>) target_semaphore(%run_scoped3A_24 : memref<!tpu.dma_semaphore, #tpu.memory_space<semaphore_mem>>)
      %dma_wait3A_31 = arith.constant 0 : i32
      %dma_wait3A_32 = tpu.memref_slice %arg2[%run_scoped3A_9, %dma_wait3A_31] : memref<6x10240xf32, #tpu.memory_space<hbm>> -> memref<1x10240xf32, #tpu.memory_space<hbm>>
      %dma_wait3A_33 = tpu.memref_squeeze %dma_wait3A_32 : memref<1x10240xf32, #tpu.memory_space<hbm>> -> memref<10240xf32, #tpu.memory_space<hbm>>
      %dma_wait3A_34 = arith.constant 0 : i32
      %dma_wait3A_35 = tpu.memref_slice %arg2[%run_scoped3A_9, %dma_wait3A_34] : memref<6x10240xf32, #tpu.memory_space<hbm>> -> memref<1x10240xf32, #tpu.memory_space<hbm>>
      %dma_wait3A_36 = tpu.memref_squeeze %dma_wait3A_35 : memref<1x10240xf32, #tpu.memory_space<hbm>> -> memref<10240xf32, #tpu.memory_space<hbm>>
      tpu.wait_dma2 semaphore(%run_scoped3A_24 : memref<!tpu.dma_semaphore, #tpu.memory_space<semaphore_mem>>) src(%dma_wait3A_36 : memref<10240xf32, #tpu.memory_space<hbm>>) dst(%arg10 : memref<10240xf32, #tpu.memory_space<vmem>>)
      tpu.yield
    }) : () -> ()
    %broadcast_in_dim3A = arith.constant 0.000000e+00 : f32
    %broadcast_in_dim3A_10 = vector.broadcast %broadcast_in_dim3A : f32 to vector<16xf32>
    %parallel_loop3A = arith.constant 0 : i32
    %parallel_loop3A_11 = arith.constant 10240 : i32
    %parallel_loop3A_12 = arith.constant 16 : i32
    scf.for %parallel_loop3A_24 = %parallel_loop3A to %parallel_loop3A_11 step %parallel_loop3A_12  : i32 {
      %parallel_loop3A_25 = arith.index_cast %parallel_loop3A_24 : i32 to index
      %parallel_loop3A_26 = tpu.vector_load %arg11[%parallel_loop3A_25] {strides = array<i32>} : memref<10240xf32, #tpu.memory_space<vmem>>, vector<16xf32>,
      tpu.vector_store %arg11[%parallel_loop3A_25], %broadcast_in_dim3A_10 {strides = array<i32>} : memref<10240xf32, #tpu.memory_space<vmem>>, vector<16xf32>,
      %parallel_loop3A_27 = arith.index_cast %parallel_loop3A_24 : i32 to index
      %parallel_loop3A_28 = tpu.vector_load %arg12[%parallel_loop3A_27] {strides = array<i32>} : memref<10240xf32, #tpu.memory_space<vmem>>, vector<16xf32>,
      tpu.vector_store %arg12[%parallel_loop3A_27], %broadcast_in_dim3A_10 {strides = array<i32>} : memref<10240xf32, #tpu.memory_space<vmem>>, vector<16xf32>,
      %parallel_loop3A_29 = arith.index_cast %parallel_loop3A_24 : i32 to index
      %parallel_loop3A_30 = tpu.vector_load %arg13[%parallel_loop3A_29] {strides = array<i32>} : memref<10240xf32, #tpu.memory_space<vmem>>, vector<16xf32>,
      tpu.vector_store %arg13[%parallel_loop3A_29], %broadcast_in_dim3A_10 {strides = array<i32>} : memref<10240xf32, #tpu.memory_space<vmem>>, vector<16xf32>,
      %parallel_loop3A_31 = arith.index_cast %parallel_loop3A_24 : i32 to index
      %parallel_loop3A_32 = tpu.vector_load %arg14[%parallel_loop3A_31] {strides = array<i32>} : memref<10240xf32, #tpu.memory_space<vmem>>, vector<16xf32>,
      tpu.vector_store %arg14[%parallel_loop3A_31], %broadcast_in_dim3A_10 {strides = array<i32>} : memref<10240xf32, #tpu.memory_space<vmem>>, vector<16xf32>,
      %parallel_loop3A_33 = arith.index_cast %parallel_loop3A_24 : i32 to index
      %parallel_loop3A_34 = tpu.vector_load %arg15[%parallel_loop3A_33] {strides = array<i32>} : memref<10240xf32, #tpu.memory_space<vmem>>, vector<16xf32>,
      tpu.vector_store %arg15[%parallel_loop3A_33], %broadcast_in_dim3A_10 {strides = array<i32>} : memref<10240xf32, #tpu.memory_space<vmem>>, vector<16xf32>,
    } {sc.loop_unroll_factor = 4 : i64, sc.parallel_access}
    %dma_wait3A = tpu.memref_slice %arg3[%mul3A_2] : memref<320000xi32, #tpu.memory_space<hbm>> -> memref<10000xi32, #tpu.memory_space<hbm>>
    %dma_wait3A_13 = tpu.memref_slice %arg3[%mul3A_2] : memref<320000xi32, #tpu.memory_space<hbm>> -> memref<10000xi32, #tpu.memory_space<hbm>>
    tpu.wait_dma2 semaphore(%arg18 : memref<!tpu.dma_semaphore, #tpu.memory_space<semaphore_mem>>) src(%dma_wait3A_13 : memref<10000xi32, #tpu.memory_space<hbm>>) dst(%arg16 : memref<10000xi32, #tpu.memory_space<vmem>>)
    %dma_wait3A_14 = tpu.memref_slice %arg4[%mul3A_2] : memref<320000xi32, #tpu.memory_space<hbm>> -> memref<10000xi32, #tpu.memory_space<hbm>>
    %dma_wait3A_15 = tpu.memref_slice %arg4[%mul3A_2] : memref<320000xi32, #tpu.memory_space<hbm>> -> memref<10000xi32, #tpu.memory_space<hbm>>
    tpu.wait_dma2 semaphore(%arg19 : memref<!tpu.dma_semaphore, #tpu.memory_space<semaphore_mem>>) src(%dma_wait3A_15 : memref<10000xi32, #tpu.memory_space<hbm>>) dst(%arg17 : memref<10000xi32, #tpu.memory_space<vmem>>)
    %parallel_loop3A_16 = arith.constant 0 : i32
    %parallel_loop3A_17 = arith.constant 10000 : i32
    %parallel_loop3A_18 = arith.constant 16 : i32
    scf.for %parallel_loop3A_24 = %parallel_loop3A_16 to %parallel_loop3A_17 step %parallel_loop3A_18  : i32 {
      %parallel_loop3A_25 = arith.index_cast %parallel_loop3A_24 : i32 to index
      %parallel_loop3A_26 = tpu.vector_load %arg16[%parallel_loop3A_25] {strides = array<i32>} : memref<10000xi32, #tpu.memory_space<vmem>>, vector<16xi32>,
      %parallel_loop3A_27 = arith.index_cast %parallel_loop3A_24 : i32 to index
      %parallel_loop3A_28 = tpu.vector_load %arg17[%parallel_loop3A_27] {strides = array<i32>} : memref<10000xi32, #tpu.memory_space<vmem>>, vector<16xi32>,
      %parallel_loop3A_29 = tpu.vector_load_idx %arg6[%parallel_loop3A_26] : memref<10240xf32, #tpu.memory_space<vmem>>[vector<16xi32>], vector<16xf32>,
      tpu.vector_store_idx %arg11[%parallel_loop3A_28], %parallel_loop3A_29 {add = true} : memref<10240xf32, #tpu.memory_space<vmem>>[vector<16xi32>], vector<16xf32>,
      %parallel_loop3A_30 = tpu.vector_load_idx %arg7[%parallel_loop3A_26] : memref<10240xf32, #tpu.memory_space<vmem>>[vector<16xi32>], vector<16xf32>,
      tpu.vector_store_idx %arg12[%parallel_loop3A_28], %parallel_loop3A_30 {add = true} : memref<10240xf32, #tpu.memory_space<vmem>>[vector<16xi32>], vector<16xf32>,
      %parallel_loop3A_31 = tpu.vector_load_idx %arg8[%parallel_loop3A_26] : memref<10240xf32, #tpu.memory_space<vmem>>[vector<16xi32>], vector<16xf32>,
      tpu.vector_store_idx %arg13[%parallel_loop3A_28], %parallel_loop3A_31 {add = true} : memref<10240xf32, #tpu.memory_space<vmem>>[vector<16xi32>], vector<16xf32>,
      %parallel_loop3A_32 = tpu.vector_load_idx %arg9[%parallel_loop3A_26] : memref<10240xf32, #tpu.memory_space<vmem>>[vector<16xi32>], vector<16xf32>,
      tpu.vector_store_idx %arg14[%parallel_loop3A_28], %parallel_loop3A_32 {add = true} : memref<10240xf32, #tpu.memory_space<vmem>>[vector<16xi32>], vector<16xf32>,
      %parallel_loop3A_33 = tpu.vector_load_idx %arg10[%parallel_loop3A_26] : memref<10240xf32, #tpu.memory_space<vmem>>[vector<16xi32>], vector<16xf32>,
      tpu.vector_store_idx %arg15[%parallel_loop3A_28], %parallel_loop3A_33 {add = true} : memref<10240xf32, #tpu.memory_space<vmem>>[vector<16xi32>], vector<16xf32>,
    } {sc.loop_unroll_factor = 4 : i64, sc.parallel_access}
    %run_scoped3A_19 = arith.constant 0 : i32
    "tpu.region"() ({
      %run_scoped3A_24 = tpu.sem_alloc : memref<!tpu.dma_semaphore, #tpu.memory_space<semaphore_mem>>
      %dma_start3A_25 = arith.constant 0 : i32
      %dma_start3A_26 = tpu.memref_slice %arg5[%add3A, %run_scoped3A_19, %dma_start3A_25] : memref<32x5x10240xf32, #tpu.memory_space<hbm>> -> memref<1x1x10240xf32, #tpu.memory_space<hbm>>
      %dma_start3A_27 = tpu.memref_squeeze %dma_start3A_26 : memref<1x1x10240xf32, #tpu.memory_space<hbm>> -> memref<10240xf32, #tpu.memory_space<hbm>>
      %dma_start3A_28 = arith.constant 0 : i32
      %dma_start3A_29 = tpu.memref_slice %arg5[%add3A, %run_scoped3A_19, %dma_start3A_28] : memref<32x5x10240xf32, #tpu.memory_space<hbm>> -> memref<1x1x10240xf32, #tpu.memory_space<hbm>>
      %dma_start3A_30 = tpu.memref_squeeze %dma_start3A_29 : memref<1x1x10240xf32, #tpu.memory_space<hbm>> -> memref<10240xf32, #tpu.memory_space<hbm>>
      tpu.enqueue_dma source(%arg11 : memref<10240xf32, #tpu.memory_space<vmem>>) target(%dma_start3A_30 : memref<10240xf32, #tpu.memory_space<hbm>>) target_semaphore(%run_scoped3A_24 : memref<!tpu.dma_semaphore, #tpu.memory_space<semaphore_mem>>)
      %dma_wait3A_31 = arith.constant 0 : i32
      %dma_wait3A_32 = tpu.memref_slice %arg5[%add3A, %run_scoped3A_19, %dma_wait3A_31] : memref<32x5x10240xf32, #tpu.memory_space<hbm>> -> memref<1x1x10240xf32, #tpu.memory_space<hbm>>
      %dma_wait3A_33 = tpu.memref_squeeze %dma_wait3A_32 : memref<1x1x10240xf32, #tpu.memory_space<hbm>> -> memref<10240xf32, #tpu.memory_space<hbm>>
      %dma_wait3A_34 = arith.constant 0 : i32
      %dma_wait3A_35 = tpu.memref_slice %arg5[%add3A, %run_scoped3A_19, %dma_wait3A_34] : memref<32x5x10240xf32, #tpu.memory_space<hbm>> -> memref<1x1x10240xf32, #tpu.memory_space<hbm>>
      %dma_wait3A_36 = tpu.memref_squeeze %dma_wait3A_35 : memref<1x1x10240xf32, #tpu.memory_space<hbm>> -> memref<10240xf32, #tpu.memory_space<hbm>>
      tpu.wait_dma2 semaphore(%run_scoped3A_24 : memref<!tpu.dma_semaphore, #tpu.memory_space<semaphore_mem>>) src(%arg11 : memref<10240xf32, #tpu.memory_space<vmem>>) dst(%dma_wait3A_36 : memref<10240xf32, #tpu.memory_space<hbm>>)
      tpu.yield
    }) : () -> ()
    %run_scoped3A_20 = arith.constant 1 : i32
    "tpu.region"() ({
      %run_scoped3A_24 = tpu.sem_alloc : memref<!tpu.dma_semaphore, #tpu.memory_space<semaphore_mem>>
      %dma_start3A_25 = arith.constant 0 : i32
      %dma_start3A_26 = tpu.memref_slice %arg5[%add3A, %run_scoped3A_20, %dma_start3A_25] : memref<32x5x10240xf32, #tpu.memory_space<hbm>> -> memref<1x1x10240xf32, #tpu.memory_space<hbm>>
      %dma_start3A_27 = tpu.memref_squeeze %dma_start3A_26 : memref<1x1x10240xf32, #tpu.memory_space<hbm>> -> memref<10240xf32, #tpu.memory_space<hbm>>
      %dma_start3A_28 = arith.constant 0 : i32
      %dma_start3A_29 = tpu.memref_slice %arg5[%add3A, %run_scoped3A_20, %dma_start3A_28] : memref<32x5x10240xf32, #tpu.memory_space<hbm>> -> memref<1x1x10240xf32, #tpu.memory_space<hbm>>
      %dma_start3A_30 = tpu.memref_squeeze %dma_start3A_29 : memref<1x1x10240xf32, #tpu.memory_space<hbm>> -> memref<10240xf32, #tpu.memory_space<hbm>>
      tpu.enqueue_dma source(%arg12 : memref<10240xf32, #tpu.memory_space<vmem>>) target(%dma_start3A_30 : memref<10240xf32, #tpu.memory_space<hbm>>) target_semaphore(%run_scoped3A_24 : memref<!tpu.dma_semaphore, #tpu.memory_space<semaphore_mem>>)
      %dma_wait3A_31 = arith.constant 0 : i32
      %dma_wait3A_32 = tpu.memref_slice %arg5[%add3A, %run_scoped3A_20, %dma_wait3A_31] : memref<32x5x10240xf32, #tpu.memory_space<hbm>> -> memref<1x1x10240xf32, #tpu.memory_space<hbm>>
      %dma_wait3A_33 = tpu.memref_squeeze %dma_wait3A_32 : memref<1x1x10240xf32, #tpu.memory_space<hbm>> -> memref<10240xf32, #tpu.memory_space<hbm>>
      %dma_wait3A_34 = arith.constant 0 : i32
      %dma_wait3A_35 = tpu.memref_slice %arg5[%add3A, %run_scoped3A_20, %dma_wait3A_34] : memref<32x5x10240xf32, #tpu.memory_space<hbm>> -> memref<1x1x10240xf32, #tpu.memory_space<hbm>>
      %dma_wait3A_36 = tpu.memref_squeeze %dma_wait3A_35 : memref<1x1x10240xf32, #tpu.memory_space<hbm>> -> memref<10240xf32, #tpu.memory_space<hbm>>
      tpu.wait_dma2 semaphore(%run_scoped3A_24 : memref<!tpu.dma_semaphore, #tpu.memory_space<semaphore_mem>>) src(%arg12 : memref<10240xf32, #tpu.memory_space<vmem>>) dst(%dma_wait3A_36 : memref<10240xf32, #tpu.memory_space<hbm>>)
      tpu.yield
    }) : () -> ()
    %run_scoped3A_21 = arith.constant 2 : i32
    "tpu.region"() ({
      %run_scoped3A_24 = tpu.sem_alloc : memref<!tpu.dma_semaphore, #tpu.memory_space<semaphore_mem>>
      %dma_start3A_25 = arith.constant 0 : i32
      %dma_start3A_26 = tpu.memref_slice %arg5[%add3A, %run_scoped3A_21, %dma_start3A_25] : memref<32x5x10240xf32, #tpu.memory_space<hbm>> -> memref<1x1x10240xf32, #tpu.memory_space<hbm>>
      %dma_start3A_27 = tpu.memref_squeeze %dma_start3A_26 : memref<1x1x10240xf32, #tpu.memory_space<hbm>> -> memref<10240xf32, #tpu.memory_space<hbm>>
      %dma_start3A_28 = arith.constant 0 : i32
      %dma_start3A_29 = tpu.memref_slice %arg5[%add3A, %run_scoped3A_21, %dma_start3A_28] : memref<32x5x10240xf32, #tpu.memory_space<hbm>> -> memref<1x1x10240xf32, #tpu.memory_space<hbm>>
      %dma_start3A_30 = tpu.memref_squeeze %dma_start3A_29 : memref<1x1x10240xf32, #tpu.memory_space<hbm>> -> memref<10240xf32, #tpu.memory_space<hbm>>
      tpu.enqueue_dma source(%arg13 : memref<10240xf32, #tpu.memory_space<vmem>>) target(%dma_start3A_30 : memref<10240xf32, #tpu.memory_space<hbm>>) target_semaphore(%run_scoped3A_24 : memref<!tpu.dma_semaphore, #tpu.memory_space<semaphore_mem>>)
      %dma_wait3A_31 = arith.constant 0 : i32
      %dma_wait3A_32 = tpu.memref_slice %arg5[%add3A, %run_scoped3A_21, %dma_wait3A_31] : memref<32x5x10240xf32, #tpu.memory_space<hbm>> -> memref<1x1x10240xf32, #tpu.memory_space<hbm>>
      %dma_wait3A_33 = tpu.memref_squeeze %dma_wait3A_32 : memref<1x1x10240xf32, #tpu.memory_space<hbm>> -> memref<10240xf32, #tpu.memory_space<hbm>>
      %dma_wait3A_34 = arith.constant 0 : i32
      %dma_wait3A_35 = tpu.memref_slice %arg5[%add3A, %run_scoped3A_21, %dma_wait3A_34] : memref<32x5x10240xf32, #tpu.memory_space<hbm>> -> memref<1x1x10240xf32, #tpu.memory_space<hbm>>
      %dma_wait3A_36 = tpu.memref_squeeze %dma_wait3A_35 : memref<1x1x10240xf32, #tpu.memory_space<hbm>> -> memref<10240xf32, #tpu.memory_space<hbm>>
      tpu.wait_dma2 semaphore(%run_scoped3A_24 : memref<!tpu.dma_semaphore, #tpu.memory_space<semaphore_mem>>) src(%arg13 : memref<10240xf32, #tpu.memory_space<vmem>>) dst(%dma_wait3A_36 : memref<10240xf32, #tpu.memory_space<hbm>>)
      tpu.yield
    }) : () -> ()
    %run_scoped3A_22 = arith.constant 3 : i32
    "tpu.region"() ({
      %run_scoped3A_24 = tpu.sem_alloc : memref<!tpu.dma_semaphore, #tpu.memory_space<semaphore_mem>>
      %dma_start3A_25 = arith.constant 0 : i32
      %dma_start3A_26 = tpu.memref_slice %arg5[%add3A, %run_scoped3A_22, %dma_start3A_25] : memref<32x5x10240xf32, #tpu.memory_space<hbm>> -> memref<1x1x10240xf32, #tpu.memory_space<hbm>>
      %dma_start3A_27 = tpu.memref_squeeze %dma_start3A_26 : memref<1x1x10240xf32, #tpu.memory_space<hbm>> -> memref<10240xf32, #tpu.memory_space<hbm>>
      %dma_start3A_28 = arith.constant 0 : i32
      %dma_start3A_29 = tpu.memref_slice %arg5[%add3A, %run_scoped3A_22, %dma_start3A_28] : memref<32x5x10240xf32, #tpu.memory_space<hbm>> -> memref<1x1x10240xf32, #tpu.memory_space<hbm>>
      %dma_start3A_30 = tpu.memref_squeeze %dma_start3A_29 : memref<1x1x10240xf32, #tpu.memory_space<hbm>> -> memref<10240xf32, #tpu.memory_space<hbm>>
      tpu.enqueue_dma source(%arg14 : memref<10240xf32, #tpu.memory_space<vmem>>) target(%dma_start3A_30 : memref<10240xf32, #tpu.memory_space<hbm>>) target_semaphore(%run_scoped3A_24 : memref<!tpu.dma_semaphore, #tpu.memory_space<semaphore_mem>>)
      %dma_wait3A_31 = arith.constant 0 : i32
      %dma_wait3A_32 = tpu.memref_slice %arg5[%add3A, %run_scoped3A_22, %dma_wait3A_31] : memref<32x5x10240xf32, #tpu.memory_space<hbm>> -> memref<1x1x10240xf32, #tpu.memory_space<hbm>>
      %dma_wait3A_33 = tpu.memref_squeeze %dma_wait3A_32 : memref<1x1x10240xf32, #tpu.memory_space<hbm>> -> memref<10240xf32, #tpu.memory_space<hbm>>
      %dma_wait3A_34 = arith.constant 0 : i32
      %dma_wait3A_35 = tpu.memref_slice %arg5[%add3A, %run_scoped3A_22, %dma_wait3A_34] : memref<32x5x10240xf32, #tpu.memory_space<hbm>> -> memref<1x1x10240xf32, #tpu.memory_space<hbm>>
      %dma_wait3A_36 = tpu.memref_squeeze %dma_wait3A_35 : memref<1x1x10240xf32, #tpu.memory_space<hbm>> -> memref<10240xf32, #tpu.memory_space<hbm>>
      tpu.wait_dma2 semaphore(%run_scoped3A_24 : memref<!tpu.dma_semaphore, #tpu.memory_space<semaphore_mem>>) src(%arg14 : memref<10240xf32, #tpu.memory_space<vmem>>) dst(%dma_wait3A_36 : memref<10240xf32, #tpu.memory_space<hbm>>)
      tpu.yield
    }) : () -> ()
    %run_scoped3A_23 = arith.constant 4 : i32
    "tpu.region"() ({
      %run_scoped3A_24 = tpu.sem_alloc : memref<!tpu.dma_semaphore, #tpu.memory_space<semaphore_mem>>
      %dma_start3A_25 = arith.constant 0 : i32
      %dma_start3A_26 = tpu.memref_slice %arg5[%add3A, %run_scoped3A_23, %dma_start3A_25] : memref<32x5x10240xf32, #tpu.memory_space<hbm>> -> memref<1x1x10240xf32, #tpu.memory_space<hbm>>
      %dma_start3A_27 = tpu.memref_squeeze %dma_start3A_26 : memref<1x1x10240xf32, #tpu.memory_space<hbm>> -> memref<10240xf32, #tpu.memory_space<hbm>>
      %dma_start3A_28 = arith.constant 0 : i32
      %dma_start3A_29 = tpu.memref_slice %arg5[%add3A, %run_scoped3A_23, %dma_start3A_28] : memref<32x5x10240xf32, #tpu.memory_space<hbm>> -> memref<1x1x10240xf32, #tpu.memory_space<hbm>>
      %dma_start3A_30 = tpu.memref_squeeze %dma_start3A_29 : memref<1x1x10240xf32, #tpu.memory_space<hbm>> -> memref<10240xf32, #tpu.memory_space<hbm>>
      tpu.enqueue_dma source(%arg15 : memref<10240xf32, #tpu.memory_space<vmem>>) target(%dma_start3A_30 : memref<10240xf32, #tpu.memory_space<hbm>>) target_semaphore(%run_scoped3A_24 : memref<!tpu.dma_semaphore, #tpu.memory_space<semaphore_mem>>)
      %dma_wait3A_31 = arith.constant 0 : i32
      %dma_wait3A_32 = tpu.memref_slice %arg5[%add3A, %run_scoped3A_23, %dma_wait3A_31] : memref<32x5x10240xf32, #tpu.memory_space<hbm>> -> memref<1x1x10240xf32, #tpu.memory_space<hbm>>
      %dma_wait3A_33 = tpu.memref_squeeze %dma_wait3A_32 : memref<1x1x10240xf32, #tpu.memory_space<hbm>> -> memref<10240xf32, #tpu.memory_space<hbm>>
      %dma_wait3A_34 = arith.constant 0 : i32
      %dma_wait3A_35 = tpu.memref_slice %arg5[%add3A, %run_scoped3A_23, %dma_wait3A_34] : memref<32x5x10240xf32, #tpu.memory_space<hbm>> -> memref<1x1x10240xf32, #tpu.memory_space<hbm>>
      %dma_wait3A_36 = tpu.memref_squeeze %dma_wait3A_35 : memref<1x1x10240xf32, #tpu.memory_space<hbm>> -> memref<10240xf32, #tpu.memory_space<hbm>>
      tpu.wait_dma2 semaphore(%run_scoped3A_24 : memref<!tpu.dma_semaphore, #tpu.memory_space<semaphore_mem>>) src(%arg15 : memref<10240xf32, #tpu.memory_space<vmem>>) dst(%dma_wait3A_36 : memref<10240xf32, #tpu.memory_space<hbm>>)
      tpu.yield
    }) : () -> ()
    return
  }
}

#map = affine_map<(d0, d1) -> (0, 0)>
#map1 = affine_map<(d0, d1) -> (0)>
#map2 = affine_map<(d0, d1) -> (0, 0, 0)>
module attributes {stable_mosaic.version = 14 : i64} {
  func.func @_scatter_body(%arg0: i32, %arg1: i32, %arg2: memref<6x10240xf32, #tpu.memory_space<hbm>>, %arg3: memref<320000xi32, #tpu.memory_space<hbm>>, %arg4: memref<320000xi32, #tpu.memory_space<hbm>>, %arg5: memref<32x5x10240xf32, #tpu.memory_space<hbm>>, %arg6: memref<10240xf32, #tpu.memory_space<vmem>>, %arg7: memref<10240xf32, #tpu.memory_space<vmem>>, %arg8: memref<10240xf32, #tpu.memory_space<vmem>>, %arg9: memref<10240xf32, #tpu.memory_space<vmem>>, %arg10: memref<10240xf32, #tpu.memory_space<vmem>>, %arg11: memref<10240xf32, #tpu.memory_space<vmem>>, %arg12: memref<10240xf32, #tpu.memory_space<vmem>>, %arg13: memref<10240xf32, #tpu.memory_space<vmem>>, %arg14: memref<10240xf32, #tpu.memory_space<vmem>>, %arg15: memref<10240xf32, #tpu.memory_space<vmem>>, %arg16: memref<10000xi32, #tpu.memory_space<vmem>>, %arg17: memref<10000xi32, #tpu.memory_space<vmem>>, %arg18: memref<!tpu.dma_semaphore, #tpu.memory_space<semaphore_mem>>, %arg19: memref<!tpu.dma_semaphore, #tpu.memory_space<semaphore_mem>>) attributes {dimension_semantics = [#tpu.dimension_semantics<core_parallel>, #tpu.dimension_semantics<subcore_parallel>], iteration_bounds = array<i64: 2, 16>, scalar_prefetch = 0 : i64, scratch_operands = 14 : i64, tpu.core_type = #tpu.core_type<sc_vector_subcore>, window_params = [{transform_indices = #map}, {transform_indices = #map1}, {transform_indices = #map1}, {transform_indices = #map2}]} {
    %mul3A = arith.constant 2 : i32
    %mul3A_0 = arith.muli %arg1, %mul3A : i32
    %add3A = arith.addi %mul3A_0, %arg0 : i32
    %mul3A_1 = arith.constant 10000 : i32
    %mul3A_2 = arith.muli %add3A, %mul3A_1 : i32
    %dma_start3A = tpu.memref_slice %arg3[%mul3A_2] : memref<320000xi32, #tpu.memory_space<hbm>> -> memref<10000xi32, #tpu.memory_space<hbm>>
    %dma_start3A_3 = tpu.memref_slice %arg3[%mul3A_2] : memref<320000xi32, #tpu.memory_space<hbm>> -> memref<10000xi32, #tpu.memory_space<hbm>>
    tpu.enqueue_dma source(%dma_start3A_3 : memref<10000xi32, #tpu.memory_space<hbm>>) target(%arg16 : memref<10000xi32, #tpu.memory_space<vmem>>) target_semaphore(%arg18 : memref<!tpu.dma_semaphore, #tpu.memory_space<semaphore_mem>>)
    %dma_start3A_4 = tpu.memref_slice %arg4[%mul3A_2] : memref<320000xi32, #tpu.memory_space<hbm>> -> memref<10000xi32, #tpu.memory_space<hbm>>
    %dma_start3A_5 = tpu.memref_slice %arg4[%mul3A_2] : memref<320000xi32, #tpu.memory_space<hbm>> -> memref<10000xi32, #tpu.memory_space<hbm>>
    tpu.enqueue_dma source(%dma_start3A_5 : memref<10000xi32, #tpu.memory_space<hbm>>) target(%arg17 : memref<10000xi32, #tpu.memory_space<vmem>>) target_semaphore(%arg19 : memref<!tpu.dma_semaphore, #tpu.memory_space<semaphore_mem>>)
    %run_scoped3A = arith.constant 0 : i32
    "tpu.region"() ({
      %run_scoped3A_24 = tpu.sem_alloc : memref<!tpu.dma_semaphore, #tpu.memory_space<semaphore_mem>>
      %dma_start3A_25 = arith.constant 0 : i32
      %dma_start3A_26 = tpu.memref_slice %arg2[%run_scoped3A, %dma_start3A_25] : memref<6x10240xf32, #tpu.memory_space<hbm>> -> memref<1x10240xf32, #tpu.memory_space<hbm>>
      %dma_start3A_27 = tpu.memref_squeeze %dma_start3A_26 : memref<1x10240xf32, #tpu.memory_space<hbm>> -> memref<10240xf32, #tpu.memory_space<hbm>>
      %dma_start3A_28 = arith.constant 0 : i32
      %dma_start3A_29 = tpu.memref_slice %arg2[%run_scoped3A, %dma_start3A_28] : memref<6x10240xf32, #tpu.memory_space<hbm>> -> memref<1x10240xf32, #tpu.memory_space<hbm>>
      %dma_start3A_30 = tpu.memref_squeeze %dma_start3A_29 : memref<1x10240xf32, #tpu.memory_space<hbm>> -> memref<10240xf32, #tpu.memory_space<hbm>>
      tpu.enqueue_dma source(%dma_start3A_30 : memref<10240xf32, #tpu.memory_space<hbm>>) target(%arg6 : memref<10240xf32, #tpu.memory_space<vmem>>) target_semaphore(%run_scoped3A_24 : memref<!tpu.dma_semaphore, #tpu.memory_space<semaphore_mem>>)
      %dma_wait3A_31 = arith.constant 0 : i32
      %dma_wait3A_32 = tpu.memref_slice %arg2[%run_scoped3A, %dma_wait3A_31] : memref<6x10240xf32, #tpu.memory_space<hbm>> -> memref<1x10240xf32, #tpu.memory_space<hbm>>
      %dma_wait3A_33 = tpu.memref_squeeze %dma_wait3A_32 : memref<1x10240xf32, #tpu.memory_space<hbm>> -> memref<10240xf32, #tpu.memory_space<hbm>>
      %dma_wait3A_34 = arith.constant 0 : i32
      %dma_wait3A_35 = tpu.memref_slice %arg2[%run_scoped3A, %dma_wait3A_34] : memref<6x10240xf32, #tpu.memory_space<hbm>> -> memref<1x10240xf32, #tpu.memory_space<hbm>>
      %dma_wait3A_36 = tpu.memref_squeeze %dma_wait3A_35 : memref<1x10240xf32, #tpu.memory_space<hbm>> -> memref<10240xf32, #tpu.memory_space<hbm>>
      tpu.wait_dma2 semaphore(%run_scoped3A_24 : memref<!tpu.dma_semaphore, #tpu.memory_space<semaphore_mem>>) src(%dma_wait3A_36 : memref<10240xf32, #tpu.memory_space<hbm>>) dst(%arg6 : memref<10240xf32, #tpu.memory_space<vmem>>)
      tpu.yield
    }) : () -> ()
    %run_scoped3A_6 = arith.constant 1 : i32
    "tpu.region"() ({
      %run_scoped3A_24 = tpu.sem_alloc : memref<!tpu.dma_semaphore, #tpu.memory_space<semaphore_mem>>
      %dma_start3A_25 = arith.constant 0 : i32
      %dma_start3A_26 = tpu.memref_slice %arg2[%run_scoped3A_6, %dma_start3A_25] : memref<6x10240xf32, #tpu.memory_space<hbm>> -> memref<1x10240xf32, #tpu.memory_space<hbm>>
      %dma_start3A_27 = tpu.memref_squeeze %dma_start3A_26 : memref<1x10240xf32, #tpu.memory_space<hbm>> -> memref<10240xf32, #tpu.memory_space<hbm>>
      %dma_start3A_28 = arith.constant 0 : i32
      %dma_start3A_29 = tpu.memref_slice %arg2[%run_scoped3A_6, %dma_start3A_28] : memref<6x10240xf32, #tpu.memory_space<hbm>> -> memref<1x10240xf32, #tpu.memory_space<hbm>>
      %dma_start3A_30 = tpu.memref_squeeze %dma_start3A_29 : memref<1x10240xf32, #tpu.memory_space<hbm>> -> memref<10240xf32, #tpu.memory_space<hbm>>
      tpu.enqueue_dma source(%dma_start3A_30 : memref<10240xf32, #tpu.memory_space<hbm>>) target(%arg7 : memref<10240xf32, #tpu.memory_space<vmem>>) target_semaphore(%run_scoped3A_24 : memref<!tpu.dma_semaphore, #tpu.memory_space<semaphore_mem>>)
      %dma_wait3A_31 = arith.constant 0 : i32
      %dma_wait3A_32 = tpu.memref_slice %arg2[%run_scoped3A_6, %dma_wait3A_31] : memref<6x10240xf32, #tpu.memory_space<hbm>> -> memref<1x10240xf32, #tpu.memory_space<hbm>>
      %dma_wait3A_33 = tpu.memref_squeeze %dma_wait3A_32 : memref<1x10240xf32, #tpu.memory_space<hbm>> -> memref<10240xf32, #tpu.memory_space<hbm>>
      %dma_wait3A_34 = arith.constant 0 : i32
      %dma_wait3A_35 = tpu.memref_slice %arg2[%run_scoped3A_6, %dma_wait3A_34] : memref<6x10240xf32, #tpu.memory_space<hbm>> -> memref<1x10240xf32, #tpu.memory_space<hbm>>
      %dma_wait3A_36 = tpu.memref_squeeze %dma_wait3A_35 : memref<1x10240xf32, #tpu.memory_space<hbm>> -> memref<10240xf32, #tpu.memory_space<hbm>>
      tpu.wait_dma2 semaphore(%run_scoped3A_24 : memref<!tpu.dma_semaphore, #tpu.memory_space<semaphore_mem>>) src(%dma_wait3A_36 : memref<10240xf32, #tpu.memory_space<hbm>>) dst(%arg7 : memref<10240xf32, #tpu.memory_space<vmem>>)
      tpu.yield
    }) : () -> ()
    %run_scoped3A_7 = arith.constant 2 : i32
    "tpu.region"() ({
      %run_scoped3A_24 = tpu.sem_alloc : memref<!tpu.dma_semaphore, #tpu.memory_space<semaphore_mem>>
      %dma_start3A_25 = arith.constant 0 : i32
      %dma_start3A_26 = tpu.memref_slice %arg2[%run_scoped3A_7, %dma_start3A_25] : memref<6x10240xf32, #tpu.memory_space<hbm>> -> memref<1x10240xf32, #tpu.memory_space<hbm>>
      %dma_start3A_27 = tpu.memref_squeeze %dma_start3A_26 : memref<1x10240xf32, #tpu.memory_space<hbm>> -> memref<10240xf32, #tpu.memory_space<hbm>>
      %dma_start3A_28 = arith.constant 0 : i32
      %dma_start3A_29 = tpu.memref_slice %arg2[%run_scoped3A_7, %dma_start3A_28] : memref<6x10240xf32, #tpu.memory_space<hbm>> -> memref<1x10240xf32, #tpu.memory_space<hbm>>
      %dma_start3A_30 = tpu.memref_squeeze %dma_start3A_29 : memref<1x10240xf32, #tpu.memory_space<hbm>> -> memref<10240xf32, #tpu.memory_space<hbm>>
      tpu.enqueue_dma source(%dma_start3A_30 : memref<10240xf32, #tpu.memory_space<hbm>>) target(%arg8 : memref<10240xf32, #tpu.memory_space<vmem>>) target_semaphore(%run_scoped3A_24 : memref<!tpu.dma_semaphore, #tpu.memory_space<semaphore_mem>>)
      %dma_wait3A_31 = arith.constant 0 : i32
      %dma_wait3A_32 = tpu.memref_slice %arg2[%run_scoped3A_7, %dma_wait3A_31] : memref<6x10240xf32, #tpu.memory_space<hbm>> -> memref<1x10240xf32, #tpu.memory_space<hbm>>
      %dma_wait3A_33 = tpu.memref_squeeze %dma_wait3A_32 : memref<1x10240xf32, #tpu.memory_space<hbm>> -> memref<10240xf32, #tpu.memory_space<hbm>>
      %dma_wait3A_34 = arith.constant 0 : i32
      %dma_wait3A_35 = tpu.memref_slice %arg2[%run_scoped3A_7, %dma_wait3A_34] : memref<6x10240xf32, #tpu.memory_space<hbm>> -> memref<1x10240xf32, #tpu.memory_space<hbm>>
      %dma_wait3A_36 = tpu.memref_squeeze %dma_wait3A_35 : memref<1x10240xf32, #tpu.memory_space<hbm>> -> memref<10240xf32, #tpu.memory_space<hbm>>
      tpu.wait_dma2 semaphore(%run_scoped3A_24 : memref<!tpu.dma_semaphore, #tpu.memory_space<semaphore_mem>>) src(%dma_wait3A_36 : memref<10240xf32, #tpu.memory_space<hbm>>) dst(%arg8 : memref<10240xf32, #tpu.memory_space<vmem>>)
      tpu.yield
    }) : () -> ()
    %run_scoped3A_8 = arith.constant 3 : i32
    "tpu.region"() ({
      %run_scoped3A_24 = tpu.sem_alloc : memref<!tpu.dma_semaphore, #tpu.memory_space<semaphore_mem>>
      %dma_start3A_25 = arith.constant 0 : i32
      %dma_start3A_26 = tpu.memref_slice %arg2[%run_scoped3A_8, %dma_start3A_25] : memref<6x10240xf32, #tpu.memory_space<hbm>> -> memref<1x10240xf32, #tpu.memory_space<hbm>>
      %dma_start3A_27 = tpu.memref_squeeze %dma_start3A_26 : memref<1x10240xf32, #tpu.memory_space<hbm>> -> memref<10240xf32, #tpu.memory_space<hbm>>
      %dma_start3A_28 = arith.constant 0 : i32
      %dma_start3A_29 = tpu.memref_slice %arg2[%run_scoped3A_8, %dma_start3A_28] : memref<6x10240xf32, #tpu.memory_space<hbm>> -> memref<1x10240xf32, #tpu.memory_space<hbm>>
      %dma_start3A_30 = tpu.memref_squeeze %dma_start3A_29 : memref<1x10240xf32, #tpu.memory_space<hbm>> -> memref<10240xf32, #tpu.memory_space<hbm>>
      tpu.enqueue_dma source(%dma_start3A_30 : memref<10240xf32, #tpu.memory_space<hbm>>) target(%arg9 : memref<10240xf32, #tpu.memory_space<vmem>>) target_semaphore(%run_scoped3A_24 : memref<!tpu.dma_semaphore, #tpu.memory_space<semaphore_mem>>)
      %dma_wait3A_31 = arith.constant 0 : i32
      %dma_wait3A_32 = tpu.memref_slice %arg2[%run_scoped3A_8, %dma_wait3A_31] : memref<6x10240xf32, #tpu.memory_space<hbm>> -> memref<1x10240xf32, #tpu.memory_space<hbm>>
      %dma_wait3A_33 = tpu.memref_squeeze %dma_wait3A_32 : memref<1x10240xf32, #tpu.memory_space<hbm>> -> memref<10240xf32, #tpu.memory_space<hbm>>
      %dma_wait3A_34 = arith.constant 0 : i32
      %dma_wait3A_35 = tpu.memref_slice %arg2[%run_scoped3A_8, %dma_wait3A_34] : memref<6x10240xf32, #tpu.memory_space<hbm>> -> memref<1x10240xf32, #tpu.memory_space<hbm>>
      %dma_wait3A_36 = tpu.memref_squeeze %dma_wait3A_35 : memref<1x10240xf32, #tpu.memory_space<hbm>> -> memref<10240xf32, #tpu.memory_space<hbm>>
      tpu.wait_dma2 semaphore(%run_scoped3A_24 : memref<!tpu.dma_semaphore, #tpu.memory_space<semaphore_mem>>) src(%dma_wait3A_36 : memref<10240xf32, #tpu.memory_space<hbm>>) dst(%arg9 : memref<10240xf32, #tpu.memory_space<vmem>>)
      tpu.yield
    }) : () -> ()
    %run_scoped3A_9 = arith.constant 4 : i32
    "tpu.region"() ({
      %run_scoped3A_24 = tpu.sem_alloc : memref<!tpu.dma_semaphore, #tpu.memory_space<semaphore_mem>>
      %dma_start3A_25 = arith.constant 0 : i32
      %dma_start3A_26 = tpu.memref_slice %arg2[%run_scoped3A_9, %dma_start3A_25] : memref<6x10240xf32, #tpu.memory_space<hbm>> -> memref<1x10240xf32, #tpu.memory_space<hbm>>
      %dma_start3A_27 = tpu.memref_squeeze %dma_start3A_26 : memref<1x10240xf32, #tpu.memory_space<hbm>> -> memref<10240xf32, #tpu.memory_space<hbm>>
      %dma_start3A_28 = arith.constant 0 : i32
      %dma_start3A_29 = tpu.memref_slice %arg2[%run_scoped3A_9, %dma_start3A_28] : memref<6x10240xf32, #tpu.memory_space<hbm>> -> memref<1x10240xf32, #tpu.memory_space<hbm>>
      %dma_start3A_30 = tpu.memref_squeeze %dma_start3A_29 : memref<1x10240xf32, #tpu.memory_space<hbm>> -> memref<10240xf32, #tpu.memory_space<hbm>>
      tpu.enqueue_dma source(%dma_start3A_30 : memref<10240xf32, #tpu.memory_space<hbm>>) target(%arg10 : memref<10240xf32, #tpu.memory_space<vmem>>) target_semaphore(%run_scoped3A_24 : memref<!tpu.dma_semaphore, #tpu.memory_space<semaphore_mem>>)
      %dma_wait3A_31 = arith.constant 0 : i32
      %dma_wait3A_32 = tpu.memref_slice %arg2[%run_scoped3A_9, %dma_wait3A_31] : memref<6x10240xf32, #tpu.memory_space<hbm>> -> memref<1x10240xf32, #tpu.memory_space<hbm>>
      %dma_wait3A_33 = tpu.memref_squeeze %dma_wait3A_32 : memref<1x10240xf32, #tpu.memory_space<hbm>> -> memref<10240xf32, #tpu.memory_space<hbm>>
      %dma_wait3A_34 = arith.constant 0 : i32
      %dma_wait3A_35 = tpu.memref_slice %arg2[%run_scoped3A_9, %dma_wait3A_34] : memref<6x10240xf32, #tpu.memory_space<hbm>> -> memref<1x10240xf32, #tpu.memory_space<hbm>>
      %dma_wait3A_36 = tpu.memref_squeeze %dma_wait3A_35 : memref<1x10240xf32, #tpu.memory_space<hbm>> -> memref<10240xf32, #tpu.memory_space<hbm>>
      tpu.wait_dma2 semaphore(%run_scoped3A_24 : memref<!tpu.dma_semaphore, #tpu.memory_space<semaphore_mem>>) src(%dma_wait3A_36 : memref<10240xf32, #tpu.memory_space<hbm>>) dst(%arg10 : memref<10240xf32, #tpu.memory_space<vmem>>)
      tpu.yield
    }) : () -> ()
    %broadcast_in_dim3A = arith.constant 0.000000e+00 : f32
    %broadcast_in_dim3A_10 = vector.broadcast %broadcast_in_dim3A : f32 to vector<16xf32>
    %parallel_loop3A = arith.constant 0 : i32
    %parallel_loop3A_11 = arith.constant 10240 : i32
    %parallel_loop3A_12 = arith.constant 16 : i32
    scf.for %parallel_loop3A_24 = %parallel_loop3A to %parallel_loop3A_11 step %parallel_loop3A_12  : i32 {
      %parallel_loop3A_25 = arith.index_cast %parallel_loop3A_24 : i32 to index
      %parallel_loop3A_26 = tpu.vector_load %arg11[%parallel_loop3A_25] {strides = array<i32>} : memref<10240xf32, #tpu.memory_space<vmem>>, vector<16xf32>,
      tpu.vector_store %arg11[%parallel_loop3A_25], %broadcast_in_dim3A_10 {strides = array<i32>} : memref<10240xf32, #tpu.memory_space<vmem>>, vector<16xf32>,
      %parallel_loop3A_27 = arith.index_cast %parallel_loop3A_24 : i32 to index
      %parallel_loop3A_28 = tpu.vector_load %arg12[%parallel_loop3A_27] {strides = array<i32>} : memref<10240xf32, #tpu.memory_space<vmem>>, vector<16xf32>,
      tpu.vector_store %arg12[%parallel_loop3A_27], %broadcast_in_dim3A_10 {strides = array<i32>} : memref<10240xf32, #tpu.memory_space<vmem>>, vector<16xf32>,
      %parallel_loop3A_29 = arith.index_cast %parallel_loop3A_24 : i32 to index
      %parallel_loop3A_30 = tpu.vector_load %arg13[%parallel_loop3A_29] {strides = array<i32>} : memref<10240xf32, #tpu.memory_space<vmem>>, vector<16xf32>,
      tpu.vector_store %arg13[%parallel_loop3A_29], %broadcast_in_dim3A_10 {strides = array<i32>} : memref<10240xf32, #tpu.memory_space<vmem>>, vector<16xf32>,
      %parallel_loop3A_31 = arith.index_cast %parallel_loop3A_24 : i32 to index
      %parallel_loop3A_32 = tpu.vector_load %arg14[%parallel_loop3A_31] {strides = array<i32>} : memref<10240xf32, #tpu.memory_space<vmem>>, vector<16xf32>,
      tpu.vector_store %arg14[%parallel_loop3A_31], %broadcast_in_dim3A_10 {strides = array<i32>} : memref<10240xf32, #tpu.memory_space<vmem>>, vector<16xf32>,
      %parallel_loop3A_33 = arith.index_cast %parallel_loop3A_24 : i32 to index
      %parallel_loop3A_34 = tpu.vector_load %arg15[%parallel_loop3A_33] {strides = array<i32>} : memref<10240xf32, #tpu.memory_space<vmem>>, vector<16xf32>,
      tpu.vector_store %arg15[%parallel_loop3A_33], %broadcast_in_dim3A_10 {strides = array<i32>} : memref<10240xf32, #tpu.memory_space<vmem>>, vector<16xf32>,
    } {sc.loop_unroll_factor = 4 : i64, sc.parallel_access}
    %dma_wait3A = tpu.memref_slice %arg3[%mul3A_2] : memref<320000xi32, #tpu.memory_space<hbm>> -> memref<10000xi32, #tpu.memory_space<hbm>>
    %dma_wait3A_13 = tpu.memref_slice %arg3[%mul3A_2] : memref<320000xi32, #tpu.memory_space<hbm>> -> memref<10000xi32, #tpu.memory_space<hbm>>
    tpu.wait_dma2 semaphore(%arg18 : memref<!tpu.dma_semaphore, #tpu.memory_space<semaphore_mem>>) src(%dma_wait3A_13 : memref<10000xi32, #tpu.memory_space<hbm>>) dst(%arg16 : memref<10000xi32, #tpu.memory_space<vmem>>)
    %dma_wait3A_14 = tpu.memref_slice %arg4[%mul3A_2] : memref<320000xi32, #tpu.memory_space<hbm>> -> memref<10000xi32, #tpu.memory_space<hbm>>
    %dma_wait3A_15 = tpu.memref_slice %arg4[%mul3A_2] : memref<320000xi32, #tpu.memory_space<hbm>> -> memref<10000xi32, #tpu.memory_space<hbm>>
    tpu.wait_dma2 semaphore(%arg19 : memref<!tpu.dma_semaphore, #tpu.memory_space<semaphore_mem>>) src(%dma_wait3A_15 : memref<10000xi32, #tpu.memory_space<hbm>>) dst(%arg17 : memref<10000xi32, #tpu.memory_space<vmem>>)
    %parallel_loop3A_16 = arith.constant 0 : i32
    %parallel_loop3A_17 = arith.constant 10000 : i32
    %parallel_loop3A_18 = arith.constant 16 : i32
    scf.for %parallel_loop3A_24 = %parallel_loop3A_16 to %parallel_loop3A_17 step %parallel_loop3A_18  : i32 {
      %parallel_loop3A_25 = arith.index_cast %parallel_loop3A_24 : i32 to index
      %parallel_loop3A_26 = tpu.vector_load %arg16[%parallel_loop3A_25] {strides = array<i32>} : memref<10000xi32, #tpu.memory_space<vmem>>, vector<16xi32>,
      %parallel_loop3A_27 = arith.index_cast %parallel_loop3A_24 : i32 to index
      %parallel_loop3A_28 = tpu.vector_load %arg17[%parallel_loop3A_27] {strides = array<i32>} : memref<10000xi32, #tpu.memory_space<vmem>>, vector<16xi32>,
      %parallel_loop3A_29 = tpu.vector_load_idx %arg6[%parallel_loop3A_26] : memref<10240xf32, #tpu.memory_space<vmem>>[vector<16xi32>], vector<16xf32>,
      tpu.vector_store_idx %arg11[%parallel_loop3A_28], %parallel_loop3A_29 {add = true} : memref<10240xf32, #tpu.memory_space<vmem>>[vector<16xi32>], vector<16xf32>,
      %parallel_loop3A_30 = tpu.vector_load_idx %arg7[%parallel_loop3A_26] : memref<10240xf32, #tpu.memory_space<vmem>>[vector<16xi32>], vector<16xf32>,
      tpu.vector_store_idx %arg12[%parallel_loop3A_28], %parallel_loop3A_30 {add = true} : memref<10240xf32, #tpu.memory_space<vmem>>[vector<16xi32>], vector<16xf32>,
      %parallel_loop3A_31 = tpu.vector_load_idx %arg8[%parallel_loop3A_26] : memref<10240xf32, #tpu.memory_space<vmem>>[vector<16xi32>], vector<16xf32>,
      tpu.vector_store_idx %arg13[%parallel_loop3A_28], %parallel_loop3A_31 {add = true} : memref<10240xf32, #tpu.memory_space<vmem>>[vector<16xi32>], vector<16xf32>,
      %parallel_loop3A_32 = tpu.vector_load_idx %arg9[%parallel_loop3A_26] : memref<10240xf32, #tpu.memory_space<vmem>>[vector<16xi32>], vector<16xf32>,
      tpu.vector_store_idx %arg14[%parallel_loop3A_28], %parallel_loop3A_32 {add = true} : memref<10240xf32, #tpu.memory_space<vmem>>[vector<16xi32>], vector<16xf32>,
      %parallel_loop3A_33 = tpu.vector_load_idx %arg10[%parallel_loop3A_26] : memref<10240xf32, #tpu.memory_space<vmem>>[vector<16xi32>], vector<16xf32>,
      tpu.vector_store_idx %arg15[%parallel_loop3A_28], %parallel_loop3A_33 {add = true} : memref<10240xf32, #tpu.memory_space<vmem>>[vector<16xi32>], vector<16xf32>,
    } {sc.loop_unroll_factor = 4 : i64, sc.parallel_access}
    %run_scoped3A_19 = arith.constant 0 : i32
    "tpu.region"() ({
      %run_scoped3A_24 = tpu.sem_alloc : memref<!tpu.dma_semaphore, #tpu.memory_space<semaphore_mem>>
      %dma_start3A_25 = arith.constant 0 : i32
      %dma_start3A_26 = tpu.memref_slice %arg5[%add3A, %run_scoped3A_19, %dma_start3A_25] : memref<32x5x10240xf32, #tpu.memory_space<hbm>> -> memref<1x1x10240xf32, #tpu.memory_space<hbm>>
      %dma_start3A_27 = tpu.memref_squeeze %dma_start3A_26 : memref<1x1x10240xf32, #tpu.memory_space<hbm>> -> memref<10240xf32, #tpu.memory_space<hbm>>
      %dma_start3A_28 = arith.constant 0 : i32
      %dma_start3A_29 = tpu.memref_slice %arg5[%add3A, %run_scoped3A_19, %dma_start3A_28] : memref<32x5x10240xf32, #tpu.memory_space<hbm>> -> memref<1x1x10240xf32, #tpu.memory_space<hbm>>
      %dma_start3A_30 = tpu.memref_squeeze %dma_start3A_29 : memref<1x1x10240xf32, #tpu.memory_space<hbm>> -> memref<10240xf32, #tpu.memory_space<hbm>>
      tpu.enqueue_dma source(%arg11 : memref<10240xf32, #tpu.memory_space<vmem>>) target(%dma_start3A_30 : memref<10240xf32, #tpu.memory_space<hbm>>) target_semaphore(%run_scoped3A_24 : memref<!tpu.dma_semaphore, #tpu.memory_space<semaphore_mem>>)
      %dma_wait3A_31 = arith.constant 0 : i32
      %dma_wait3A_32 = tpu.memref_slice %arg5[%add3A, %run_scoped3A_19, %dma_wait3A_31] : memref<32x5x10240xf32, #tpu.memory_space<hbm>> -> memref<1x1x10240xf32, #tpu.memory_space<hbm>>
      %dma_wait3A_33 = tpu.memref_squeeze %dma_wait3A_32 : memref<1x1x10240xf32, #tpu.memory_space<hbm>> -> memref<10240xf32, #tpu.memory_space<hbm>>
      %dma_wait3A_34 = arith.constant 0 : i32
      %dma_wait3A_35 = tpu.memref_slice %arg5[%add3A, %run_scoped3A_19, %dma_wait3A_34] : memref<32x5x10240xf32, #tpu.memory_space<hbm>> -> memref<1x1x10240xf32, #tpu.memory_space<hbm>>
      %dma_wait3A_36 = tpu.memref_squeeze %dma_wait3A_35 : memref<1x1x10240xf32, #tpu.memory_space<hbm>> -> memref<10240xf32, #tpu.memory_space<hbm>>
      tpu.wait_dma2 semaphore(%run_scoped3A_24 : memref<!tpu.dma_semaphore, #tpu.memory_space<semaphore_mem>>) src(%arg11 : memref<10240xf32, #tpu.memory_space<vmem>>) dst(%dma_wait3A_36 : memref<10240xf32, #tpu.memory_space<hbm>>)
      tpu.yield
    }) : () -> ()
    %run_scoped3A_20 = arith.constant 1 : i32
    "tpu.region"() ({
      %run_scoped3A_24 = tpu.sem_alloc : memref<!tpu.dma_semaphore, #tpu.memory_space<semaphore_mem>>
      %dma_start3A_25 = arith.constant 0 : i32
      %dma_start3A_26 = tpu.memref_slice %arg5[%add3A, %run_scoped3A_20, %dma_start3A_25] : memref<32x5x10240xf32, #tpu.memory_space<hbm>> -> memref<1x1x10240xf32, #tpu.memory_space<hbm>>
      %dma_start3A_27 = tpu.memref_squeeze %dma_start3A_26 : memref<1x1x10240xf32, #tpu.memory_space<hbm>> -> memref<10240xf32, #tpu.memory_space<hbm>>
      %dma_start3A_28 = arith.constant 0 : i32
      %dma_start3A_29 = tpu.memref_slice %arg5[%add3A, %run_scoped3A_20, %dma_start3A_28] : memref<32x5x10240xf32, #tpu.memory_space<hbm>> -> memref<1x1x10240xf32, #tpu.memory_space<hbm>>
      %dma_start3A_30 = tpu.memref_squeeze %dma_start3A_29 : memref<1x1x10240xf32, #tpu.memory_space<hbm>> -> memref<10240xf32, #tpu.memory_space<hbm>>
      tpu.enqueue_dma source(%arg12 : memref<10240xf32, #tpu.memory_space<vmem>>) target(%dma_start3A_30 : memref<10240xf32, #tpu.memory_space<hbm>>) target_semaphore(%run_scoped3A_24 : memref<!tpu.dma_semaphore, #tpu.memory_space<semaphore_mem>>)
      %dma_wait3A_31 = arith.constant 0 : i32
      %dma_wait3A_32 = tpu.memref_slice %arg5[%add3A, %run_scoped3A_20, %dma_wait3A_31] : memref<32x5x10240xf32, #tpu.memory_space<hbm>> -> memref<1x1x10240xf32, #tpu.memory_space<hbm>>
      %dma_wait3A_33 = tpu.memref_squeeze %dma_wait3A_32 : memref<1x1x10240xf32, #tpu.memory_space<hbm>> -> memref<10240xf32, #tpu.memory_space<hbm>>
      %dma_wait3A_34 = arith.constant 0 : i32
      %dma_wait3A_35 = tpu.memref_slice %arg5[%add3A, %run_scoped3A_20, %dma_wait3A_34] : memref<32x5x10240xf32, #tpu.memory_space<hbm>> -> memref<1x1x10240xf32, #tpu.memory_space<hbm>>
      %dma_wait3A_36 = tpu.memref_squeeze %dma_wait3A_35 : memref<1x1x10240xf32, #tpu.memory_space<hbm>> -> memref<10240xf32, #tpu.memory_space<hbm>>
      tpu.wait_dma2 semaphore(%run_scoped3A_24 : memref<!tpu.dma_semaphore, #tpu.memory_space<semaphore_mem>>) src(%arg12 : memref<10240xf32, #tpu.memory_space<vmem>>) dst(%dma_wait3A_36 : memref<10240xf32, #tpu.memory_space<hbm>>)
      tpu.yield
    }) : () -> ()
    %run_scoped3A_21 = arith.constant 2 : i32
    "tpu.region"() ({
      %run_scoped3A_24 = tpu.sem_alloc : memref<!tpu.dma_semaphore, #tpu.memory_space<semaphore_mem>>
      %dma_start3A_25 = arith.constant 0 : i32
      %dma_start3A_26 = tpu.memref_slice %arg5[%add3A, %run_scoped3A_21, %dma_start3A_25] : memref<32x5x10240xf32, #tpu.memory_space<hbm>> -> memref<1x1x10240xf32, #tpu.memory_space<hbm>>
      %dma_start3A_27 = tpu.memref_squeeze %dma_start3A_26 : memref<1x1x10240xf32, #tpu.memory_space<hbm>> -> memref<10240xf32, #tpu.memory_space<hbm>>
      %dma_start3A_28 = arith.constant 0 : i32
      %dma_start3A_29 = tpu.memref_slice %arg5[%add3A, %run_scoped3A_21, %dma_start3A_28] : memref<32x5x10240xf32, #tpu.memory_space<hbm>> -> memref<1x1x10240xf32, #tpu.memory_space<hbm>>
      %dma_start3A_30 = tpu.memref_squeeze %dma_start3A_29 : memref<1x1x10240xf32, #tpu.memory_space<hbm>> -> memref<10240xf32, #tpu.memory_space<hbm>>
      tpu.enqueue_dma source(%arg13 : memref<10240xf32, #tpu.memory_space<vmem>>) target(%dma_start3A_30 : memref<10240xf32, #tpu.memory_space<hbm>>) target_semaphore(%run_scoped3A_24 : memref<!tpu.dma_semaphore, #tpu.memory_space<semaphore_mem>>)
      %dma_wait3A_31 = arith.constant 0 : i32
      %dma_wait3A_32 = tpu.memref_slice %arg5[%add3A, %run_scoped3A_21, %dma_wait3A_31] : memref<32x5x10240xf32, #tpu.memory_space<hbm>> -> memref<1x1x10240xf32, #tpu.memory_space<hbm>>
      %dma_wait3A_33 = tpu.memref_squeeze %dma_wait3A_32 : memref<1x1x10240xf32, #tpu.memory_space<hbm>> -> memref<10240xf32, #tpu.memory_space<hbm>>
      %dma_wait3A_34 = arith.constant 0 : i32
      %dma_wait3A_35 = tpu.memref_slice %arg5[%add3A, %run_scoped3A_21, %dma_wait3A_34] : memref<32x5x10240xf32, #tpu.memory_space<hbm>> -> memref<1x1x10240xf32, #tpu.memory_space<hbm>>
      %dma_wait3A_36 = tpu.memref_squeeze %dma_wait3A_35 : memref<1x1x10240xf32, #tpu.memory_space<hbm>> -> memref<10240xf32, #tpu.memory_space<hbm>>
      tpu.wait_dma2 semaphore(%run_scoped3A_24 : memref<!tpu.dma_semaphore, #tpu.memory_space<semaphore_mem>>) src(%arg13 : memref<10240xf32, #tpu.memory_space<vmem>>) dst(%dma_wait3A_36 : memref<10240xf32, #tpu.memory_space<hbm>>)
      tpu.yield
    }) : () -> ()
    %run_scoped3A_22 = arith.constant 3 : i32
    "tpu.region"() ({
      %run_scoped3A_24 = tpu.sem_alloc : memref<!tpu.dma_semaphore, #tpu.memory_space<semaphore_mem>>
      %dma_start3A_25 = arith.constant 0 : i32
      %dma_start3A_26 = tpu.memref_slice %arg5[%add3A, %run_scoped3A_22, %dma_start3A_25] : memref<32x5x10240xf32, #tpu.memory_space<hbm>> -> memref<1x1x10240xf32, #tpu.memory_space<hbm>>
      %dma_start3A_27 = tpu.memref_squeeze %dma_start3A_26 : memref<1x1x10240xf32, #tpu.memory_space<hbm>> -> memref<10240xf32, #tpu.memory_space<hbm>>
      %dma_start3A_28 = arith.constant 0 : i32
      %dma_start3A_29 = tpu.memref_slice %arg5[%add3A, %run_scoped3A_22, %dma_start3A_28] : memref<32x5x10240xf32, #tpu.memory_space<hbm>> -> memref<1x1x10240xf32, #tpu.memory_space<hbm>>
      %dma_start3A_30 = tpu.memref_squeeze %dma_start3A_29 : memref<1x1x10240xf32, #tpu.memory_space<hbm>> -> memref<10240xf32, #tpu.memory_space<hbm>>
      tpu.enqueue_dma source(%arg14 : memref<10240xf32, #tpu.memory_space<vmem>>) target(%dma_start3A_30 : memref<10240xf32, #tpu.memory_space<hbm>>) target_semaphore(%run_scoped3A_24 : memref<!tpu.dma_semaphore, #tpu.memory_space<semaphore_mem>>)
      %dma_wait3A_31 = arith.constant 0 : i32
      %dma_wait3A_32 = tpu.memref_slice %arg5[%add3A, %run_scoped3A_22, %dma_wait3A_31] : memref<32x5x10240xf32, #tpu.memory_space<hbm>> -> memref<1x1x10240xf32, #tpu.memory_space<hbm>>
      %dma_wait3A_33 = tpu.memref_squeeze %dma_wait3A_32 : memref<1x1x10240xf32, #tpu.memory_space<hbm>> -> memref<10240xf32, #tpu.memory_space<hbm>>
      %dma_wait3A_34 = arith.constant 0 : i32
      %dma_wait3A_35 = tpu.memref_slice %arg5[%add3A, %run_scoped3A_22, %dma_wait3A_34] : memref<32x5x10240xf32, #tpu.memory_space<hbm>> -> memref<1x1x10240xf32, #tpu.memory_space<hbm>>
      %dma_wait3A_36 = tpu.memref_squeeze %dma_wait3A_35 : memref<1x1x10240xf32, #tpu.memory_space<hbm>> -> memref<10240xf32, #tpu.memory_space<hbm>>
      tpu.wait_dma2 semaphore(%run_scoped3A_24 : memref<!tpu.dma_semaphore, #tpu.memory_space<semaphore_mem>>) src(%arg14 : memref<10240xf32, #tpu.memory_space<vmem>>) dst(%dma_wait3A_36 : memref<10240xf32, #tpu.memory_space<hbm>>)
      tpu.yield
    }) : () -> ()
    %run_scoped3A_23 = arith.constant 4 : i32
    "tpu.region"() ({
      %run_scoped3A_24 = tpu.sem_alloc : memref<!tpu.dma_semaphore, #tpu.memory_space<semaphore_mem>>
      %dma_start3A_25 = arith.constant 0 : i32
      %dma_start3A_26 = tpu.memref_slice %arg5[%add3A, %run_scoped3A_23, %dma_start3A_25] : memref<32x5x10240xf32, #tpu.memory_space<hbm>> -> memref<1x1x10240xf32, #tpu.memory_space<hbm>>
      %dma_start3A_27 = tpu.memref_squeeze %dma_start3A_26 : memref<1x1x10240xf32, #tpu.memory_space<hbm>> -> memref<10240xf32, #tpu.memory_space<hbm>>
      %dma_start3A_28 = arith.constant 0 : i32
      %dma_start3A_29 = tpu.memref_slice %arg5[%add3A, %run_scoped3A_23, %dma_start3A_28] : memref<32x5x10240xf32, #tpu.memory_space<hbm>> -> memref<1x1x10240xf32, #tpu.memory_space<hbm>>
      %dma_start3A_30 = tpu.memref_squeeze %dma_start3A_29 : memref<1x1x10240xf32, #tpu.memory_space<hbm>> -> memref<10240xf32, #tpu.memory_space<hbm>>
      tpu.enqueue_dma source(%arg15 : memref<10240xf32, #tpu.memory_space<vmem>>) target(%dma_start3A_30 : memref<10240xf32, #tpu.memory_space<hbm>>) target_semaphore(%run_scoped3A_24 : memref<!tpu.dma_semaphore, #tpu.memory_space<semaphore_mem>>)
      %dma_wait3A_31 = arith.constant 0 : i32
      %dma_wait3A_32 = tpu.memref_slice %arg5[%add3A, %run_scoped3A_23, %dma_wait3A_31] : memref<32x5x10240xf32, #tpu.memory_space<hbm>> -> memref<1x1x10240xf32, #tpu.memory_space<hbm>>
      %dma_wait3A_33 = tpu.memref_squeeze %dma_wait3A_32 : memref<1x1x10240xf32, #tpu.memory_space<hbm>> -> memref<10240xf32, #tpu.memory_space<hbm>>
      %dma_wait3A_34 = arith.constant 0 : i32
      %dma_wait3A_35 = tpu.memref_slice %arg5[%add3A, %run_scoped3A_23, %dma_wait3A_34] : memref<32x5x10240xf32, #tpu.memory_space<hbm>> -> memref<1x1x10240xf32, #tpu.memory_space<hbm>>
      %dma_wait3A_36 = tpu.memref_squeeze %dma_wait3A_35 : memref<1x1x10240xf32, #tpu.memory_space<hbm>> -> memref<10240xf32, #tpu.memory_space<hbm>>
      tpu.wait_dma2 semaphore(%run_scoped3A_24 : memref<!tpu.dma_semaphore, #tpu.memory_space<semaphore_mem>>) src(%arg15 : memref<10240xf32, #tpu.memory_space<vmem>>) dst(%dma_wait3A_36 : memref<10240xf32, #tpu.memory_space<hbm>>)
      tpu.yield
    }) : () -> ()
    return
  }
}

#map = affine_map<(d0, d1) -> (0, 0, 0)>
#map1 = affine_map<(d0, d1) -> (0, 0)>
#map2 = affine_map<(d0, d1) -> (0)>
module attributes {stable_mosaic.version = 14 : i64} {
  func.func @body(%arg0: i32, %arg1: i32, %arg2: memref<32x5x10240xf32, #tpu.memory_space<hbm>>, %arg3: memref<6x10240xf32, #tpu.memory_space<hbm>>, %arg4: memref<29x16xf32, #tpu.memory_space<hbm>>, %arg5: memref<40960xf32, #tpu.memory_space<hbm>>, %arg6: memref<6x320xf32, #tpu.memory_space<vmem>>, %arg7: memref<32x5x320xf32, #tpu.memory_space<vmem>>, %arg8: memref<29x16xf32, #tpu.memory_space<vmem>>, %arg9: memref<1280xf32, #tpu.memory_space<vmem>>) attributes {dimension_semantics = [#tpu.dimension_semantics<core_parallel>, #tpu.dimension_semantics<subcore_parallel>], iteration_bounds = array<i64: 2, 16>, scalar_prefetch = 0 : i64, scratch_operands = 4 : i64, tpu.core_type = #tpu.core_type<sc_vector_subcore>, window_params = [{transform_indices = #map}, {transform_indices = #map1}, {transform_indices = #map1}, {transform_indices = #map2}]} {
    %mul3A = arith.constant 2 : i32
    %mul3A_0 = arith.muli %arg1, %mul3A : i32
    %add3A = arith.addi %mul3A_0, %arg0 : i32
    %mul3A_1 = arith.constant 320 : i32
    %mul3A_2 = arith.muli %add3A, %mul3A_1 : i32
    "tpu.region"() ({
      %run_scoped3A = tpu.sem_alloc : memref<!tpu.dma_semaphore, #tpu.memory_space<semaphore_mem>>
      %dma_start3A = arith.constant 0 : i32
      %dma_start3A_11 = tpu.memref_slice %arg3[%dma_start3A, %mul3A_2] : memref<6x10240xf32, #tpu.memory_space<hbm>> -> memref<6x320xf32, #tpu.memory_space<hbm>>
      %dma_start3A_12 = arith.constant 0 : i32
      %dma_start3A_13 = tpu.memref_slice %arg3[%dma_start3A_12, %mul3A_2] : memref<6x10240xf32, #tpu.memory_space<hbm>> -> memref<6x320xf32, #tpu.memory_space<hbm>>
      tpu.enqueue_dma source(%dma_start3A_13 : memref<6x320xf32, #tpu.memory_space<hbm>>) target(%arg6 : memref<6x320xf32, #tpu.memory_space<vmem>>) target_semaphore(%run_scoped3A : memref<!tpu.dma_semaphore, #tpu.memory_space<semaphore_mem>>)
      %dma_wait3A = arith.constant 0 : i32
      %dma_wait3A_14 = tpu.memref_slice %arg3[%dma_wait3A, %mul3A_2] : memref<6x10240xf32, #tpu.memory_space<hbm>> -> memref<6x320xf32, #tpu.memory_space<hbm>>
      %dma_wait3A_15 = arith.constant 0 : i32
      %dma_wait3A_16 = tpu.memref_slice %arg3[%dma_wait3A_15, %mul3A_2] : memref<6x10240xf32, #tpu.memory_space<hbm>> -> memref<6x320xf32, #tpu.memory_space<hbm>>
      tpu.wait_dma2 semaphore(%run_scoped3A : memref<!tpu.dma_semaphore, #tpu.memory_space<semaphore_mem>>) src(%dma_wait3A_16 : memref<6x320xf32, #tpu.memory_space<hbm>>) dst(%arg6 : memref<6x320xf32, #tpu.memory_space<vmem>>)
      tpu.yield
    }) : () -> ()
    "tpu.region"() ({
      %run_scoped3A = tpu.sem_alloc : memref<!tpu.dma_semaphore, #tpu.memory_space<semaphore_mem>>
      tpu.enqueue_dma source(%arg4 : memref<29x16xf32, #tpu.memory_space<hbm>>) target(%arg8 : memref<29x16xf32, #tpu.memory_space<vmem>>) target_semaphore(%run_scoped3A : memref<!tpu.dma_semaphore, #tpu.memory_space<semaphore_mem>>)
      tpu.wait_dma2 semaphore(%run_scoped3A : memref<!tpu.dma_semaphore, #tpu.memory_space<semaphore_mem>>) src(%arg4 : memref<29x16xf32, #tpu.memory_space<hbm>>) dst(%arg8 : memref<29x16xf32, #tpu.memory_space<vmem>>)
      tpu.yield
    }) : () -> ()
    "tpu.region"() ({
      %run_scoped3A = tpu.sem_alloc : memref<!tpu.dma_semaphore, #tpu.memory_space<semaphore_mem>>
      %dma_start3A = arith.constant 0 : i32
      %dma_start3A_11 = arith.constant 0 : i32
      %dma_start3A_12 = tpu.memref_slice %arg2[%dma_start3A, %dma_start3A_11, %mul3A_2] : memref<32x5x10240xf32, #tpu.memory_space<hbm>> -> memref<32x5x320xf32, #tpu.memory_space<hbm>>
      %dma_start3A_13 = arith.constant 0 : i32
      %dma_start3A_14 = arith.constant 0 : i32
      %dma_start3A_15 = tpu.memref_slice %arg2[%dma_start3A_13, %dma_start3A_14, %mul3A_2] : memref<32x5x10240xf32, #tpu.memory_space<hbm>> -> memref<32x5x320xf32, #tpu.memory_space<hbm>>
      tpu.enqueue_dma source(%dma_start3A_15 : memref<32x5x320xf32, #tpu.memory_space<hbm>>) target(%arg7 : memref<32x5x320xf32, #tpu.memory_space<vmem>>) target_semaphore(%run_scoped3A : memref<!tpu.dma_semaphore, #tpu.memory_space<semaphore_mem>>)
      %dma_wait3A = arith.constant 0 : i32
      %dma_wait3A_16 = arith.constant 0 : i32
      %dma_wait3A_17 = tpu.memref_slice %arg2[%dma_wait3A, %dma_wait3A_16, %mul3A_2] : memref<32x5x10240xf32, #tpu.memory_space<hbm>> -> memref<32x5x320xf32, #tpu.memory_space<hbm>>
      %dma_wait3A_18 = arith.constant 0 : i32
      %dma_wait3A_19 = arith.constant 0 : i32
      %dma_wait3A_20 = tpu.memref_slice %arg2[%dma_wait3A_18, %dma_wait3A_19, %mul3A_2] : memref<32x5x10240xf32, #tpu.memory_space<hbm>> -> memref<32x5x320xf32, #tpu.memory_space<hbm>>
      tpu.wait_dma2 semaphore(%run_scoped3A : memref<!tpu.dma_semaphore, #tpu.memory_space<semaphore_mem>>) src(%dma_wait3A_20 : memref<32x5x320xf32, #tpu.memory_space<hbm>>) dst(%arg7 : memref<32x5x320xf32, #tpu.memory_space<vmem>>)
      tpu.yield
    }) : () -> ()
    %iota3A = tpu.iota {dimensions = array<i32: 0>} : vector<16xi32>
    %scan3A = arith.constant 0 : i32
    %scan3A_3 = arith.constant 0 : i32
    %scan3A_4 = arith.constant 20 : i32
    %scan3A_5 = arith.addi %scan3A_3, %scan3A_4 : i32
    %scan3A_6 = arith.constant 1 : i32
    %scan3A_7 = scf.for %scan3A_11 = %scan3A_3 to %scan3A_5 step %scan3A_6 iter_args(%scan3A_12 = %scan3A) -> (i32)  : i32 {
      %mul3A_13 = arith.constant 16 : i32
      %mul3A_14 = arith.muli %scan3A_11, %mul3A_13 : i32
      %get3A = arith.constant 5 : i32
      %get3A_15 = arith.index_cast %get3A : i32 to index
      %get3A_16 = arith.index_cast %mul3A_14 : i32 to index
      %get3A_17 = tpu.vector_load %arg6[%get3A_15, %get3A_16] {strides = array<i32>} : memref<6x320xf32, #tpu.memory_space<vmem>>, vector<16xf32>,
      %mul3A_18 = arith.constant 16 : i32
      %mul3A_19 = arith.muli %scan3A_11, %mul3A_18 : i32
      %get3A_20 = arith.constant 0 : i32
      %get3A_21 = arith.index_cast %get3A_20 : i32 to index
      %get3A_22 = arith.index_cast %mul3A_19 : i32 to index
      %get3A_23 = tpu.vector_load %arg6[%get3A_21, %get3A_22] {strides = array<i32>} : memref<6x320xf32, #tpu.memory_space<vmem>>, vector<16xf32>,
      %mul3A_24 = arith.constant 16 : i32
      %mul3A_25 = arith.muli %scan3A_11, %mul3A_24 : i32
      %get3A_26 = arith.constant 1 : i32
      %get3A_27 = arith.index_cast %get3A_26 : i32 to index
      %get3A_28 = arith.index_cast %mul3A_25 : i32 to index
      %get3A_29 = tpu.vector_load %arg6[%get3A_27, %get3A_28] {strides = array<i32>} : memref<6x320xf32, #tpu.memory_space<vmem>>, vector<16xf32>,
      %mul3A_30 = arith.constant 16 : i32
      %mul3A_31 = arith.muli %scan3A_11, %mul3A_30 : i32
      %get3A_32 = arith.constant 2 : i32
      %get3A_33 = arith.index_cast %get3A_32 : i32 to index
      %get3A_34 = arith.index_cast %mul3A_31 : i32 to index
      %get3A_35 = tpu.vector_load %arg6[%get3A_33, %get3A_34] {strides = array<i32>} : memref<6x320xf32, #tpu.memory_space<vmem>>, vector<16xf32>,
      %mul3A_36 = arith.constant 16 : i32
      %mul3A_37 = arith.muli %scan3A_11, %mul3A_36 : i32
      %get3A_38 = arith.constant 3 : i32
      %get3A_39 = arith.index_cast %get3A_38 : i32 to index
      %get3A_40 = arith.index_cast %mul3A_37 : i32 to index
      %get3A_41 = tpu.vector_load %arg6[%get3A_39, %get3A_40] {strides = array<i32>} : memref<6x320xf32, #tpu.memory_space<vmem>>, vector<16xf32>,
      %mul3A_42 = arith.constant 16 : i32
      %mul3A_43 = arith.muli %scan3A_11, %mul3A_42 : i32
      %get3A_44 = arith.constant 4 : i32
      %get3A_45 = arith.index_cast %get3A_44 : i32 to index
      %get3A_46 = arith.index_cast %mul3A_43 : i32 to index
      %get3A_47 = tpu.vector_load %arg6[%get3A_45, %get3A_46] {strides = array<i32>} : memref<6x320xf32, #tpu.memory_space<vmem>>, vector<16xf32>,
      %scan3A_48 = arith.constant 0 : i32
      %scan3A_49 = arith.constant 32 : i32
      %scan3A_50 = arith.addi %scan3A_48, %scan3A_49 : i32
      %scan3A_51 = arith.constant 4 : i32
      %scan3A_52:5 = scf.for %scan3A_274 = %scan3A_48 to %scan3A_50 step %scan3A_51 iter_args(%scan3A_275 = %get3A_23, %scan3A_276 = %get3A_29, %scan3A_277 = %get3A_35, %scan3A_278 = %get3A_41, %scan3A_279 = %get3A_47) -> (vector<16xf32>, vector<16xf32>, vector<16xf32>, vector<16xf32>, vector<16xf32>)  : i32 {
        %mul3A_280 = arith.constant 16 : i32
        %mul3A_281 = arith.muli %scan3A_11, %mul3A_280 : i32
        %get3A_282 = arith.constant 0 : i32
        %get3A_283 = arith.index_cast %scan3A_274 : i32 to index
        %get3A_284 = arith.index_cast %get3A_282 : i32 to index
        %get3A_285 = arith.index_cast %mul3A_281 : i32 to index
        %get3A_286 = tpu.vector_load %arg7[%get3A_283, %get3A_284, %get3A_285] {strides = array<i32>} : memref<32x5x320xf32, #tpu.memory_space<vmem>>, vector<16xf32>,
        %add3A_287 = arith.addf %scan3A_275, %get3A_286 : vector<16xf32>
        %mul3A_288 = arith.constant 16 : i32
        %mul3A_289 = arith.muli %scan3A_11, %mul3A_288 : i32
        %get3A_290 = arith.constant 1 : i32
        %get3A_291 = arith.index_cast %scan3A_274 : i32 to index
        %get3A_292 = arith.index_cast %get3A_290 : i32 to index
        %get3A_293 = arith.index_cast %mul3A_289 : i32 to index
        %get3A_294 = tpu.vector_load %arg7[%get3A_291, %get3A_292, %get3A_293] {strides = array<i32>} : memref<32x5x320xf32, #tpu.memory_space<vmem>>, vector<16xf32>,
        %add3A_295 = arith.addf %scan3A_276, %get3A_294 : vector<16xf32>
        %mul3A_296 = arith.constant 16 : i32
        %mul3A_297 = arith.muli %scan3A_11, %mul3A_296 : i32
        %get3A_298 = arith.constant 2 : i32
        %get3A_299 = arith.index_cast %scan3A_274 : i32 to index
        %get3A_300 = arith.index_cast %get3A_298 : i32 to index
        %get3A_301 = arith.index_cast %mul3A_297 : i32 to index
        %get3A_302 = tpu.vector_load %arg7[%get3A_299, %get3A_300, %get3A_301] {strides = array<i32>} : memref<32x5x320xf32, #tpu.memory_space<vmem>>, vector<16xf32>,
        %add3A_303 = arith.addf %scan3A_277, %get3A_302 : vector<16xf32>
        %mul3A_304 = arith.constant 16 : i32
        %mul3A_305 = arith.muli %scan3A_11, %mul3A_304 : i32
        %get3A_306 = arith.constant 3 : i32
        %get3A_307 = arith.index_cast %scan3A_274 : i32 to index
        %get3A_308 = arith.index_cast %get3A_306 : i32 to index
        %get3A_309 = arith.index_cast %mul3A_305 : i32 to index
        %get3A_310 = tpu.vector_load %arg7[%get3A_307, %get3A_308, %get3A_309] {strides = array<i32>} : memref<32x5x320xf32, #tpu.memory_space<vmem>>, vector<16xf32>,
        %add3A_311 = arith.addf %scan3A_278, %get3A_310 : vector<16xf32>
        %mul3A_312 = arith.constant 16 : i32
        %mul3A_313 = arith.muli %scan3A_11, %mul3A_312 : i32
        %get3A_314 = arith.constant 4 : i32
        %get3A_315 = arith.index_cast %scan3A_274 : i32 to index
        %get3A_316 = arith.index_cast %get3A_314 : i32 to index
        %get3A_317 = arith.index_cast %mul3A_313 : i32 to index
        %get3A_318 = tpu.vector_load %arg7[%get3A_315, %get3A_316, %get3A_317] {strides = array<i32>} : memref<32x5x320xf32, #tpu.memory_space<vmem>>, vector<16xf32>,
        %add3A_319 = arith.addf %scan3A_279, %get3A_318 : vector<16xf32>
        %scan3A_320 = arith.constant 1 : i32
        %scan3A_321 = arith.addi %scan3A_274, %scan3A_320 : i32
        %mul3A_322 = arith.constant 16 : i32
        %mul3A_323 = arith.muli %scan3A_11, %mul3A_322 : i32
        %get3A_324 = arith.constant 0 : i32
        %get3A_325 = arith.index_cast %scan3A_321 : i32 to index
        %get3A_326 = arith.index_cast %get3A_324 : i32 to index
        %get3A_327 = arith.index_cast %mul3A_323 : i32 to index
        %get3A_328 = tpu.vector_load %arg7[%get3A_325, %get3A_326, %get3A_327] {strides = array<i32>} : memref<32x5x320xf32, #tpu.memory_space<vmem>>, vector<16xf32>,
        %add3A_329 = arith.addf %add3A_287, %get3A_328 : vector<16xf32>
        %mul3A_330 = arith.constant 16 : i32
        %mul3A_331 = arith.muli %scan3A_11, %mul3A_330 : i32
        %get3A_332 = arith.constant 1 : i32
        %get3A_333 = arith.index_cast %scan3A_321 : i32 to index
        %get3A_334 = arith.index_cast %get3A_332 : i32 to index
        %get3A_335 = arith.index_cast %mul3A_331 : i32 to index
        %get3A_336 = tpu.vector_load %arg7[%get3A_333, %get3A_334, %get3A_335] {strides = array<i32>} : memref<32x5x320xf32, #tpu.memory_space<vmem>>, vector<16xf32>,
        %add3A_337 = arith.addf %add3A_295, %get3A_336 : vector<16xf32>
        %mul3A_338 = arith.constant 16 : i32
        %mul3A_339 = arith.muli %scan3A_11, %mul3A_338 : i32
        %get3A_340 = arith.constant 2 : i32
        %get3A_341 = arith.index_cast %scan3A_321 : i32 to index
        %get3A_342 = arith.index_cast %get3A_340 : i32 to index
        %get3A_343 = arith.index_cast %mul3A_339 : i32 to index
        %get3A_344 = tpu.vector_load %arg7[%get3A_341, %get3A_342, %get3A_343] {strides = array<i32>} : memref<32x5x320xf32, #tpu.memory_space<vmem>>, vector<16xf32>,
        %add3A_345 = arith.addf %add3A_303, %get3A_344 : vector<16xf32>
        %mul3A_346 = arith.constant 16 : i32
        %mul3A_347 = arith.muli %scan3A_11, %mul3A_346 : i32
        %get3A_348 = arith.constant 3 : i32
        %get3A_349 = arith.index_cast %scan3A_321 : i32 to index
        %get3A_350 = arith.index_cast %get3A_348 : i32 to index
        %get3A_351 = arith.index_cast %mul3A_347 : i32 to index
        %get3A_352 = tpu.vector_load %arg7[%get3A_349, %get3A_350, %get3A_351] {strides = array<i32>} : memref<32x5x320xf32, #tpu.memory_space<vmem>>, vector<16xf32>,
        %add3A_353 = arith.addf %add3A_311, %get3A_352 : vector<16xf32>
        %mul3A_354 = arith.constant 16 : i32
        %mul3A_355 = arith.muli %scan3A_11, %mul3A_354 : i32
        %get3A_356 = arith.constant 4 : i32
        %get3A_357 = arith.index_cast %scan3A_321 : i32 to index
        %get3A_358 = arith.index_cast %get3A_356 : i32 to index
        %get3A_359 = arith.index_cast %mul3A_355 : i32 to index
        %get3A_360 = tpu.vector_load %arg7[%get3A_357, %get3A_358, %get3A_359] {strides = array<i32>} : memref<32x5x320xf32, #tpu.memory_space<vmem>>, vector<16xf32>,
        %add3A_361 = arith.addf %add3A_319, %get3A_360 : vector<16xf32>
        %scan3A_362 = arith.constant 2 : i32
        %scan3A_363 = arith.addi %scan3A_274, %scan3A_362 : i32
        %mul3A_364 = arith.constant 16 : i32
        %mul3A_365 = arith.muli %scan3A_11, %mul3A_364 : i32
        %get3A_366 = arith.constant 0 : i32
        %get3A_367 = arith.index_cast %scan3A_363 : i32 to index
        %get3A_368 = arith.index_cast %get3A_366 : i32 to index
        %get3A_369 = arith.index_cast %mul3A_365 : i32 to index
        %get3A_370 = tpu.vector_load %arg7[%get3A_367, %get3A_368, %get3A_369] {strides = array<i32>} : memref<32x5x320xf32, #tpu.memory_space<vmem>>, vector<16xf32>,
        %add3A_371 = arith.addf %add3A_329, %get3A_370 : vector<16xf32>
        %mul3A_372 = arith.constant 16 : i32
        %mul3A_373 = arith.muli %scan3A_11, %mul3A_372 : i32
        %get3A_374 = arith.constant 1 : i32
        %get3A_375 = arith.index_cast %scan3A_363 : i32 to index
        %get3A_376 = arith.index_cast %get3A_374 : i32 to index
        %get3A_377 = arith.index_cast %mul3A_373 : i32 to index
        %get3A_378 = tpu.vector_load %arg7[%get3A_375, %get3A_376, %get3A_377] {strides = array<i32>} : memref<32x5x320xf32, #tpu.memory_space<vmem>>, vector<16xf32>,
        %add3A_379 = arith.addf %add3A_337, %get3A_378 : vector<16xf32>
        %mul3A_380 = arith.constant 16 : i32
        %mul3A_381 = arith.muli %scan3A_11, %mul3A_380 : i32
        %get3A_382 = arith.constant 2 : i32
        %get3A_383 = arith.index_cast %scan3A_363 : i32 to index
        %get3A_384 = arith.index_cast %get3A_382 : i32 to index
        %get3A_385 = arith.index_cast %mul3A_381 : i32 to index
        %get3A_386 = tpu.vector_load %arg7[%get3A_383, %get3A_384, %get3A_385] {strides = array<i32>} : memref<32x5x320xf32, #tpu.memory_space<vmem>>, vector<16xf32>,
        %add3A_387 = arith.addf %add3A_345, %get3A_386 : vector<16xf32>
        %mul3A_388 = arith.constant 16 : i32
        %mul3A_389 = arith.muli %scan3A_11, %mul3A_388 : i32
        %get3A_390 = arith.constant 3 : i32
        %get3A_391 = arith.index_cast %scan3A_363 : i32 to index
        %get3A_392 = arith.index_cast %get3A_390 : i32 to index
        %get3A_393 = arith.index_cast %mul3A_389 : i32 to index
        %get3A_394 = tpu.vector_load %arg7[%get3A_391, %get3A_392, %get3A_393] {strides = array<i32>} : memref<32x5x320xf32, #tpu.memory_space<vmem>>, vector<16xf32>,
        %add3A_395 = arith.addf %add3A_353, %get3A_394 : vector<16xf32>
        %mul3A_396 = arith.constant 16 : i32
        %mul3A_397 = arith.muli %scan3A_11, %mul3A_396 : i32
        %get3A_398 = arith.constant 4 : i32
        %get3A_399 = arith.index_cast %scan3A_363 : i32 to index
        %get3A_400 = arith.index_cast %get3A_398 : i32 to index
        %get3A_401 = arith.index_cast %mul3A_397 : i32 to index
        %get3A_402 = tpu.vector_load %arg7[%get3A_399, %get3A_400, %get3A_401] {strides = array<i32>} : memref<32x5x320xf32, #tpu.memory_space<vmem>>, vector<16xf32>,
        %add3A_403 = arith.addf %add3A_361, %get3A_402 : vector<16xf32>
        %scan3A_404 = arith.constant 3 : i32
        %scan3A_405 = arith.addi %scan3A_274, %scan3A_404 : i32
        %mul3A_406 = arith.constant 16 : i32
        %mul3A_407 = arith.muli %scan3A_11, %mul3A_406 : i32
        %get3A_408 = arith.constant 0 : i32
        %get3A_409 = arith.index_cast %scan3A_405 : i32 to index
        %get3A_410 = arith.index_cast %get3A_408 : i32 to index
        %get3A_411 = arith.index_cast %mul3A_407 : i32 to index
        %get3A_412 = tpu.vector_load %arg7[%get3A_409, %get3A_410, %get3A_411] {strides = array<i32>} : memref<32x5x320xf32, #tpu.memory_space<vmem>>, vector<16xf32>,
        %add3A_413 = arith.addf %add3A_371, %get3A_412 : vector<16xf32>
        %mul3A_414 = arith.constant 16 : i32
        %mul3A_415 = arith.muli %scan3A_11, %mul3A_414 : i32
        %get3A_416 = arith.constant 1 : i32
        %get3A_417 = arith.index_cast %scan3A_405 : i32 to index
        %get3A_418 = arith.index_cast %get3A_416 : i32 to index
        %get3A_419 = arith.index_cast %mul3A_415 : i32 to index
        %get3A_420 = tpu.vector_load %arg7[%get3A_417, %get3A_418, %get3A_419] {strides = array<i32>} : memref<32x5x320xf32, #tpu.memory_space<vmem>>, vector<16xf32>,
        %add3A_421 = arith.addf %add3A_379, %get3A_420 : vector<16xf32>
        %mul3A_422 = arith.constant 16 : i32
        %mul3A_423 = arith.muli %scan3A_11, %mul3A_422 : i32
        %get3A_424 = arith.constant 2 : i32
        %get3A_425 = arith.index_cast %scan3A_405 : i32 to index
        %get3A_426 = arith.index_cast %get3A_424 : i32 to index
        %get3A_427 = arith.index_cast %mul3A_423 : i32 to index
        %get3A_428 = tpu.vector_load %arg7[%get3A_425, %get3A_426, %get3A_427] {strides = array<i32>} : memref<32x5x320xf32, #tpu.memory_space<vmem>>, vector<16xf32>,
        %add3A_429 = arith.addf %add3A_387, %get3A_428 : vector<16xf32>
        %mul3A_430 = arith.constant 16 : i32
        %mul3A_431 = arith.muli %scan3A_11, %mul3A_430 : i32
        %get3A_432 = arith.constant 3 : i32
        %get3A_433 = arith.index_cast %scan3A_405 : i32 to index
        %get3A_434 = arith.index_cast %get3A_432 : i32 to index
        %get3A_435 = arith.index_cast %mul3A_431 : i32 to index
        %get3A_436 = tpu.vector_load %arg7[%get3A_433, %get3A_434, %get3A_435] {strides = array<i32>} : memref<32x5x320xf32, #tpu.memory_space<vmem>>, vector<16xf32>,
        %add3A_437 = arith.addf %add3A_395, %get3A_436 : vector<16xf32>
        %mul3A_438 = arith.constant 16 : i32
        %mul3A_439 = arith.muli %scan3A_11, %mul3A_438 : i32
        %get3A_440 = arith.constant 4 : i32
        %get3A_441 = arith.index_cast %scan3A_405 : i32 to index
        %get3A_442 = arith.index_cast %get3A_440 : i32 to index
        %get3A_443 = arith.index_cast %mul3A_439 : i32 to index
        %get3A_444 = tpu.vector_load %arg7[%get3A_441, %get3A_442, %get3A_443] {strides = array<i32>} : memref<32x5x320xf32, #tpu.memory_space<vmem>>, vector<16xf32>,
        %add3A_445 = arith.addf %add3A_403, %get3A_444 : vector<16xf32>
        scf.yield %add3A_413, %add3A_421, %add3A_429, %add3A_437, %add3A_445 : vector<16xf32>, vector<16xf32>, vector<16xf32>, vector<16xf32>, vector<16xf32>
      }
      %scan3A_53 = arith.constant 32 : i32
      %mul3A_54 = arith.mulf %scan3A_52#0, %get3A_17 : vector<16xf32>
      %get3A_55 = arith.constant 20 : i32
      %get3A_56 = arith.index_cast %get3A_55 : i32 to index
      %get3A_57 = arith.constant 0 : index
      %get3A_58 = tpu.vector_load %arg8[%get3A_56, %get3A_57] {strides = array<i32>} : memref<29x16xf32, #tpu.memory_space<vmem>>, vector<16xf32>,
      %add3A_59 = arith.addf %mul3A_54, %get3A_58 : vector<16xf32>
      %broadcast_in_dim3A = arith.constant 0.000000e+00 : f32
      %broadcast_in_dim3A_60 = vector.broadcast %broadcast_in_dim3A : f32 to vector<16xf32>
      %max3A = arith.maximumf %add3A_59, %broadcast_in_dim3A_60 : vector<16xf32>
      %mul3A_61 = arith.mulf %scan3A_52#1, %get3A_17 : vector<16xf32>
      %get3A_62 = arith.constant 21 : i32
      %get3A_63 = arith.index_cast %get3A_62 : i32 to index
      %get3A_64 = arith.constant 0 : index
      %get3A_65 = tpu.vector_load %arg8[%get3A_63, %get3A_64] {strides = array<i32>} : memref<29x16xf32, #tpu.memory_space<vmem>>, vector<16xf32>,
      %add3A_66 = arith.addf %mul3A_61, %get3A_65 : vector<16xf32>
      %broadcast_in_dim3A_67 = arith.constant 0.000000e+00 : f32
      %broadcast_in_dim3A_68 = vector.broadcast %broadcast_in_dim3A_67 : f32 to vector<16xf32>
      %max3A_69 = arith.maximumf %add3A_66, %broadcast_in_dim3A_68 : vector<16xf32>
      %mul3A_70 = arith.mulf %scan3A_52#2, %get3A_17 : vector<16xf32>
      %get3A_71 = arith.constant 22 : i32
      %get3A_72 = arith.index_cast %get3A_71 : i32 to index
      %get3A_73 = arith.constant 0 : index
      %get3A_74 = tpu.vector_load %arg8[%get3A_72, %get3A_73] {strides = array<i32>} : memref<29x16xf32, #tpu.memory_space<vmem>>, vector<16xf32>,
      %add3A_75 = arith.addf %mul3A_70, %get3A_74 : vector<16xf32>
      %broadcast_in_dim3A_76 = arith.constant 0.000000e+00 : f32
      %broadcast_in_dim3A_77 = vector.broadcast %broadcast_in_dim3A_76 : f32 to vector<16xf32>
      %max3A_78 = arith.maximumf %add3A_75, %broadcast_in_dim3A_77 : vector<16xf32>
      %mul3A_79 = arith.mulf %scan3A_52#3, %get3A_17 : vector<16xf32>
      %get3A_80 = arith.constant 23 : i32
      %get3A_81 = arith.index_cast %get3A_80 : i32 to index
      %get3A_82 = arith.constant 0 : index
      %get3A_83 = tpu.vector_load %arg8[%get3A_81, %get3A_82] {strides = array<i32>} : memref<29x16xf32, #tpu.memory_space<vmem>>, vector<16xf32>,
      %add3A_84 = arith.addf %mul3A_79, %get3A_83 : vector<16xf32>
      %broadcast_in_dim3A_85 = arith.constant 0.000000e+00 : f32
      %broadcast_in_dim3A_86 = vector.broadcast %broadcast_in_dim3A_85 : f32 to vector<16xf32>
      %max3A_87 = arith.maximumf %add3A_84, %broadcast_in_dim3A_86 : vector<16xf32>
      %mul3A_88 = arith.mulf %scan3A_52#4, %get3A_17 : vector<16xf32>
      %get3A_89 = arith.constant 24 : i32
      %get3A_90 = arith.index_cast %get3A_89 : i32 to index
      %get3A_91 = arith.constant 0 : index
      %get3A_92 = tpu.vector_load %arg8[%get3A_90, %get3A_91] {strides = array<i32>} : memref<29x16xf32, #tpu.memory_space<vmem>>, vector<16xf32>,
      %add3A_93 = arith.addf %mul3A_88, %get3A_92 : vector<16xf32>
      %broadcast_in_dim3A_94 = arith.constant 0.000000e+00 : f32
      %broadcast_in_dim3A_95 = vector.broadcast %broadcast_in_dim3A_94 : f32 to vector<16xf32>
      %max3A_96 = arith.maximumf %add3A_93, %broadcast_in_dim3A_95 : vector<16xf32>
      %get3A_97 = arith.constant 0 : i32
      %get3A_98 = arith.index_cast %get3A_97 : i32 to index
      %get3A_99 = arith.constant 0 : index
      %get3A_100 = tpu.vector_load %arg8[%get3A_98, %get3A_99] {strides = array<i32>} : memref<29x16xf32, #tpu.memory_space<vmem>>, vector<16xf32>,
      %mul3A_101 = arith.mulf %max3A, %get3A_100 : vector<16xf32>
      %get3A_102 = arith.constant 4 : i32
      %get3A_103 = arith.index_cast %get3A_102 : i32 to index
      %get3A_104 = arith.constant 0 : index
      %get3A_105 = tpu.vector_load %arg8[%get3A_103, %get3A_104] {strides = array<i32>} : memref<29x16xf32, #tpu.memory_space<vmem>>, vector<16xf32>,
      %mul3A_106 = arith.mulf %max3A_69, %get3A_105 : vector<16xf32>
      %add3A_107 = arith.addf %mul3A_101, %mul3A_106 : vector<16xf32>
      %get3A_108 = arith.constant 8 : i32
      %get3A_109 = arith.index_cast %get3A_108 : i32 to index
      %get3A_110 = arith.constant 0 : index
      %get3A_111 = tpu.vector_load %arg8[%get3A_109, %get3A_110] {strides = array<i32>} : memref<29x16xf32, #tpu.memory_space<vmem>>, vector<16xf32>,
      %mul3A_112 = arith.mulf %max3A_78, %get3A_111 : vector<16xf32>
      %add3A_113 = arith.addf %add3A_107, %mul3A_112 : vector<16xf32>
      %get3A_114 = arith.constant 12 : i32
      %get3A_115 = arith.index_cast %get3A_114 : i32 to index
      %get3A_116 = arith.constant 0 : index
      %get3A_117 = tpu.vector_load %arg8[%get3A_115, %get3A_116] {strides = array<i32>} : memref<29x16xf32, #tpu.memory_space<vmem>>, vector<16xf32>,
      %mul3A_118 = arith.mulf %max3A_87, %get3A_117 : vector<16xf32>
      %add3A_119 = arith.addf %add3A_113, %mul3A_118 : vector<16xf32>
      %get3A_120 = arith.constant 16 : i32
      %get3A_121 = arith.index_cast %get3A_120 : i32 to index
      %get3A_122 = arith.constant 0 : index
      %get3A_123 = tpu.vector_load %arg8[%get3A_121, %get3A_122] {strides = array<i32>} : memref<29x16xf32, #tpu.memory_space<vmem>>, vector<16xf32>,
      %mul3A_124 = arith.mulf %max3A_96, %get3A_123 : vector<16xf32>
      %add3A_125 = arith.addf %add3A_119, %mul3A_124 : vector<16xf32>
      %get3A_126 = arith.constant 25 : i32
      %get3A_127 = arith.index_cast %get3A_126 : i32 to index
      %get3A_128 = arith.constant 0 : index
      %get3A_129 = tpu.vector_load %arg8[%get3A_127, %get3A_128] {strides = array<i32>} : memref<29x16xf32, #tpu.memory_space<vmem>>, vector<16xf32>,
      %add3A_130 = arith.addf %add3A_125, %get3A_129 : vector<16xf32>
      %mul3A_131 = arith.constant 16 : i32
      %mul3A_132 = arith.muli %scan3A_11, %mul3A_131 : i32
      %add3A_133 = vector.broadcast %mul3A_132 : i32 to vector<16xi32>
      %add3A_134 = arith.addi %iota3A, %add3A_133 : vector<16xi32>
      %mul3A_135 = arith.constant 4 : i32
      %mul3A_136 = vector.broadcast %mul3A_135 : i32 to vector<16xi32>
      %mul3A_137 = arith.muli %add3A_134, %mul3A_136 : vector<16xi32>
      %add3A_138 = arith.constant 0 : i32
      %add3A_139 = vector.broadcast %add3A_138 : i32 to vector<16xi32>
      %add3A_140 = arith.addi %mul3A_137, %add3A_139 : vector<16xi32>
      tpu.vector_store_idx %arg9[%add3A_140], %add3A_130 : memref<1280xf32, #tpu.memory_space<vmem>>[vector<16xi32>], vector<16xf32>,
      %get3A_141 = arith.constant 1 : i32
      %get3A_142 = arith.index_cast %get3A_141 : i32 to index
      %get3A_143 = arith.constant 0 : index
      %get3A_144 = tpu.vector_load %arg8[%get3A_142, %get3A_143] {strides = array<i32>} : memref<29x16xf32, #tpu.memory_space<vmem>>, vector<16xf32>,
      %mul3A_145 = arith.mulf %max3A, %get3A_144 : vector<16xf32>
      %get3A_146 = arith.constant 5 : i32
      %get3A_147 = arith.index_cast %get3A_146 : i32 to index
      %get3A_148 = arith.constant 0 : index
      %get3A_149 = tpu.vector_load %arg8[%get3A_147, %get3A_148] {strides = array<i32>} : memref<29x16xf32, #tpu.memory_space<vmem>>, vector<16xf32>,
      %mul3A_150 = arith.mulf %max3A_69, %get3A_149 : vector<16xf32>
      %add3A_151 = arith.addf %mul3A_145, %mul3A_150 : vector<16xf32>
      %get3A_152 = arith.constant 9 : i32
      %get3A_153 = arith.index_cast %get3A_152 : i32 to index
      %get3A_154 = arith.constant 0 : index
      %get3A_155 = tpu.vector_load %arg8[%get3A_153, %get3A_154] {strides = array<i32>} : memref<29x16xf32, #tpu.memory_space<vmem>>, vector<16xf32>,
      %mul3A_156 = arith.mulf %max3A_78, %get3A_155 : vector<16xf32>
      %add3A_157 = arith.addf %add3A_151, %mul3A_156 : vector<16xf32>
      %get3A_158 = arith.constant 13 : i32
      %get3A_159 = arith.index_cast %get3A_158 : i32 to index
      %get3A_160 = arith.constant 0 : index
      %get3A_161 = tpu.vector_load %arg8[%get3A_159, %get3A_160] {strides = array<i32>} : memref<29x16xf32, #tpu.memory_space<vmem>>, vector<16xf32>,
      %mul3A_162 = arith.mulf %max3A_87, %get3A_161 : vector<16xf32>
      %add3A_163 = arith.addf %add3A_157, %mul3A_162 : vector<16xf32>
      %get3A_164 = arith.constant 17 : i32
      %get3A_165 = arith.index_cast %get3A_164 : i32 to index
      %get3A_166 = arith.constant 0 : index
      %get3A_167 = tpu.vector_load %arg8[%get3A_165, %get3A_166] {strides = array<i32>} : memref<29x16xf32, #tpu.memory_space<vmem>>, vector<16xf32>,
      %mul3A_168 = arith.mulf %max3A_96, %get3A_167 : vector<16xf32>
      %add3A_169 = arith.addf %add3A_163, %mul3A_168 : vector<16xf32>
      %get3A_170 = arith.constant 26 : i32
      %get3A_171 = arith.index_cast %get3A_170 : i32 to index
      %get3A_172 = arith.constant 0 : index
      %get3A_173 = tpu.vector_load %arg8[%get3A_171, %get3A_172] {strides = array<i32>} : memref<29x16xf32, #tpu.memory_space<vmem>>, vector<16xf32>,
      %add3A_174 = arith.addf %add3A_169, %get3A_173 : vector<16xf32>
      %mul3A_175 = arith.constant 16 : i32
      %mul3A_176 = arith.muli %scan3A_11, %mul3A_175 : i32
      %add3A_177 = vector.broadcast %mul3A_176 : i32 to vector<16xi32>
      %add3A_178 = arith.addi %iota3A, %add3A_177 : vector<16xi32>
      %mul3A_179 = arith.constant 4 : i32
      %mul3A_180 = vector.broadcast %mul3A_179 : i32 to vector<16xi32>
      %mul3A_181 = arith.muli %add3A_178, %mul3A_180 : vector<16xi32>
      %add3A_182 = arith.constant 1 : i32
      %add3A_183 = vector.broadcast %add3A_182 : i32 to vector<16xi32>
      %add3A_184 = arith.addi %mul3A_181, %add3A_183 : vector<16xi32>
      tpu.vector_store_idx %arg9[%add3A_184], %add3A_174 : memref<1280xf32, #tpu.memory_space<vmem>>[vector<16xi32>], vector<16xf32>,
      %get3A_185 = arith.constant 2 : i32
      %get3A_186 = arith.index_cast %get3A_185 : i32 to index
      %get3A_187 = arith.constant 0 : index
      %get3A_188 = tpu.vector_load %arg8[%get3A_186, %get3A_187] {strides = array<i32>} : memref<29x16xf32, #tpu.memory_space<vmem>>, vector<16xf32>,
      %mul3A_189 = arith.mulf %max3A, %get3A_188 : vector<16xf32>
      %get3A_190 = arith.constant 6 : i32
      %get3A_191 = arith.index_cast %get3A_190 : i32 to index
      %get3A_192 = arith.constant 0 : index
      %get3A_193 = tpu.vector_load %arg8[%get3A_191, %get3A_192] {strides = array<i32>} : memref<29x16xf32, #tpu.memory_space<vmem>>, vector<16xf32>,
      %mul3A_194 = arith.mulf %max3A_69, %get3A_193 : vector<16xf32>
      %add3A_195 = arith.addf %mul3A_189, %mul3A_194 : vector<16xf32>
      %get3A_196 = arith.constant 10 : i32
      %get3A_197 = arith.index_cast %get3A_196 : i32 to index
      %get3A_198 = arith.constant 0 : index
      %get3A_199 = tpu.vector_load %arg8[%get3A_197, %get3A_198] {strides = array<i32>} : memref<29x16xf32, #tpu.memory_space<vmem>>, vector<16xf32>,
      %mul3A_200 = arith.mulf %max3A_78, %get3A_199 : vector<16xf32>
      %add3A_201 = arith.addf %add3A_195, %mul3A_200 : vector<16xf32>
      %get3A_202 = arith.constant 14 : i32
      %get3A_203 = arith.index_cast %get3A_202 : i32 to index
      %get3A_204 = arith.constant 0 : index
      %get3A_205 = tpu.vector_load %arg8[%get3A_203, %get3A_204] {strides = array<i32>} : memref<29x16xf32, #tpu.memory_space<vmem>>, vector<16xf32>,
      %mul3A_206 = arith.mulf %max3A_87, %get3A_205 : vector<16xf32>
      %add3A_207 = arith.addf %add3A_201, %mul3A_206 : vector<16xf32>
      %get3A_208 = arith.constant 18 : i32
      %get3A_209 = arith.index_cast %get3A_208 : i32 to index
      %get3A_210 = arith.constant 0 : index
      %get3A_211 = tpu.vector_load %arg8[%get3A_209, %get3A_210] {strides = array<i32>} : memref<29x16xf32, #tpu.memory_space<vmem>>, vector<16xf32>,
      %mul3A_212 = arith.mulf %max3A_96, %get3A_211 : vector<16xf32>
      %add3A_213 = arith.addf %add3A_207, %mul3A_212 : vector<16xf32>
      %get3A_214 = arith.constant 27 : i32
      %get3A_215 = arith.index_cast %get3A_214 : i32 to index
      %get3A_216 = arith.constant 0 : index
      %get3A_217 = tpu.vector_load %arg8[%get3A_215, %get3A_216] {strides = array<i32>} : memref<29x16xf32, #tpu.memory_space<vmem>>, vector<16xf32>,
      %add3A_218 = arith.addf %add3A_213, %get3A_217 : vector<16xf32>
      %mul3A_219 = arith.constant 16 : i32
      %mul3A_220 = arith.muli %scan3A_11, %mul3A_219 : i32
      %add3A_221 = vector.broadcast %mul3A_220 : i32 to vector<16xi32>
      %add3A_222 = arith.addi %iota3A, %add3A_221 : vector<16xi32>
      %mul3A_223 = arith.constant 4 : i32
      %mul3A_224 = vector.broadcast %mul3A_223 : i32 to vector<16xi32>
      %mul3A_225 = arith.muli %add3A_222, %mul3A_224 : vector<16xi32>
      %add3A_226 = arith.constant 2 : i32
      %add3A_227 = vector.broadcast %add3A_226 : i32 to vector<16xi32>
      %add3A_228 = arith.addi %mul3A_225, %add3A_227 : vector<16xi32>
      tpu.vector_store_idx %arg9[%add3A_228], %add3A_218 : memref<1280xf32, #tpu.memory_space<vmem>>[vector<16xi32>], vector<16xf32>,
      %get3A_229 = arith.constant 3 : i32
      %get3A_230 = arith.index_cast %get3A_229 : i32 to index
      %get3A_231 = arith.constant 0 : index
      %get3A_232 = tpu.vector_load %arg8[%get3A_230, %get3A_231] {strides = array<i32>} : memref<29x16xf32, #tpu.memory_space<vmem>>, vector<16xf32>,
      %mul3A_233 = arith.mulf %max3A, %get3A_232 : vector<16xf32>
      %get3A_234 = arith.constant 7 : i32
      %get3A_235 = arith.index_cast %get3A_234 : i32 to index
      %get3A_236 = arith.constant 0 : index
      %get3A_237 = tpu.vector_load %arg8[%get3A_235, %get3A_236] {strides = array<i32>} : memref<29x16xf32, #tpu.memory_space<vmem>>, vector<16xf32>,
      %mul3A_238 = arith.mulf %max3A_69, %get3A_237 : vector<16xf32>
      %add3A_239 = arith.addf %mul3A_233, %mul3A_238 : vector<16xf32>
      %get3A_240 = arith.constant 11 : i32
      %get3A_241 = arith.index_cast %get3A_240 : i32 to index
      %get3A_242 = arith.constant 0 : index
      %get3A_243 = tpu.vector_load %arg8[%get3A_241, %get3A_242] {strides = array<i32>} : memref<29x16xf32, #tpu.memory_space<vmem>>, vector<16xf32>,
      %mul3A_244 = arith.mulf %max3A_78, %get3A_243 : vector<16xf32>
      %add3A_245 = arith.addf %add3A_239, %mul3A_244 : vector<16xf32>
      %get3A_246 = arith.constant 15 : i32
      %get3A_247 = arith.index_cast %get3A_246 : i32 to index
      %get3A_248 = arith.constant 0 : index
      %get3A_249 = tpu.vector_load %arg8[%get3A_247, %get3A_248] {strides = array<i32>} : memref<29x16xf32, #tpu.memory_space<vmem>>, vector<16xf32>,
      %mul3A_250 = arith.mulf %max3A_87, %get3A_249 : vector<16xf32>
      %add3A_251 = arith.addf %add3A_245, %mul3A_250 : vector<16xf32>
      %get3A_252 = arith.constant 19 : i32
      %get3A_253 = arith.index_cast %get3A_252 : i32 to index
      %get3A_254 = arith.constant 0 : index
      %get3A_255 = tpu.vector_load %arg8[%get3A_253, %get3A_254] {strides = array<i32>} : memref<29x16xf32, #tpu.memory_space<vmem>>, vector<16xf32>,
      %mul3A_256 = arith.mulf %max3A_96, %get3A_255 : vector<16xf32>
      %add3A_257 = arith.addf %add3A_251, %mul3A_256 : vector<16xf32>
      %get3A_258 = arith.constant 28 : i32
      %get3A_259 = arith.index_cast %get3A_258 : i32 to index
      %get3A_260 = arith.constant 0 : index
      %get3A_261 = tpu.vector_load %arg8[%get3A_259, %get3A_260] {strides = array<i32>} : memref<29x16xf32, #tpu.memory_space<vmem>>, vector<16xf32>,
      %add3A_262 = arith.addf %add3A_257, %get3A_261 : vector<16xf32>
      %mul3A_263 = arith.constant 16 : i32
      %mul3A_264 = arith.muli %scan3A_11, %mul3A_263 : i32
      %add3A_265 = vector.broadcast %mul3A_264 : i32 to vector<16xi32>
      %add3A_266 = arith.addi %iota3A, %add3A_265 : vector<16xi32>
      %mul3A_267 = arith.constant 4 : i32
      %mul3A_268 = vector.broadcast %mul3A_267 : i32 to vector<16xi32>
      %mul3A_269 = arith.muli %add3A_266, %mul3A_268 : vector<16xi32>
      %add3A_270 = arith.constant 3 : i32
      %add3A_271 = vector.broadcast %add3A_270 : i32 to vector<16xi32>
      %add3A_272 = arith.addi %mul3A_269, %add3A_271 : vector<16xi32>
      tpu.vector_store_idx %arg9[%add3A_272], %add3A_262 : memref<1280xf32, #tpu.memory_space<vmem>>[vector<16xi32>], vector<16xf32>,
      %scan3A_273 = arith.constant 0 : i32
      scf.yield %scan3A_273 : i32
    }
    %scan3A_8 = arith.constant 20 : i32
    %mul3A_9 = arith.constant 4 : i32
    %mul3A_10 = arith.muli %mul3A_2, %mul3A_9 : i32
    "tpu.region"() ({
      %run_scoped3A = tpu.sem_alloc : memref<!tpu.dma_semaphore, #tpu.memory_space<semaphore_mem>>
      %dma_start3A = tpu.memref_slice %arg5[%mul3A_10] : memref<40960xf32, #tpu.memory_space<hbm>> -> memref<1280xf32, #tpu.memory_space<hbm>>
      %dma_start3A_11 = tpu.memref_slice %arg5[%mul3A_10] : memref<40960xf32, #tpu.memory_space<hbm>> -> memref<1280xf32, #tpu.memory_space<hbm>>
      tpu.enqueue_dma source(%arg9 : memref<1280xf32, #tpu.memory_space<vmem>>) target(%dma_start3A_11 : memref<1280xf32, #tpu.memory_space<hbm>>) target_semaphore(%run_scoped3A : memref<!tpu.dma_semaphore, #tpu.memory_space<semaphore_mem>>)
      %dma_wait3A = tpu.memref_slice %arg5[%mul3A_10] : memref<40960xf32, #tpu.memory_space<hbm>> -> memref<1280xf32, #tpu.memory_space<hbm>>
      %dma_wait3A_12 = tpu.memref_slice %arg5[%mul3A_10] : memref<40960xf32, #tpu.memory_space<hbm>> -> memref<1280xf32, #tpu.memory_space<hbm>>
      tpu.wait_dma2 semaphore(%run_scoped3A : memref<!tpu.dma_semaphore, #tpu.memory_space<semaphore_mem>>) src(%arg9 : memref<1280xf32, #tpu.memory_space<vmem>>) dst(%dma_wait3A_12 : memref<1280xf32, #tpu.memory_space<hbm>>)
      tpu.yield
    }) : () -> ()
    return
  }
}

module attributes {stable_mosaic.version = 14 : i64} {
  func.func @_dense1_body(%arg0: memref<32x10240xf32, #tpu.memory_space<vmem>>, %arg1: memref<10000x128xf32, #tpu.memory_space<vmem>>, %arg2: memref<8x128xf32, #tpu.memory_space<vmem>>, %arg3: memref<6x10240xf32, #tpu.memory_space<vmem>>) attributes {dimension_semantics = [], scalar_prefetch = 0 : i64, scratch_operands = 0 : i64, tpu.core_type = #tpu.core_type<tc>} {
    %get3A = arith.constant 0 : index
    %get3A_0 = arith.constant 0 : index
    %get3A_1 = vector.load %arg0[%get3A, %get3A_0] : memref<32x10240xf32, #tpu.memory_space<vmem>>, vector<32x10240xf32>
    %reduce_sum3A = arith.constant dense<0.000000e+00> : vector<10240xf32>
    %reduce_sum3A_2 = vector.multi_reduction <add>, %get3A_1, %reduce_sum3A [0] : vector<32x10240xf32> to vector<10240xf32>
    %broadcast_in_dim3A = vector.shape_cast %reduce_sum3A_2 : vector<10240xf32> to vector<1x10240xf32>
    %add3A = arith.constant 1.000000e+00 : f32
    %add3A_3 = vector.broadcast %add3A : f32 to vector<1x10240xf32>
    %add3A_4 = arith.addf %broadcast_in_dim3A, %add3A_3 : vector<1x10240xf32>
    %rsqrt3A = math.rsqrt %add3A_4 : vector<1x10240xf32>
    %get3A_5 = arith.constant 0 : index
    %get3A_6 = arith.constant 0 : index
    %get3A_7 = vector.load %arg2[%get3A_5, %get3A_6] : memref<8x128xf32, #tpu.memory_space<vmem>>, vector<8x128xf32>
    %get3A_8 = arith.constant 0 : index
    %get3A_9 = arith.constant 0 : index
    %get3A_10 = vector.load %arg1[%get3A_8, %get3A_9] : memref<10000x128xf32, #tpu.memory_space<vmem>>, vector<10000x128xf32>
    %transpose3A = tpu.transpose %get3A_10, [1, 0] : vector<10000x128xf32> -> vector<128x10000xf32>
    %dot_general3A = arith.constant dense<0.000000e+00> : vector<8x10000xf32>
    %dot_general3A_11 = tpu.matmul %get3A_7, %transpose3A, %dot_general3A {dimension_numbers = #tpu.dot_dimension_numbers<[1], [0], [0], [1], [0, 0, 1, 1], [], []>, precision = #tpu.contract_precision<fp32>, transpose_lhs_hint = false} : vector<8x128xf32>, vector<128x10000xf32>, vector<8x10000xf32> -> vector<8x10000xf32>
    %slice3A = vector.extract_strided_slice %dot_general3A_11 {offsets = [0, 0], sizes = [5, 10000], strides = [1, 1]} : vector<8x10000xf32> to vector<5x10000xf32>
    %jit3A = arith.constant 0 : i32
    %convert_element_type3A = arith.sitofp %jit3A : i32 to f32
    %pad3A = vector.broadcast %convert_element_type3A : f32 to vector<5x240xf32>
    %pad3A_12 = tpu.concatenate %slice3A, %pad3A in 1 : vector<5x10000xf32>, vector<5x240xf32> -> vector<5x10240xf32>
    %mul3A = vector.broadcast %rsqrt3A : vector<1x10240xf32> to vector<5x10240xf32>
    %mul3A_13 = arith.mulf %pad3A_12, %mul3A : vector<5x10240xf32>
    %concatenate3A = tpu.concatenate %mul3A_13, %rsqrt3A in 0 : vector<5x10240xf32>, vector<1x10240xf32> -> vector<6x10240xf32>
    %swap3A = arith.constant 0 : index
    %swap3A_14 = arith.constant 0 : index
    %swap3A_15 = vector.load %arg3[%swap3A, %swap3A_14] : memref<6x10240xf32, #tpu.memory_space<vmem>>, vector<6x10240xf32>
    tpu.vector_store %arg3[%swap3A, %swap3A_14], %concatenate3A {strides = array<i32>} : memref<6x10240xf32, #tpu.memory_space<vmem>>, vector<6x10240xf32>,
    return
  }
}

</mosaic_0001>

<sc_bundles>
// kernel: kernel.11.cloned.1.call-start
scs
__scs_entry_jumppad:
0x0: {  	(pc) =	sbr.rel $0x88, $3  }
0x1: {  	(tag) =	ssettag $0x0;
	lr =	simm.s32 $0x1  }
0x2: {  	[smem:$0x3F99] =	sst lr;
	_ =	strace $0xD0000000  }
0x3: {  	_ = 	snop  }
0x4: {  	_ = 	snop  }
0x5: {  	_ = 	snop  }
0x6: {  	_ = 	snop  }
0x7: {  	_ = 	snop  }
__scs_overlays_trampoline_lowered:
0x8: {  	[smem:$0x3FA8] =	sst s0  }
0x9: {  	[smem:$0x3FA9] =	sst s1  }
0xa: {  	[smem:$0x3FAA] =	sst s2  }
0xb: {  	[smem:$0x3FAB] =	sst s3  }
0xc: {  	[smem:$0x3FAC] =	sst s4  }
0xd: {  	[smem:$0x3FAD] =	sst s5  }
0xe: {  	[smem:$0x3FAE] =	sst s6  }
0xf: {  	[smem:$0x3FAF] =	sst s7  }
0x10: {  	[smem:$0x3FB0] =	sst s8  }
0x11: {  	[smem:$0x3FB1] =	sst s9;
	s0 =	simm.s32 @!p0 $0x0  }
0x12: {  	s1 =	sld [smem:$0x3F97];
	s0 =	simm.s32 @p0 $0x1  }
0x13: {  	[smem:$0x3FB2] =	sst s0;
	s0 =	simm.s32 @!p1 $0x0  }
0x14: {  	s2 =	sld [smem:$0x3F96];
	s0 =	simm.s32 @p1 $0x1  }
0x15: {  	[smem:$0x3FB3] =	sst s0;
	s0 =	simm.s32 @!p2 $0x0  }
0x16: {  	s3 =	sld [smem:$0x3FDB];
	s0 =	simm.s32 @p2 $0x1  }
0x17: {  	s4 =	simm.s32 $0x1BF5;
	[smem:$0x3FB5] =	sst s0  }
0x18: {  	s0 =	sld [smem:$0x3F98];
	_ =	swait.ge [sflag:s4], $0x0  }
0x19: {  	s7 =	sld [smem:$0x3F99]  }
0x1a: {  	s8 =	sadd.s32 $0xFFFFE003, lr  }
0x1b: {  	s9 =	sadd.s32 $0xFFFFFEF7, lr;
	s5 =	simm.s32 $0xFFFFFFFF;
	p2 =	slt.u32 s8, $0xFFFFF086  }
0x1c: {  	p1 =	slt.u32 s9, $0xF7A;
	s5 =	simm.s32 @!p2 $0x0  }
0x1d: {  	s5 =	simm.s32 @p1 $0x1;
	p0 =	seq.s32 s7, s2  }
0x1e: {  	s7 =	smul.u32 @!p0 $0xF7A, s2;
	p2 =	seq.s32 @!p0 s5, $0x0  }
0x1f: {  	s9 =	smul.u32 $0xF7A, s1;
	s8 =	simm.s32 @!p0 $0x1BF5;
	p2 =	por !p2, p0  }
0x20: {  	[sflag:s8] =	ssyncset.s32 @!p0 $0xFFFFF086;
	s6 =	sadd.s32 @!p0 s3, s7;
	s7 =	simm.s32 @!p0 $0x108  }
0x21: {  	s3 =	sadd.s32 s3, s9;
	s6 =	sadd.s32 @!p0 $0x88, s6;
	s7 =	simm.s32 @p2 $0x1082  }
0x22: {  	[simem:s7], [sflag:s8] =	dma.local @!p0 [hbm:s6], $0xF7A  }
0x23: {  	s9 =	sor.u32 $0xD0000000, s2;
	s6 =	simm.s32 $0x108;
	_ =	swait.ge @!p0 [sflag:s8], $0x0  }
0x24: {  	s3 =	sadd.s32 $0x88, s3;
	s6 =	simm.s32 @!p1 $0x1082;
	[sflag:s4] =	ssyncset.s32 $0xFFFFF086  }
0x25: {  	[simem:s6], [sflag:s4] =	dma.local [hbm:s3], $0xF7A  }
0x26: {  	[smem:$0x3F99] =	sst s1;
	(tag) =	ssettag s2;
	_ =	strace s9  }
0x27: {  	s1 =	sld [smem:$0x3FA9]  }
0x28: {  	s2 =	sld [smem:$0x3FAA]  }
0x29: {  	s4 =	sld [smem:$0x3FAC]  }
0x2a: {  	p0 =	seq.s32 s5, $0x0;
	s5 =	sld [smem:$0x3FAD]  }
0x2b: {  	s6 =	sld [smem:$0x3FAE]  }
0x2c: {  	s7 =	sld [smem:$0x3FAF]  }
0x2d: {  	s3 =	simm.s32 $0x108;
	s8 =	sld [smem:$0x3FB0]  }
0x2e: {  	s3 =	simm.s32 @!p0 $0x1082;
	s9 =	sld [smem:$0x3FB1]  }
0x2f: {  	lr =	sadd.s32 s0, s3;
	s0 =	sld [smem:$0x3FA8]  }
0x30: {  	s3 =	sld [smem:$0x3FAB]  }
0x31: {  	[smem:$0x3FB4] =	sst s10  }
0x32: {  	s10 =	sld [smem:$0x3FB2];
	_ =	sdelay $0x3  }
0x33: {  	p0 =	seq.s32 s10, $0x1;
	s10 =	sld [smem:$0x3FB4];
	_ =	sdelay $0x3  }
0x34: {  	[smem:$0x3FB4] =	sst s10  }
0x35: {  	s10 =	sld [smem:$0x3FB3];
	_ =	sdelay $0x3  }
0x36: {  	p1 =	seq.s32 s10, $0x1;
	s10 =	sld [smem:$0x3FB4];
	_ =	sdelay $0x3  }
0x37: {  	[smem:$0x3FB4] =	sst s10  }
0x38: {  	s10 =	sld [smem:$0x3FB5]  }
0x39: {  	_ = 	snop;
	(pc) =	sbr.ind lr, $3  }
0x3a: {  	_ = 	snop  }
0x3b: {  	_ = 	snop  }
0x3c: {  	p2 =	seq.s32 s10, $0x1;
	s10 =	sld [smem:$0x3FB4]  }
0x3d: {  	_ =	shalt  }
0x3e: {  	_ =	shalt  }
0x3f: {  	_ =	shalt  }
0x40: {  	_ =	shalt  }
0x41: {  	_ =	shalt  }
0x42: {  	_ =	shalt  }
0x43: {  	_ =	shalt  }
0x44: {  	_ =	shalt  }
0x45: {  	_ =	shalt  }
0x46: {  	_ =	shalt  }
0x47: {  	_ =	shalt  }
0x48: {  	_ =	shalt  }
0x49: {  	_ =	shalt  }
0x4a: {  	_ =	shalt  }
0x4b: {  	_ =	shalt  }
0x4c: {  	_ =	shalt  }
0x4d: {  	_ =	shalt  }
0x4e: {  	_ =	shalt  }
0x4f: {  	_ =	shalt  }
0x50: {  	_ =	shalt  }
0x51: {  	_ =	shalt  }
0x52: {  	_ =	shalt  }
0x53: {  	_ =	shalt  }
0x54: {  	_ =	shalt  }
0x55: {  	_ =	shalt  }
0x56: {  	_ =	shalt  }
0x57: {  	_ =	shalt  }
0x58: {  	_ =	shalt  }
0x59: {  	_ =	shalt  }
0x5a: {  	_ =	shalt  }
0x5b: {  	_ =	shalt  }
0x5c: {  	_ =	shalt  }
0x5d: {  	_ =	shalt  }
0x5e: {  	_ =	shalt  }
0x5f: {  	_ =	shalt  }
0x60: {  	_ =	shalt  }
0x61: {  	_ =	shalt  }
0x62: {  	_ =	shalt  }
0x63: {  	_ =	shalt  }
0x64: {  	_ =	shalt  }
0x65: {  	_ =	shalt  }
0x66: {  	_ =	shalt  }
0x67: {  	_ =	shalt  }
0x68: {  	_ =	shalt  }
0x69: {  	_ =	shalt  }
0x6a: {  	_ =	shalt  }
0x6b: {  	_ =	shalt  }
0x6c: {  	_ =	shalt  }
0x6d: {  	_ =	shalt  }
0x6e: {  	_ =	shalt  }
0x6f: {  	_ =	shalt  }
0x70: {  	_ =	shalt  }
0x71: {  	_ =	shalt  }
0x72: {  	_ =	shalt  }
0x73: {  	_ =	shalt  }
0x74: {  	_ =	shalt  }
0x75: {  	_ =	shalt  }
0x76: {  	_ =	shalt  }
0x77: {  	_ =	shalt  }
0x78: {  	_ =	shalt  }
0x79: {  	_ =	shalt  }
0x7a: {  	_ =	shalt  }
0x7b: {  	_ =	shalt  }
0x7c: {  	_ =	shalt  }
0x7d: {  	_ =	shalt  }
0x7e: {  	_ =	shalt  }
0x7f: {  	_ =	shalt  }
0x80: {  	_ =	shalt  }
0x81: {  	_ =	shalt  }
0x82: {  	_ =	shalt  }
0x83: {  	_ =	shalt  }
0x84: {  	_ =	shalt  }
0x85: {  	_ =	shalt  }
0x86: {  	_ =	shalt  }
0x87: {  	_ =	shalt  }
.Lfunc_end0:
.L_simem_size_0:
called_computation.1_lowered:
.L_overlay_start_0:
0x88: {  	s2 =	sld [smem:$0x3FD9]  }
0x89: {  	s3 =	sld [smem:$0x3FFE];
	_ =	sdelay $0x1  }
0x8a: {  	s1 =	srdreg.scid  }
0x8b: {  	s0 =	sand.u32 $0x1, s1  }
0x8c: {  	s16 =	sshll.u32 s0, $0xA;
	s2 =	sadd.s32 s3, s2  }
0x8d: {  	s2 =	sadd.s32 s2, s16  }
0x8e: {  	[smem:$0x3FC0] =	sst s2  }
0x8f: {  	_ = 	snop  }
0x90: {  	(tm) =	ssettm $0x1  }
0x91: {  	s17 =	sld [smem:$0x3FFB];
	_ =	sdelay $0x3  }
0x92: {  	_ =	strace s17  }
0x93: {  	s2 =	sld [smem:$0x3FFC];
	_ =	sdelay $0x3  }
0x94: {  	_ =	strace s2  }
0x95: {  	s2 =	sld [smem:$0x3FFD];
	_ =	sdelay $0x3  }
0x96: {  	_ =	strace s2  }
0x97: {  	_ =	strace $0x8FFFFFFF  }
0x98: {  	s18 =	sld [smem:$0x3FDB];
	_ =	sdelay $0x1  }
0x99: {  	s19 =	simm.s32 $_scs_section_size  }
0x9a: {  	s4 =	simm.s32 $_size__tile_overlayer_lowered;
	s5 =	simm.s32 $_tile_overlayer_lowered  }
0x9b: {  	s22 =	simm.s32 $0x1BFF;
	s21 =	sshll.u32 s5, $0x1;
	s2 =	sadd.s32 s19, s18  }
0x9c: {  	s6 =	simm.s32 $0x0;
	s20 =	sshll.u32 s4, $0x1;
	s4 =	sadd.s32 s21, s2  }
0x9d: {  	[timem:s6], [sflag:s22] =	dma.local [hbm:s4], s20  }
0x9e: {  	_ =	swait.ge [sflag:s22], s20  }
0x9f: {  	s3 =	ssub.s32 $0x0, s20;
	[sflag:s22] =	ssyncset.done $0x0  }
0xa0: {  	[sflag:s22] =	ssyncadd.s32 s3;
	_ =	sdelay $0x1  }
0xa1: {  	s23 =	simm.s32 $0x1B8B  }
0xa2: {  	_ =	swait.ge [sflag:s23], $0x1  }
0xa3: {  	[sflag:s23] =	ssyncset.done $0x0  }
0xa4: {  	s25 =	simm.s32 $0x1B8E;
	s24 =	sld [smem:$0x3FFE];
	[sflag:s23] =	ssyncadd.s32 $0xFFFFFFFF  }
0xa5: {  	s26 =	simm.s32 $execute0_lowered;
	[smem:$0x3FD2] =	sst s25  }
0xa6: {  	s4 =	sshll.u32 s26, $0x1;
	_ =	strace $0x80000049;
	[dreg:$0x1] =	wrdreg $0xFFFFFFFF  }
0xa7: {  	s28 =	simm.s32 $_size_execute0_lowered;
	s2 =	sadd.s32 s2, s4;
	[dreg:$0x0] =	wrdreg $0x0  }
0xa8: {  	s4 =	sshll.u32 s28, $0x1;
	[dreg:$0x2] =	wrdreg s2  }
0xa9: {  	[dreg:$0x3] =	wrdreg s4  }
0xaa: {  	[dreg:$0x4] =	wrdreg $0xC0  }
0xab: {  	_ =	task [dreg:s6], $0x5FFFF  }
0xac: {  	[dreg:$0x1] =	wrdreg $0xFFFFFFFF  }
0xad: {  	[dreg:$0x0] =	wrdreg $0x60  }
0xae: {  	[dreg:$0x2] =	wrdreg s24  }
0xaf: {  	[dreg:$0x3] =	wrdreg $0x9  }
0xb0: {  	_ =	task.clear_ibuf [dreg:s6], $0x4FFFF;
	_ =	strace $0x90000049  }
0xb1: {  	s29 =	simm.s32 $0x9;
	_ =	strace $0x8000004B  }
0xb2: {  	_ =	swait.ge [sflag:s29], $0x1  }
0xb3: {  	[sflag:s29] =	ssyncadd.s32 $0xFFFFFFFF  }
0xb4: {  	_ =	strace $0x9000004B  }
0xb5: {  	_ =	sfence  }
0xb6: {  	s30 =	sld [smem:$0x0];
	_ =	sdelay $0x2  }
0xb7: {  	s31 =	sshll.u32 s1, $0xD;
	s1 =	sshrl.u32 s1, $0x2  }
0xb8: {  	s3 =	sand.u32 $0x4000, s31;
	s1 =	sadd.s32 s1, s30  }
0xb9: {  	s0 =	sor.u32 s3, s0;
	s1 =	sshll.u32 s1, $0x11  }
0xba: {  	s0 =	sor.u32 s1, s0  }
0xbb: {  	s0 =	sadd.s32 $0x8F2B, s0  }
0xbc: {  	[sflag:s0] =	ssyncadd.remote.s32 $0x1  }
0xbd: {  	_ =	sfence.sel $0xFFFF  }
0xbe: {  	[dreg:$0x0] =	wrdreg $0xFFFFFFFF;
	(pc) =	sbr.abs _section_cstart, $3  }
0xbf: {  	[dreg:$0x1] =	wrdreg $0xFFFFFFFF  }
0xc0: {  	_ =	task.clear_ibuf [dreg:s6], $0x2FFFF;
	_ =	strace $0x9FFFFFFF  }
0xc1: {  	(tm) =	ssettm $0x7FFFFFFF  }
tec
execute0_lowered:
.L_overlay_start_1:
0x0: {  	(tag) =	ssettag $0x1  }
0x1: {  	s0 =	srdreg.scid  }
0x2: {  	s2 =	stileid.u32;
	s1 =	rddreg [dreg:$0x0]  }
0x3: {  	s18 =	simm.s32 $0x3;
	s19 =	simm.s32 $0x2800;
	s20 =	simm.s32 $0x5000  }
0x4: {  	s21 =	simm.s32 $0x7800;
	s22 =	simm.s32 $0xA000;
	s28 =	simm.s32 $0x11800  }
0x5: {  	s29 =	simm.s32 $0x14000;
	s30 =	simm.s32 $0x16800;
	s31 =	simm.s32 $0x0  }
0x6: {  	s0 =	sand.u32 $0x1, s0;
	s3 =	sshll.u32 s2, $0x1;
	s2 =	simm.s32 $0x0  }
0x7: {  	s5 =	sadd.s32 $0x15C00, s1;
	s25 =	sadd.s32 $0x16100, s1;
	s26 =	sadd.s32 $0x16600, s1  }
0x8: {  	s8 =	sadd.s32 $0x16B00, s1;
	s3 =	sor.u32 s0, s3;
	[smem:$0x7FF] =	sst s2  }
0x9: {  	s4 =	smul.u32 $0xC800, s3;
	_ =	strace $0x8000004A;
	[dreg:$0x2] =	wrdreg s5  }
0xa: {  	s0 =	ssub.s32 $0x2, s0;
	s3 =	smul.u32 $0x4E2, s3;
	[dreg:$0x5] =	wrdreg s25  }
0xb: {  	s9 =	sadd.s32 $0x17000, s1;
	s23 =	sshrl.u32 s0, $0x1;
	[dreg:$0x6] =	wrdreg s26  }
0xc: {  	s25 =	simm.s32 $0xC800;
	s26 =	simm.s32 $0xF000;
	s3 =	sadd.s32 s3, s1  }
0xd: {  	s0 =	ssub.s32 s0, s23;
	s23 =	simm.s32 $0x1;
	s24 =	sadd.s32 $0x2000, s3  }
0xe: {  	s4 =	sshrl.u32 s4, $0x3;
	s3 =	sadd.s32 $0xBE00, s3;
	[dreg:$0x3] =	wrdreg s24  }
0xf: {  	s15 =	smax.u32 s0, $0x1;
	s4 =	sadd.s32 s4, s1;
	[dreg:$0x4] =	wrdreg s3  }
0x10: {  	s10 =	sadd.s32 $0x17A00, s4;
	s11 =	sadd.s32 $0x17F00, s4;
	s12 =	sadd.s32 $0x18400, s4  }
0x11: {  	v0 =	vimm.f32 $0.0e+00;
	s13 =	sadd.s32 $0x18900, s4;
	s14 =	sadd.s32 $0x18E00, s4;
	s24 =	simm.s32 $0x2  }
.LBB2_1:
0x12: {  	s0 =	rddreg [dreg:$0x3];
	s1 =	simm.s32 $0x19000  }
0x13: {  	[tilespmem:s1], [sflag:$0x1] =	stream.linear.gather [hbm4b:s0+s2], $0x2710, $0x38;
	[tilespmem:$0x1DE20] =	vst v63  }
0x14: {  	s5 =	rddreg [dreg:$0x4];
	s6 =	simm.s32 $0x1B710  }
0x15: {  	[tilespmem:s6], [sflag:$0x2] =	stream.linear.gather [hbm4b:s5+s2], $0x2710, $0x38;
	[tilespmem:$0x1DE20] =	vst v63  }
0x16: {  	s7 =	rddreg [dreg:$0x2]  }
0x17: {  	[tilespmem:s2], [sflag:$0x3] =	stream.linear.gather [hbm4b:s7+s2], $0x2800, $0x38;
	[tilespmem:$0x1DE20] =	vst v63  }
0x18: {  	_ =	swait.ge [sflag:s18], $0x2800  }
0x19: {  	[sflag:s18] =	ssyncset.done $0x0  }
0x1a: {  	s16 =	rddreg [dreg:$0x5];
	[sflag:s18] =	ssyncadd.s32 $0xFFFFD800  }
0x1b: {  	[tilespmem:s19], [sflag:$0x3] =	stream.linear.gather [hbm4b:s16+s2], $0x2800, $0x38;
	[tilespmem:$0x1DE20] =	vst v63  }
0x1c: {  	_ =	swait.ge [sflag:s18], $0x2800  }
0x1d: {  	[sflag:s18] =	ssyncset.done $0x0  }
0x1e: {  	s17 =	rddreg [dreg:$0x6];
	[sflag:s18] =	ssyncadd.s32 $0xFFFFD800  }
0x1f: {  	[tilespmem:s20], [sflag:$0x3] =	stream.linear.gather [hbm4b:s17+s2], $0x2800, $0x38;
	[tilespmem:$0x1DE20] =	vst v63  }
0x20: {  	_ =	swait.ge [sflag:s18], $0x2800  }
0x21: {  	[sflag:s18] =	ssyncset.done $0x0  }
0x22: {  	[sflag:s18] =	ssyncadd.s32 $0xFFFFD800  }
0x23: {  	[tilespmem:s21], [sflag:$0x3] =	stream.linear.gather [hbm4b:s8+s2], $0x2800, $0x38;
	[tilespmem:$0x1DE20] =	vst v63  }
0x24: {  	_ =	swait.ge [sflag:s18], $0x2800  }
0x25: {  	[sflag:s18] =	ssyncset.done $0x0  }
0x26: {  	[sflag:s18] =	ssyncadd.s32 $0xFFFFD800  }
0x27: {  	[tilespmem:s22], [sflag:$0x3] =	stream.linear.gather [hbm4b:s9+s2], $0x2800, $0x38;
	[tilespmem:$0x1DE20] =	vst v63  }
0x28: {  	_ =	swait.ge [sflag:s18], $0x2800  }
0x29: {  	[sflag:s18] =	ssyncset.done $0x0  }
0x2a: {  	s0 =	simm.s32 $0xC820;
	[sflag:s18] =	ssyncadd.s32 $0xFFFFD800  }
0x2b: {  	[tilespmem:s0+$0x0] =	vst v0  }
0x2c: {  	[tilespmem:s0+$0xFFFFFFE0] =	vst v0  }
0x2d: {  	[tilespmem:s0+$0xFFFFFFF0] =	vst v0  }
0x2e: {  	s1 =	simm.s32 $0xF020;
	[tilespmem:s0+$0x10] =	vst v0  }
0x2f: {  	[tilespmem:s1+$0x10] =	vst v0  }
0x30: {  	[tilespmem:s1+$0xFFFFFFF0] =	vst v0  }
0x31: {  	s16 =	simm.s32 $0x11820;
	[tilespmem:s1+$0xFFFFFFE0] =	vst v0  }
0x32: {  	[tilespmem:s16+$0x10] =	vst v0  }
0x33: {  	[tilespmem:s16+$0xFFFFFFF0] =	vst v0  }
0x34: {  	s17 =	simm.s32 $0x14020;
	[tilespmem:s16+$0xFFFFFFE0] =	vst v0  }
0x35: {  	[tilespmem:s17+$0x10] =	vst v0  }
0x36: {  	[tilespmem:s17+$0xFFFFFFE0] =	vst v0  }
0x37: {  	s3 =	simm.s32 $0x16820;
	[tilespmem:s17+$0xFFFFFFF0] =	vst v0  }
0x38: {  	s4 =	simm.s32 $0x0;
	[tilespmem:s3+$0x10] =	vst v0  }
0x39: {  	s5 =	simm.s32 $0x11860;
	s6 =	simm.s32 $0x14060;
	s7 =	simm.s32 $0x16860;
	[tilespmem:s3+$0xFFFFFFF0] =	vst v0  }
.LBB2_2:
0x3a: {  	s4 =	sadd.s32 $0x40, s4;
	[tilespmem:s1+$0x0] =	vst v0;
	s0 =	sadd.s32 $0x40, s0;
	s1 =	sadd.s32 $0x40, s1  }
0x3b: {  	p0 =	slt.u32 s4, $0x27C0;
	[tilespmem:s16+$0x0] =	vst v0;
	s16 =	smov.u32 s5  }
0x3c: {  	[tilespmem:s17+$0x0] =	vst v0;
	s17 =	smov.u32 s6  }
0x3d: {  	[tilespmem:s3+$0xFFFFFFE0] =	vst v0  }
0x3e: {  	[tilespmem:s3+$0x0] =	vst v0;
	s3 =	smov.u32 s7  }
0x3f: {  	[tilespmem:s0+$0x0] =	vst v0  }
0x40: {  	[tilespmem:s0+$0xFFFFFFE0] =	vst v0  }
0x41: {  	[tilespmem:s0+$0xFFFFFFF0] =	vst v0  }
0x42: {  	[tilespmem:s0+$0x10] =	vst v0  }
0x43: {  	[tilespmem:s1+$0x10] =	vst v0  }
0x44: {  	[tilespmem:s5+$0x10] =	vst v0  }
0x45: {  	[tilespmem:s6+$0x10] =	vst v0  }
0x46: {  	[tilespmem:s7+$0x10] =	vst v0  }
0x47: {  	[tilespmem:s1+$0xFFFFFFF0] =	vst v0  }
0x48: {  	[tilespmem:s5+$0xFFFFFFF0] =	vst v0  }
.Ltmp0:
0x49: {  	[tilespmem:s1+$0xFFFFFFE0] =	vst v0;
	(pc) =	sbr.rel @p0 .LBB2_2-.Ltmp0, $4  }
0x4a: {  	[tilespmem:s5+$0xFFFFFFE0] =	vst v0  }
0x4b: {  	[tilespmem:s6+$0xFFFFFFE0] =	vst v0  }
0x4c: {  	[tilespmem:s6+$0xFFFFFFF0] =	vst v0  }
0x4d: {  	s7 =	sadd.s32 $0x40, s7;
	s5 =	sadd.s32 $0x40, s5;
	s6 =	sadd.s32 $0x40, s6;
	[tilespmem:s3+$0xFFFFFFF0] =	vst v0  }
0x4e: {  	[tilespmem:s1+$0x0] =	vst v0  }
0x4f: {  	[tilespmem:s3+$0xFFFFFFE0] =	vst v0  }
0x50: {  	[tilespmem:s16+$0x0] =	vst v0  }
0x51: {  	[tilespmem:s17+$0x0] =	vst v0  }
0x52: {  	[tilespmem:s3+$0x0] =	vst v0  }
0x53: {  	_ =	swait.ge [sflag:s23], $0x2710  }
0x54: {  	[sflag:s23] =	ssyncset.done $0x0  }
0x55: {  	[sflag:s23] =	ssyncadd.s32 $0xFFFFD8F0  }
0x56: {  	_ =	swait.ge [sflag:s24], $0x2710  }
0x57: {  	[sflag:s24] =	ssyncset.done $0x0  }
0x58: {  	s0 =	simm.s32 $0x19020;
	[sflag:s24] =	ssyncadd.s32 $0xFFFFD8F0  }
0x59: {  	v6 =	vld [tilespmem:s0+$0x10]  }
0x5a: {  	v7 =	vld [tilespmem:s0+$0xFFFFFFE0]  }
0x5b: {  	v2 =	vld [tilespmem:s0+$0xFFFFFFF0];
	_ =	sdelay $0x1  }
0x5c: {  	s1 =	simm.s32 $0x1B730;
	v5 =	vld [tilespmem:s0+$0x0]  }
0x5d: {  	v8 =	vld [tilespmem:s1+$0x10]  }
0x5e: {  	v1 =	vld [tilespmem:s1+$0xFFFFFFE0]  }
0x5f: {  	v3 =	vld [tilespmem:s1+$0xFFFFFFF0]  }
0x60: {  	v9 =	vld.idx.msk [tilespmem:v6+s2+$0x0], $0xffff  }
0x61: {  	v11 =	vld.idx.msk [tilespmem:v7+s2+$0x0], $0xffff  }
0x62: {  	v10 =	vld.idx.msk [tilespmem:v2+s2+$0x0], $0xffff  }
0x63: {  	v4 =	vld [tilespmem:s1+$0x0]  }
0x64: {  	v12 =	vld.idx.msk [tilespmem:v5+s2+$0x0], $0xffff  }
0x65: {  	[tilespmem:v8+s25+$0x0] =	vst.idx.add.f32.msk $0xffff, v9  }
0x66: {  	[tilespmem:v1+s25+$0x0] =	vst.idx.add.f32.msk $0xffff, v11  }
0x67: {  	[tilespmem:v3+s25+$0x0] =	vst.idx.add.f32.msk $0xffff, v10  }
0x68: {  	v9 =	vld.idx.msk [tilespmem:v6+s19+$0x0], $0xffff  }
0x69: {  	v11 =	vld.idx.msk [tilespmem:v7+s19+$0x0], $0xffff  }
0x6a: {  	v10 =	vld.idx.msk [tilespmem:v2+s19+$0x0], $0xffff  }
0x6b: {  	[tilespmem:v4+s25+$0x0] =	vst.idx.add.f32.msk $0xffff, v12  }
0x6c: {  	v12 =	vld.idx.msk [tilespmem:v5+s19+$0x0], $0xffff  }
0x6d: {  	[tilespmem:v8+s26+$0x0] =	vst.idx.add.f32.msk $0xffff, v9  }
0x6e: {  	[tilespmem:v1+s26+$0x0] =	vst.idx.add.f32.msk $0xffff, v11  }
0x6f: {  	[tilespmem:v3+s26+$0x0] =	vst.idx.add.f32.msk $0xffff, v10  }
0x70: {  	v9 =	vld.idx.msk [tilespmem:v6+s20+$0x0], $0xffff  }
0x71: {  	v11 =	vld.idx.msk [tilespmem:v7+s20+$0x0], $0xffff  }
0x72: {  	v10 =	vld.idx.msk [tilespmem:v2+s20+$0x0], $0xffff  }
0x73: {  	[tilespmem:v4+s26+$0x0] =	vst.idx.add.f32.msk $0xffff, v12  }
0x74: {  	v12 =	vld.idx.msk [tilespmem:v5+s20+$0x0], $0xffff  }
0x75: {  	[tilespmem:v8+s28+$0x0] =	vst.idx.add.f32.msk $0xffff, v9  }
0x76: {  	[tilespmem:v1+s28+$0x0] =	vst.idx.add.f32.msk $0xffff, v11  }
0x77: {  	[tilespmem:v3+s28+$0x0] =	vst.idx.add.f32.msk $0xffff, v10  }
0x78: {  	v9 =	vld.idx.msk [tilespmem:v6+s21+$0x0], $0xffff  }
0x79: {  	[tilespmem:v4+s28+$0x0] =	vst.idx.add.f32.msk $0xffff, v12  }
0x7a: {  	v62 =	vld.idx.msk [tilespmem:v7+s21+$0x0], $0xffff  }
0x7b: {  	v10 =	vld.idx.msk [tilespmem:v2+s21+$0x0], $0xffff  }
0x7c: {  	v63 =	vld.idx.msk [tilespmem:v5+s21+$0x0], $0xffff  }
0x7d: {  	[tilespmem:v8+s29+$0x0] =	vst.idx.add.f32.msk $0xffff, v9  }
0x7e: {  	v6 =	vld.idx.msk [tilespmem:v6+s22+$0x0], $0xffff;
	_ =	sdelay $0x1  }
0x7f: {  	[tilespmem:v1+s29+$0x0] =	vst.idx.add.f32.msk $0xffff, v62  }
0x80: {  	[tilespmem:v3+s29+$0x0] =	vst.idx.add.f32.msk $0xffff, v10  }
0x81: {  	[tilespmem:v4+s29+$0x0] =	vst.idx.add.f32.msk $0xffff, v63  }
0x82: {  	[tilespmem:v8+s30+$0x0] =	vst.idx.add.f32.msk $0xffff, v6  }
0x83: {  	s16 =	simm.s32 $0x19060;
	s0 =	simm.s32 $0x0;
	v6 =	vld.idx.msk [tilespmem:v7+s22+$0x0], $0xffff  }
.LBB2_4:
0x84: {  	v7 =	vld [tilespmem:s16+$0x10];
	s0 =	sadd.s32 $0x40, s0  }
0x85: {  	v8 =	vld [tilespmem:s16+$0xFFFFFFF0];
	p0 =	slt.u32 s0, $0x26C0  }
0x86: {  	v9 =	vld [tilespmem:s16+$0x0]  }
0x87: {  	v10 =	vld [tilespmem:s16+$0xFFFFFFE0]  }
0x88: {  	v11 =	vld.idx.msk [tilespmem:v2+s22+$0x0], $0xffff  }
0x89: {  	s1 =	sadd.s32 $0x40, s1;
	v12 =	vld.idx.msk [tilespmem:v5+s22+$0x0], $0xffff  }
0x8a: {  	v13 =	vld [tilespmem:s1+$0x10];
	v2 =	vmov v8  }
0x8b: {  	v14 =	vld [tilespmem:s1+$0xFFFFFFE0];
	v5 =	vmov v9  }
0x8c: {  	v15 =	vld.idx.msk [tilespmem:v7+s2+$0x0], $0xffff  }
0x8d: {  	v8 =	vld.idx.msk [tilespmem:v8+s2+$0x0], $0xffff  }
0x8e: {  	v9 =	vld.idx.msk [tilespmem:v9+s2+$0x0], $0xffff  }
0x8f: {  	v16 =	vld.idx.msk [tilespmem:v10+s2+$0x0], $0xffff  }
0x90: {  	v17 =	vld [tilespmem:s1+$0xFFFFFFF0]  }
0x91: {  	v18 =	vld [tilespmem:s1+$0x0]  }
0x92: {  	[tilespmem:v13+s25+$0x0] =	vst.idx.add.f32.msk $0xffff, v15  }
0x93: {  	v15 =	vld.idx.msk [tilespmem:v7+s19+$0x0], $0xffff  }
0x94: {  	[tilespmem:v1+s30+$0x0] =	vst.idx.add.f32.msk $0xffff, v6;
	v1 =	vmov v14  }
0x95: {  	[tilespmem:v14+s25+$0x0] =	vst.idx.add.f32.msk $0xffff, v16  }
0x96: {  	v6 =	vld.idx.msk [tilespmem:v10+s19+$0x0], $0xffff  }
0x97: {  	[tilespmem:v3+s30+$0x0] =	vst.idx.add.f32.msk $0xffff, v11;
	v3 =	vmov v17  }
0x98: {  	[tilespmem:v17+s25+$0x0] =	vst.idx.add.f32.msk $0xffff, v8  }
0x99: {  	[tilespmem:v13+s26+$0x0] =	vst.idx.add.f32.msk $0xffff, v15  }
0x9a: {  	v8 =	vld.idx.msk [tilespmem:v7+s20+$0x0], $0xffff  }
0x9b: {  	[tilespmem:v18+s25+$0x0] =	vst.idx.add.f32.msk $0xffff, v9  }
0x9c: {  	v9 =	vld.idx.msk [tilespmem:v2+s19+$0x0], $0xffff  }
0x9d: {  	v11 =	vld.idx.msk [tilespmem:v5+s19+$0x0], $0xffff  }
0x9e: {  	[tilespmem:v14+s26+$0x0] =	vst.idx.add.f32.msk $0xffff, v6  }
0x9f: {  	v6 =	vld.idx.msk [tilespmem:v10+s20+$0x0], $0xffff  }
0xa0: {  	[tilespmem:v13+s28+$0x0] =	vst.idx.add.f32.msk $0xffff, v8  }
0xa1: {  	v8 =	vld.idx.msk [tilespmem:v7+s21+$0x0], $0xffff  }
0xa2: {  	[tilespmem:v17+s26+$0x0] =	vst.idx.add.f32.msk $0xffff, v9  }
0xa3: {  	[tilespmem:v18+s26+$0x0] =	vst.idx.add.f32.msk $0xffff, v11  }
0xa4: {  	v9 =	vld.idx.msk [tilespmem:v2+s20+$0x0], $0xffff  }
0xa5: {  	v11 =	vld.idx.msk [tilespmem:v5+s20+$0x0], $0xffff  }
0xa6: {  	[tilespmem:v14+s28+$0x0] =	vst.idx.add.f32.msk $0xffff, v6  }
0xa7: {  	[tilespmem:v13+s29+$0x0] =	vst.idx.add.f32.msk $0xffff, v8  }
0xa8: {  	v6 =	vld.idx.msk [tilespmem:v7+s22+$0x0], $0xffff  }
0xa9: {  	v7 =	vld.idx.msk [tilespmem:v10+s21+$0x0], $0xffff  }
0xaa: {  	[tilespmem:v17+s28+$0x0] =	vst.idx.add.f32.msk $0xffff, v9  }
0xab: {  	[tilespmem:v18+s28+$0x0] =	vst.idx.add.f32.msk $0xffff, v11  }
0xac: {  	v8 =	vld.idx.msk [tilespmem:v2+s21+$0x0], $0xffff  }
0xad: {  	v9 =	vld.idx.msk [tilespmem:v5+s21+$0x0], $0xffff  }
0xae: {  	[tilespmem:v13+s30+$0x0] =	vst.idx.add.f32.msk $0xffff, v6  }
.Ltmp1:
0xaf: {  	[tilespmem:v1+s29+$0x0] =	vst.idx.add.f32.msk $0xffff, v7;
	(pc) =	sbr.rel @p0 .LBB2_4-.Ltmp1, $4  }
0xb0: {  	v6 =	vld.idx.msk [tilespmem:v10+s22+$0x0], $0xffff  }
0xb1: {  	[tilespmem:v4+s30+$0x0] =	vst.idx.add.f32.msk $0xffff, v12;
	v4 =	vmov v18  }
0xb2: {  	[tilespmem:v3+s29+$0x0] =	vst.idx.add.f32.msk $0xffff, v8  }
0xb3: {  	s16 =	sadd.s32 $0x40, s16;
	[tilespmem:v18+s29+$0x0] =	vst.idx.add.f32.msk $0xffff, v9  }
0xb4: {  	_ =	sdelay $0x3  }
0xb5: {  	v2 =	vld.idx.msk [tilespmem:v2+s22+$0x0], $0xffff  }
0xb6: {  	v5 =	vld.idx.msk [tilespmem:v5+s22+$0x0], $0xffff;
	_ =	sdelay $0x2  }
0xb7: {  	[tilespmem:v1+s30+$0x0] =	vst.idx.add.f32.msk $0xffff, v6  }
0xb8: {  	[tilespmem:v3+s30+$0x0] =	vst.idx.add.f32.msk $0xffff, v2  }
0xb9: {  	[tilespmem:v4+s30+$0x0] =	vst.idx.add.f32.msk $0xffff, v5  }
0xba: {  	v1 =	vld [tilespmem:$0x1B700];
	_ =	sdelay $0x4  }
0xbb: {  	v2 =	vld [tilespmem:$0x1DE10];
	_ =	sdelay $0x2  }
0xbc: {  	v3 =	vld.idx.msk [tilespmem:v1+s2+$0x0], $0xffff;
	_ =	sdelay $0x4  }
0xbd: {  	[tilespmem:v2+s25+$0x0] =	vst.idx.add.f32.msk $0xffff, v3  }
0xbe: {  	v3 =	vld.idx.msk [tilespmem:v1+s19+$0x0], $0xffff;
	_ =	sdelay $0x4  }
0xbf: {  	[tilespmem:v2+s26+$0x0] =	vst.idx.add.f32.msk $0xffff, v3  }
0xc0: {  	v3 =	vld.idx.msk [tilespmem:v1+s20+$0x0], $0xffff;
	_ =	sdelay $0x4  }
0xc1: {  	[tilespmem:v2+s28+$0x0] =	vst.idx.add.f32.msk $0xffff, v3  }
0xc2: {  	v3 =	vld.idx.msk [tilespmem:v1+s21+$0x0], $0xffff;
	_ =	sdelay $0x4  }
0xc3: {  	[tilespmem:v2+s29+$0x0] =	vst.idx.add.f32.msk $0xffff, v3  }
0xc4: {  	v1 =	vld.idx.msk [tilespmem:v1+s22+$0x0], $0xffff;
	_ =	sdelay $0x4  }
0xc5: {  	[tilespmem:v2+s30+$0x0] =	vst.idx.add.f32.msk $0xffff, v1  }
0xc6: {  	[hbm4b:s10+s2] =	stream.linear.scatter [tilespmem:s25], [sflag:$0x3], $0x2800, $0x38;
	[tilespmem:$0x1DE20] =	vst v63  }
0xc7: {  	_ =	swait.ge [sflag:s18], $0x2800  }
0xc8: {  	[sflag:s18] =	ssyncset.done $0x0  }
0xc9: {  	[sflag:s18] =	ssyncadd.s32 $0xFFFFD800  }
0xca: {  	[hbm4b:s11+s2] =	stream.linear.scatter [tilespmem:s26], [sflag:$0x3], $0x2800, $0x38;
	[tilespmem:$0x1DE20] =	vst v63  }
0xcb: {  	_ =	swait.ge [sflag:s18], $0x2800  }
0xcc: {  	[sflag:s18] =	ssyncset.done $0x0  }
0xcd: {  	[sflag:s18] =	ssyncadd.s32 $0xFFFFD800  }
0xce: {  	[hbm4b:s12+s2] =	stream.linear.scatter [tilespmem:s28], [sflag:$0x3], $0x2800, $0x38;
	[tilespmem:$0x1DE20] =	vst v63  }
0xcf: {  	_ =	swait.ge [sflag:s18], $0x2800  }
0xd0: {  	[sflag:s18] =	ssyncset.done $0x0  }
0xd1: {  	[sflag:s18] =	ssyncadd.s32 $0xFFFFD800  }
0xd2: {  	[hbm4b:s13+s2] =	stream.linear.scatter [tilespmem:s29], [sflag:$0x3], $0x2800, $0x38;
	[tilespmem:$0x1DE20] =	vst v63  }
0xd3: {  	s31 =	sadd.s32 $0x1, s31;
	_ =	swait.ge [sflag:s18], $0x2800  }
0xd4: {  	p0 =	sne.s32 s31, s15;
	[sflag:s18] =	ssyncset.done $0x0  }
.Ltmp2:
0xd5: {  	[sflag:s18] =	ssyncadd.s32 $0xFFFFD800;
	(pc) =	sbr.rel @p0 .LBB2_1-.Ltmp2, $4  }
0xd6: {  	[hbm4b:s14+s2] =	stream.linear.scatter [tilespmem:s30], [sflag:$0x3], $0x2800, $0x38;
	[tilespmem:$0x1DE20] =	vst v63  }
0xd7: {  	_ =	swait.ge [sflag:s18], $0x2800  }
0xd8: {  	[sflag:s18] =	ssyncset.done $0x0  }
0xd9: {  	[sflag:s18] =	ssyncadd.s32 $0xFFFFD800  }
0xda: {  	_ =	sfence.sel $0x180000  }
0xdb: {  	[bflag:$0x0] =	sbarrier.arrive $0xFFFF  }
0xdc: {  	_ =	strace $0x9000004A  }
0xdd: {  	s0 =	stileid.u32;
	[bflag:$0x2] =	sbarrier.arrive $0xFFFF  }
0xde: {  	p0 =	sne.s32 s0, $0x0;
	s0 =	rddreg [dreg:$0x1]  }
0xdf: {  	s0 =	sadd.s32 @!p0 $0x100000, s0  }
0xe0: {  	[sflag:s0] =	ssyncadd.tile.s32 @!p0 $0x1;
	_ =	shalt  }
.Lfunc_end2:
_tile_overlayer_lowered:
.L_overlay_start_2:
0xe1: {  	(tag) =	ssettag $0x2  }
0xe2: {  	s0 =	rddreg [dreg:$0x0];
	s2 =	stileid.u32  }
0xe3: {  	s1 =	rddreg [dreg:$0x1];
	p0 =	sne.s32 s2, $0x0  }
0xe4: {  	s3 =	rddreg [dreg:$0x2];
	[bflag:$0x3] =	sbarrier.arrive $0xFFFF;
	s2 =	simm.s32 @!p0 $0x1C03  }
0xe5: {  	[timem:s3], [sflag:s2] =	dma.local @!p0 [hbm:s0], s1  }
0xe6: {  	s0 =	simm.s32 @!p0 $0x3  }
0xe7: {  	_ =	swait.ge @!p0 [sflag:s0], s1  }
0xe8: {  	s1 =	ssub.s32 @!p0 $0x0, s1;
	[sflag:s0] =	ssyncset.done @!p0 $0x0  }
0xe9: {  	[sflag:s0] =	ssyncadd.s32 @!p0 s1  }
0xea: {  	[bflag:$0x3] =	sbarrier.arrive $0xFFFF  }
0xeb: {  	_ =	shalt  }

// kernel: kernel.14.cloned.1.call-start
scs
__scs_entry_jumppad:
0x0: {  	(pc) =	sbr.rel $0x88, $3  }
0x1: {  	(tag) =	ssettag $0x0;
	lr =	simm.s32 $0x1  }
0x2: {  	[smem:$0x3F99] =	sst lr;
	_ =	strace $0xD0000000  }
0x3: {  	_ = 	snop  }
0x4: {  	_ = 	snop  }
0x5: {  	_ = 	snop  }
0x6: {  	_ = 	snop  }
0x7: {  	_ = 	snop  }
__scs_overlays_trampoline_lowered:
0x8: {  	[smem:$0x3FA8] =	sst s0  }
0x9: {  	[smem:$0x3FA9] =	sst s1  }
0xa: {  	[smem:$0x3FAA] =	sst s2  }
0xb: {  	[smem:$0x3FAB] =	sst s3  }
0xc: {  	[smem:$0x3FAC] =	sst s4  }
0xd: {  	[smem:$0x3FAD] =	sst s5  }
0xe: {  	[smem:$0x3FAE] =	sst s6  }
0xf: {  	[smem:$0x3FAF] =	sst s7  }
0x10: {  	[smem:$0x3FB0] =	sst s8  }
0x11: {  	[smem:$0x3FB1] =	sst s9;
	s0 =	simm.s32 @!p0 $0x0  }
0x12: {  	s1 =	sld [smem:$0x3F97];
	s0 =	simm.s32 @p0 $0x1  }
0x13: {  	[smem:$0x3FB2] =	sst s0;
	s0 =	simm.s32 @!p1 $0x0  }
0x14: {  	s2 =	sld [smem:$0x3F96];
	s0 =	simm.s32 @p1 $0x1  }
0x15: {  	[smem:$0x3FB3] =	sst s0;
	s0 =	simm.s32 @!p2 $0x0  }
0x16: {  	s3 =	sld [smem:$0x3FDB];
	s0 =	simm.s32 @p2 $0x1  }
0x17: {  	s4 =	simm.s32 $0x1BF5;
	[smem:$0x3FB5] =	sst s0  }
0x18: {  	s0 =	sld [smem:$0x3F98];
	_ =	swait.ge [sflag:s4], $0x0  }
0x19: {  	s7 =	sld [smem:$0x3F99]  }
0x1a: {  	s8 =	sadd.s32 $0xFFFFE003, lr  }
0x1b: {  	s9 =	sadd.s32 $0xFFFFFEF7, lr;
	s5 =	simm.s32 $0xFFFFFFFF;
	p2 =	slt.u32 s8, $0xFFFFF086  }
0x1c: {  	p1 =	slt.u32 s9, $0xF7A;
	s5 =	simm.s32 @!p2 $0x0  }
0x1d: {  	s5 =	simm.s32 @p1 $0x1;
	p0 =	seq.s32 s7, s2  }
0x1e: {  	s7 =	smul.u32 @!p0 $0xF7A, s2;
	p2 =	seq.s32 @!p0 s5, $0x0  }
0x1f: {  	s9 =	smul.u32 $0xF7A, s1;
	s8 =	simm.s32 @!p0 $0x1BF5;
	p2 =	por !p2, p0  }
0x20: {  	[sflag:s8] =	ssyncset.s32 @!p0 $0xFFFFF086;
	s6 =	sadd.s32 @!p0 s3, s7;
	s7 =	simm.s32 @!p0 $0x108  }
0x21: {  	s3 =	sadd.s32 s3, s9;
	s6 =	sadd.s32 @!p0 $0x88, s6;
	s7 =	simm.s32 @p2 $0x1082  }
0x22: {  	[simem:s7], [sflag:s8] =	dma.local @!p0 [hbm:s6], $0xF7A  }
0x23: {  	s9 =	sor.u32 $0xD0000000, s2;
	s6 =	simm.s32 $0x108;
	_ =	swait.ge @!p0 [sflag:s8], $0x0  }
0x24: {  	s3 =	sadd.s32 $0x88, s3;
	s6 =	simm.s32 @!p1 $0x1082;
	[sflag:s4] =	ssyncset.s32 $0xFFFFF086  }
0x25: {  	[simem:s6], [sflag:s4] =	dma.local [hbm:s3], $0xF7A  }
0x26: {  	[smem:$0x3F99] =	sst s1;
	(tag) =	ssettag s2;
	_ =	strace s9  }
0x27: {  	s1 =	sld [smem:$0x3FA9]  }
0x28: {  	s2 =	sld [smem:$0x3FAA]  }
0x29: {  	s4 =	sld [smem:$0x3FAC]  }
0x2a: {  	p0 =	seq.s32 s5, $0x0;
	s5 =	sld [smem:$0x3FAD]  }
0x2b: {  	s6 =	sld [smem:$0x3FAE]  }
0x2c: {  	s7 =	sld [smem:$0x3FAF]  }
0x2d: {  	s3 =	simm.s32 $0x108;
	s8 =	sld [smem:$0x3FB0]  }
0x2e: {  	s3 =	simm.s32 @!p0 $0x1082;
	s9 =	sld [smem:$0x3FB1]  }
0x2f: {  	lr =	sadd.s32 s0, s3;
	s0 =	sld [smem:$0x3FA8]  }
0x30: {  	s3 =	sld [smem:$0x3FAB]  }
0x31: {  	[smem:$0x3FB4] =	sst s10  }
0x32: {  	s10 =	sld [smem:$0x3FB2];
	_ =	sdelay $0x3  }
0x33: {  	p0 =	seq.s32 s10, $0x1;
	s10 =	sld [smem:$0x3FB4];
	_ =	sdelay $0x3  }
0x34: {  	[smem:$0x3FB4] =	sst s10  }
0x35: {  	s10 =	sld [smem:$0x3FB3];
	_ =	sdelay $0x3  }
0x36: {  	p1 =	seq.s32 s10, $0x1;
	s10 =	sld [smem:$0x3FB4];
	_ =	sdelay $0x3  }
0x37: {  	[smem:$0x3FB4] =	sst s10  }
0x38: {  	s10 =	sld [smem:$0x3FB5]  }
0x39: {  	_ = 	snop;
	(pc) =	sbr.ind lr, $3  }
0x3a: {  	_ = 	snop  }
0x3b: {  	_ = 	snop  }
0x3c: {  	p2 =	seq.s32 s10, $0x1;
	s10 =	sld [smem:$0x3FB4]  }
0x3d: {  	_ =	shalt  }
0x3e: {  	_ =	shalt  }
0x3f: {  	_ =	shalt  }
0x40: {  	_ =	shalt  }
0x41: {  	_ =	shalt  }
0x42: {  	_ =	shalt  }
0x43: {  	_ =	shalt  }
0x44: {  	_ =	shalt  }
0x45: {  	_ =	shalt  }
0x46: {  	_ =	shalt  }
0x47: {  	_ =	shalt  }
0x48: {  	_ =	shalt  }
0x49: {  	_ =	shalt  }
0x4a: {  	_ =	shalt  }
0x4b: {  	_ =	shalt  }
0x4c: {  	_ =	shalt  }
0x4d: {  	_ =	shalt  }
0x4e: {  	_ =	shalt  }
0x4f: {  	_ =	shalt  }
0x50: {  	_ =	shalt  }
0x51: {  	_ =	shalt  }
0x52: {  	_ =	shalt  }
0x53: {  	_ =	shalt  }
0x54: {  	_ =	shalt  }
0x55: {  	_ =	shalt  }
0x56: {  	_ =	shalt  }
0x57: {  	_ =	shalt  }
0x58: {  	_ =	shalt  }
0x59: {  	_ =	shalt  }
0x5a: {  	_ =	shalt  }
0x5b: {  	_ =	shalt  }
0x5c: {  	_ =	shalt  }
0x5d: {  	_ =	shalt  }
0x5e: {  	_ =	shalt  }
0x5f: {  	_ =	shalt  }
0x60: {  	_ =	shalt  }
0x61: {  	_ =	shalt  }
0x62: {  	_ =	shalt  }
0x63: {  	_ =	shalt  }
0x64: {  	_ =	shalt  }
0x65: {  	_ =	shalt  }
0x66: {  	_ =	shalt  }
0x67: {  	_ =	shalt  }
0x68: {  	_ =	shalt  }
0x69: {  	_ =	shalt  }
0x6a: {  	_ =	shalt  }
0x6b: {  	_ =	shalt  }
0x6c: {  	_ =	shalt  }
0x6d: {  	_ =	shalt  }
0x6e: {  	_ =	shalt  }
0x6f: {  	_ =	shalt  }
0x70: {  	_ =	shalt  }
0x71: {  	_ =	shalt  }
0x72: {  	_ =	shalt  }
0x73: {  	_ =	shalt  }
0x74: {  	_ =	shalt  }
0x75: {  	_ =	shalt  }
0x76: {  	_ =	shalt  }
0x77: {  	_ =	shalt  }
0x78: {  	_ =	shalt  }
0x79: {  	_ =	shalt  }
0x7a: {  	_ =	shalt  }
0x7b: {  	_ =	shalt  }
0x7c: {  	_ =	shalt  }
0x7d: {  	_ =	shalt  }
0x7e: {  	_ =	shalt  }
0x7f: {  	_ =	shalt  }
0x80: {  	_ =	shalt  }
0x81: {  	_ =	shalt  }
0x82: {  	_ =	shalt  }
0x83: {  	_ =	shalt  }
0x84: {  	_ =	shalt  }
0x85: {  	_ =	shalt  }
0x86: {  	_ =	shalt  }
0x87: {  	_ =	shalt  }
.Lfunc_end0:
.L_simem_size_0:
called_computation.2_lowered:
.L_overlay_start_0:
0x88: {  	s2 =	sld [smem:$0x3FD9]  }
0x89: {  	s3 =	sld [smem:$0x3FFE];
	_ =	sdelay $0x1  }
0x8a: {  	s1 =	srdreg.scid  }
0x8b: {  	s0 =	sand.u32 $0x1, s1  }
0x8c: {  	s17 =	sshll.u32 s0, $0xA;
	s2 =	sadd.s32 s3, s2  }
0x8d: {  	s2 =	sadd.s32 s2, s17  }
0x8e: {  	[smem:$0x3FC0] =	sst s2  }
0x8f: {  	_ = 	snop  }
0x90: {  	s2 =	sld [smem:$0x3FD0];
	(tm) =	ssettm $0x1  }
0x91: {  	s18 =	sld [smem:$0x3FFB];
	_ =	sdelay $0x3  }
0x92: {  	_ =	strace s18  }
0x93: {  	s3 =	sld [smem:$0x3FFC];
	_ =	sdelay $0x3  }
0x94: {  	_ =	strace s3  }
0x95: {  	s3 =	sld [smem:$0x3FFD];
	_ =	sdelay $0x3  }
0x96: {  	_ =	strace s3  }
0x97: {  	_ =	strace $0x8FFFFFFF  }
0x98: {  	s19 =	sld [smem:$0x3FDB];
	_ =	sdelay $0x1  }
0x99: {  	s4 =	simm.s32 $_scs_section_size  }
0x9a: {  	s5 =	simm.s32 $_size__tile_overlayer_lowered;
	s6 =	simm.s32 $_tile_overlayer_lowered  }
0x9b: {  	s22 =	simm.s32 $0x1BFF;
	s21 =	sshll.u32 s6, $0x1;
	s3 =	sadd.s32 s4, s19  }
0x9c: {  	s7 =	simm.s32 $0x0;
	s20 =	sshll.u32 s5, $0x1;
	s5 =	sadd.s32 s21, s3  }
0x9d: {  	[timem:s7], [sflag:s22] =	dma.local [hbm:s5], s20  }
0x9e: {  	_ =	swait.ge [sflag:s22], s20  }
0x9f: {  	s4 =	ssub.s32 $0x0, s20;
	[sflag:s22] =	ssyncset.done $0x0  }
0xa0: {  	[sflag:s22] =	ssyncadd.s32 s4;
	_ =	sdelay $0x1  }
0xa1: {  	s23 =	simm.s32 $0x1B8B  }
0xa2: {  	_ =	swait.ge [sflag:s23], $0x1  }
0xa3: {  	[sflag:s23] =	ssyncset.done $0x0  }
0xa4: {  	s25 =	simm.s32 $0x1B8E;
	s24 =	sld [smem:$0x3FFE];
	[sflag:s23] =	ssyncadd.s32 $0xFFFFFFFF  }
0xa5: {  	s26 =	simm.s32 $execute0_lowered;
	[smem:$0x3FD2] =	sst s25  }
0xa6: {  	s5 =	sshll.u32 s26, $0x1;
	_ =	strace $0x8000004C;
	[dreg:$0x1] =	wrdreg $0xFFFFFFFF  }
0xa7: {  	s28 =	simm.s32 $_size_execute0_lowered;
	s3 =	sadd.s32 s3, s5;
	[dreg:$0x0] =	wrdreg $0x0  }
0xa8: {  	s5 =	sshll.u32 s28, $0x1;
	[dreg:$0x2] =	wrdreg s3  }
0xa9: {  	[dreg:$0x3] =	wrdreg s5  }
0xaa: {  	[dreg:$0x4] =	wrdreg $0xC0  }
0xab: {  	_ =	task [dreg:s7], $0x5FFFF  }
0xac: {  	[dreg:$0x1] =	wrdreg $0xFFFFFFFF  }
0xad: {  	[dreg:$0x0] =	wrdreg $0x60  }
0xae: {  	[dreg:$0x2] =	wrdreg s24  }
0xaf: {  	[dreg:$0x3] =	wrdreg s2  }
0xb0: {  	[dreg:$0x4] =	wrdreg $0x9  }
0xb1: {  	_ =	task.clear_ibuf [dreg:s7], $0x5FFFF;
	_ =	strace $0x9000004C  }
0xb2: {  	s29 =	simm.s32 $0x9;
	_ =	strace $0x8000004E  }
0xb3: {  	_ =	swait.ge [sflag:s29], $0x1  }
0xb4: {  	[sflag:s29] =	ssyncadd.s32 $0xFFFFFFFF  }
0xb5: {  	_ =	strace $0x9000004E  }
0xb6: {  	_ =	sfence  }
0xb7: {  	s30 =	sld [smem:$0x0];
	_ =	sdelay $0x2  }
0xb8: {  	s31 =	sshll.u32 s1, $0xD;
	s1 =	sshrl.u32 s1, $0x2  }
0xb9: {  	s3 =	sand.u32 $0x4000, s31;
	s1 =	sadd.s32 s1, s30  }
0xba: {  	s0 =	sor.u32 s3, s0;
	s1 =	sshll.u32 s1, $0x11  }
0xbb: {  	s0 =	sor.u32 s1, s0  }
0xbc: {  	s0 =	sadd.s32 $0x8F2B, s0  }
0xbd: {  	[sflag:s0] =	ssyncadd.remote.s32 $0x1  }
0xbe: {  	_ =	sfence.sel $0xFFFF  }
0xbf: {  	[dreg:$0x0] =	wrdreg $0xFFFFFFFF;
	(pc) =	sbr.abs _section_cstart, $3  }
0xc0: {  	[dreg:$0x1] =	wrdreg $0xFFFFFFFF  }
0xc1: {  	_ =	task.clear_ibuf [dreg:s7], $0x2FFFF;
	_ =	strace $0x9FFFFFFF  }
0xc2: {  	(tm) =	ssettm $0x7FFFFFFF  }
0xc3: {  	_ =	shalt  }
tec
execute0_lowered:
.L_overlay_start_1:
0x0: {  	(tag) =	ssettag $0x1  }
0x1: {  	s1 =	srdreg.scid  }
0x2: {  	s0 =	stileid.u32;
	s4 =	rddreg [dreg:$0x0]  }
0x3: {  	s2 =	rddreg [dreg:$0x1];
	s3 =	simm.s32 $0x0;
	s8 =	simm.s32 $0x140  }
0x4: {  	s9 =	simm.s32 $0x2800;
	s10 =	simm.s32 $0x1;
	s11 =	simm.s32 $0xCF80  }
0x5: {  	s12 =	simm.s32 $0x780;
	s5 =	sand.u32 $0x1, s1;
	s30 =	sshll.u32 s0, $0x1  }
0x6: {  	s13 =	simm.s32 $0xD160;
	s6 =	sor.u32 s5, s30;
	s5 =	ssub.s32 $0x2, s5  }
0x7: {  	s1 =	rddreg [dreg:$0x2];
	s6 =	smul.u32 $0x28, s6;
	s31 =	sshrl.u32 s5, $0x1  }
0x8: {  	s14 =	simm.s32 $0x0;
	[smem:$0x7FF] =	sst s3;
	s7 =	ssub.s32 s5, s31  }
0x9: {  	_ =	strace $0x8000004D;
	s6 =	sadd.s32 s6, s4;
	s7 =	smax.u32 s7, $0x1  }
0xa: {  	s4 =	sadd.s32 $0x15C00, s6;
	s5 =	sadd.s32 $0x17A00, s6;
	s6 =	sadd.s32 $0x49A00, s6  }
.LBB2_1:
0xb: {  	[tilespmem:s3], [sflag:$0x1] =	stream.strided.gather [hbm4b:s4+s8], $0x780, s9, s8, $0x38;
	[tilespmem:$0xD8E0] =	vst v63  }
0xc: {  	_ =	swait.ge [sflag:s10], $0x780  }
0xd: {  	[sflag:s10] =	ssyncset.done $0x0  }
0xe: {  	[sflag:s10] =	ssyncadd.s32 $0xFFFFF880  }
0xf: {  	[tilespmem:s11], [sflag:$0x1] =	stream.linear.gather [hbm4b:s2+s3], $0x1E0, $0x38;
	[tilespmem:$0xD8E0] =	vst v63  }
0x10: {  	_ =	swait.ge [sflag:s10], $0x1E0  }
0x11: {  	[sflag:s10] =	ssyncset.done $0x0  }
0x12: {  	[sflag:s10] =	ssyncadd.s32 $0xFFFFFE20  }
0x13: {  	[tilespmem:s12], [sflag:$0x1] =	stream.strided.gather [hbm4b:s5+s8], $0xC800, s9, s8, $0x38;
	[tilespmem:$0xD8E0] =	vst v63  }
0x14: {  	_ =	swait.ge [sflag:s10], $0xC800  }
0x15: {  	[sflag:s10] =	ssyncset.done $0x0  }
0x16: {  	s15 =	simm.s32 $0x1400;
	s16 =	simm.s32 $0x0;
	[sflag:s10] =	ssyncadd.s32 $0xFFFF3800  }
.LBB2_2:
0x17: {  	v13 =	vld [tilespmem:s15+$0x640]  }
0x18: {  	v2 =	vld [tilespmem:s15+$0x780]  }
0x19: {  	v1 =	vld [tilespmem:s15+$0x8C0]  }
0x1a: {  	v6 =	vld [tilespmem:s15+$0x0]  }
0x1b: {  	v3 =	vld [tilespmem:s15+$0x140]  }
0x1c: {  	v9 =	vld [tilespmem:s15+$0xFFFFF380]  }
0x1d: {  	v4 =	vld [tilespmem:s15+$0x280]  }
0x1e: {  	v10 =	vld [tilespmem:s15+$0xFFFFF9C0]  }
0x1f: {  	v14 =	vld [tilespmem:s15+$0xFFFFFB00]  }
0x20: {  	v16 =	vld [tilespmem:s15+$0xFFFFFC40]  }
0x21: {  	v15 =	vld [tilespmem:s15+$0xFFFFF4C0]  }
0x22: {  	v17 =	vld [tilespmem:s15+$0xFFFFF600]  }
0x23: {  	s20 =	sshll.u32 s16, $0x4;
	v18 =	vld [tilespmem:s15+$0xFFFFF740]  }
0x24: {  	v5 =	vld [tilespmem:s20+$0x0]  }
0x25: {  	v19 =	vld [tilespmem:s15+$0xFFFFF880]  }
0x26: {  	v0 =	vld [tilespmem:s20+$0x640]  }
0x27: {  	v7 =	vld [tilespmem:s20+$0x140]  }
0x28: {  	v8 =	vld [tilespmem:s20+$0x280]  }
0x29: {  	v12 =	vld [tilespmem:s20+$0x500];
	v5 =	vadd.f32 v9, v5  }
0x2a: {  	v11 =	vld [tilespmem:s20+$0x3C0]  }
0x2b: {  	v9 =	vld [tilespmem:s15+$0xFFFFFD80];
	v5 =	vadd.f32 v10, v5  }
0x2c: {  	v10 =	vld [tilespmem:s15+$0xFFFFFEC0]  }
0x2d: {  	v15 =	vadd.f32 v15, v7;
	v7 =	vld [tilespmem:s15+$0x500];
	v5 =	vadd.f32 v6, v5  }
0x2e: {  	s23 =	simm.s32 $0x0;
	v17 =	vadd.f32 v17, v8;
	v12 =	vadd.f32 v19, v12;
	v6 =	vld [tilespmem:s15+$0x3C0]  }
0x2f: {  	s24 =	sadd.s32 $0x1900, s15;
	s17 =	sadd.s32 $0x640, s20;
	s22 =	sadd.s32 $0x140, s20;
	v8 =	vld [tilespmem:s15+$0xA00];
	v5 =	vadd.f32 v13, v5;
	v13 =	vadd.f32 v18, v11  }
0x30: {  	s21 =	sadd.s32 $0x280, s20;
	s19 =	sadd.s32 $0x3C0, s20;
	s18 =	sadd.s32 $0x500, s20;
	v15 =	vadd.f32 v14, v15;
	v14 =	vadd.f32 v16, v17;
	v11 =	vld [tilespmem:s15+$0xB40]  }
.LBB2_3:
0x31: {  	v16 =	vld [tilespmem:s24+$0x640];
	v9 =	vadd.f32 v9, v13;
	v10 =	vadd.f32 v10, v12  }
0x32: {  	v12 =	vld [tilespmem:s24+$0x780];
	v3 =	vadd.f32 v3, v15;
	v4 =	vadd.f32 v4, v14  }
0x33: {  	v13 =	vld [tilespmem:s24+$0x8C0];
	v6 =	vadd.f32 v6, v9;
	v7 =	vadd.f32 v7, v10  }
0x34: {  	v10 =	vld [tilespmem:s24+$0x0];
	v14 =	vadd.f32 v2, v3;
	v15 =	vadd.f32 v1, v4  }
0x35: {  	v3 =	vld [tilespmem:s24+$0x140];
	v8 =	vadd.f32 v8, v6;
	v11 =	vadd.f32 v11, v7  }
0x36: {  	v6 =	vld [tilespmem:s24+$0xFFFFF380]  }
0x37: {  	v4 =	vld [tilespmem:s24+$0x280];
	v2 =	vmov v12  }
0x38: {  	v7 =	vld [tilespmem:s24+$0xFFFFF9C0];
	v1 =	vmov v13  }
0x39: {  	v17 =	vld [tilespmem:s24+$0xFFFFFB00]  }
0x3a: {  	v18 =	vld [tilespmem:s24+$0xFFFFFC40]  }
0x3b: {  	v5 =	vadd.f32 v6, v5;
	v12 =	vld [tilespmem:s24+$0xFFFFF4C0]  }
0x3c: {  	v13 =	vld [tilespmem:s24+$0xFFFFF600]  }
0x3d: {  	v19 =	vld [tilespmem:s24+$0xFFFFF740];
	v5 =	vadd.f32 v7, v5  }
0x3e: {  	s23 =	sadd.s32 $0x4, s23;
	v20 =	vld [tilespmem:s24+$0xFFFFF880]  }
0x3f: {  	p0 =	slt.u32 s23, $0x1C;
	v9 =	vld [tilespmem:s24+$0xFFFFFD80];
	v5 =	vadd.f32 v10, v5  }
.Ltmp0:
0x40: {  	v10 =	vld [tilespmem:s24+$0xFFFFFEC0];
	(pc) =	sbr.rel @p0 .LBB2_3-.Ltmp0, $4  }
0x41: {  	v6 =	vld [tilespmem:s24+$0x3C0];
	v5 =	vadd.f32 v16, v5  }
0x42: {  	v14 =	vadd.f32 v12, v14;
	v16 =	vadd.f32 v13, v15;
	v7 =	vld [tilespmem:s24+$0x500]  }
0x43: {  	v13 =	vadd.f32 v19, v8;
	v12 =	vadd.f32 v20, v11;
	v8 =	vld [tilespmem:s24+$0xA00]  }
0x44: {  	v15 =	vadd.f32 v17, v14;
	v14 =	vadd.f32 v18, v16;
	v11 =	vld [tilespmem:s24+$0xB40];
	s24 =	sadd.s32 $0x1900, s24  }
0x45: {  	_ = 	snop  }
0x46: {  	v24 =	vld [tilespmem:$0xD110];
	v3 =	vadd.f32 v3, v15  }
0x47: {  	v9 =	vadd.f32 v9, v13;
	v25 =	vld [tilespmem:$0xD120]  }
0x48: {  	v26 =	vld [tilespmem:$0xD130];
	v4 =	vadd.f32 v4, v14;
	v2 =	vadd.f32 v2, v3  }
0x49: {  	v10 =	vadd.f32 v10, v12;
	v27 =	vld [tilespmem:$0xCF80];
	v6 =	vadd.f32 v6, v9  }
0x4a: {  	v5 =	vmul.f32 v5, v0;
	v28 =	vld [tilespmem:$0xCFD0];
	v1 =	vadd.f32 v1, v4;
	v2 =	vmul.f32 v2, v0  }
0x4b: {  	v29 =	vld [tilespmem:$0xD140];
	v7 =	vadd.f32 v7, v10;
	v6 =	vadd.f32 v8, v6  }
0x4c: {  	v30 =	vld [tilespmem:$0xD020];
	v5 =	vadd.f32 v24, v5;
	v1 =	vmul.f32 v1, v0;
	v2 =	vadd.f32 v25, v2  }
0x4d: {  	v31 =	vld [tilespmem:$0xD150];
	v7 =	vadd.f32 v11, v7;
	v32 =	vmul.f32 v6, v0  }
0x4e: {  	v33 =	vld [tilespmem:$0xD070];
	v5 =	vmax.f32 v5, $0.0e+00;
	v1 =	vadd.f32 v26, v1;
	v2 =	vmax.f32 v2, $0.0e+00  }
0x4f: {  	v34 =	vmul.f32 v27, v5;
	v4 =	vmul.f32 v28, v2  }
0x50: {  	v35 =	vld [tilespmem:$0xD0C0];
	v7 =	vmul.f32 v7, v0;
	v3 =	vadd.f32 v29, v32;
	v1 =	vmax.f32 v1, $0.0e+00  }
0x51: {  	v8 =	vmul.f32 v30, v1;
	v4 =	vadd.f32 v4, v34  }
0x52: {  	v7 =	vadd.f32 v31, v7;
	v3 =	vmax.f32 v3, $0.0e+00  }
0x53: {  	v6 =	vmul.f32 v33, v3;
	v4 =	vadd.f32 v8, v4  }
0x54: {  	v7 =	vmax.f32 v7, $0.0e+00  }
0x55: {  	v36 =	vmul.f32 v35, v7;
	v4 =	vadd.f32 v6, v4;
	_ =	sdelay $0x1  }
0x56: {  	v4 =	vadd.f32 v36, v4;
	_ =	sdelay $0x1  }
0x57: {  	v4 =	vmul.f32 v4, v0;
	_ =	sdelay $0x1  }
0x58: {  	[tilespmem:s20+$0xD160] =	vst v4  }
0x59: {  	v4 =	vld [tilespmem:$0xCF90]  }
0x5a: {  	v37 =	vld [tilespmem:$0xCFE0];
	_ =	sdelay $0x1  }
0x5b: {  	v38 =	vld [tilespmem:$0xD030];
	_ =	sdelay $0x1  }
0x5c: {  	v39 =	vld [tilespmem:$0xD080]  }
0x5d: {  	v4 =	vmul.f32 v4, v5;
	v6 =	vmul.f32 v37, v2  }
0x5e: {  	v40 =	vld [tilespmem:$0xD0D0]  }
0x5f: {  	v41 =	vmul.f32 v38, v1;
	v4 =	vadd.f32 v6, v4;
	_ =	sdelay $0x1  }
0x60: {  	v42 =	vmul.f32 v39, v3;
	v4 =	vadd.f32 v41, v4;
	_ =	sdelay $0x1  }
0x61: {  	v43 =	vmul.f32 v40, v7;
	v4 =	vadd.f32 v42, v4;
	_ =	sdelay $0x1  }
0x62: {  	v4 =	vadd.f32 v43, v4;
	_ =	sdelay $0x1  }
0x63: {  	v4 =	vmul.f32 v4, v0;
	_ =	sdelay $0x1  }
0x64: {  	[tilespmem:s22+$0xD160] =	vst v4  }
0x65: {  	v4 =	vld [tilespmem:$0xCFA0]  }
0x66: {  	v44 =	vld [tilespmem:$0xCFF0];
	_ =	sdelay $0x1  }
0x67: {  	v45 =	vld [tilespmem:$0xD040];
	_ =	sdelay $0x1  }
0x68: {  	v46 =	vld [tilespmem:$0xD090]  }
0x69: {  	v4 =	vmul.f32 v4, v5;
	v6 =	vmul.f32 v44, v2  }
0x6a: {  	v47 =	vld [tilespmem:$0xD0E0]  }
0x6b: {  	v48 =	vmul.f32 v45, v1;
	v4 =	vadd.f32 v6, v4;
	_ =	sdelay $0x1  }
0x6c: {  	v49 =	vmul.f32 v46, v3;
	v4 =	vadd.f32 v48, v4;
	_ =	sdelay $0x1  }
0x6d: {  	v50 =	vmul.f32 v47, v7;
	v4 =	vadd.f32 v49, v4;
	_ =	sdelay $0x1  }
0x6e: {  	v4 =	vadd.f32 v50, v4;
	_ =	sdelay $0x1  }
0x6f: {  	v4 =	vmul.f32 v4, v0;
	_ =	sdelay $0x1  }
0x70: {  	[tilespmem:s21+$0xD160] =	vst v4  }
0x71: {  	v4 =	vld [tilespmem:$0xCFB0]  }
0x72: {  	v51 =	vld [tilespmem:$0xD000];
	_ =	sdelay $0x1  }
0x73: {  	v52 =	vld [tilespmem:$0xD050];
	_ =	sdelay $0x1  }
0x74: {  	v53 =	vld [tilespmem:$0xD0A0]  }
0x75: {  	v4 =	vmul.f32 v4, v5;
	v6 =	vmul.f32 v51, v2  }
0x76: {  	v54 =	vld [tilespmem:$0xD0F0]  }
0x77: {  	v55 =	vmul.f32 v52, v1;
	v4 =	vadd.f32 v6, v4;
	_ =	sdelay $0x1  }
0x78: {  	v56 =	vmul.f32 v53, v3;
	v4 =	vadd.f32 v55, v4;
	_ =	sdelay $0x1  }
0x79: {  	v57 =	vmul.f32 v54, v7;
	v4 =	vadd.f32 v56, v4;
	_ =	sdelay $0x1  }
0x7a: {  	v4 =	vadd.f32 v57, v4;
	_ =	sdelay $0x1  }
0x7b: {  	v4 =	vmul.f32 v4, v0;
	_ =	sdelay $0x1  }
0x7c: {  	[tilespmem:s19+$0xD160] =	vst v4  }
0x7d: {  	v4 =	vld [tilespmem:$0xCFC0]  }
0x7e: {  	v58 =	vld [tilespmem:$0xD010];
	_ =	sdelay $0x1  }
0x7f: {  	v59 =	vld [tilespmem:$0xD060];
	_ =	sdelay $0x1  }
0x80: {  	v60 =	vld [tilespmem:$0xD0B0]  }
0x81: {  	v4 =	vmul.f32 v4, v5;
	v2 =	vmul.f32 v58, v2  }
0x82: {  	v61 =	vld [tilespmem:$0xD100]  }
0x83: {  	v1 =	vmul.f32 v59, v1;
	v2 =	vadd.f32 v2, v4;
	_ =	sdelay $0x1  }
0x84: {  	v62 =	vmul.f32 v60, v3;
	v1 =	vadd.f32 v1, v2;
	_ =	sdelay $0x1  }
0x85: {  	s16 =	sadd.s32 $0x1, s16;
	v63 =	vmul.f32 v61, v7;
	v1 =	vadd.f32 v62, v1  }
0x86: {  	p0 =	sne.s32 s16, $0x14  }
.Ltmp1:
0x87: {  	v1 =	vadd.f32 v63, v1;
	(pc) =	sbr.rel @p0 .LBB2_2-.Ltmp1, $4  }
0x88: {  	_ = 	snop  }
0x89: {  	v1 =	vmul.f32 v1, v0  }
0x8a: {  	[tilespmem:s17+$0xD160] =	vst v0  }
0x8b: {  	s15 =	sadd.s32 $0x10, s15;
	[tilespmem:s18+$0xD160] =	vst v1  }
0x8c: {  	s14 =	sadd.s32 $0x1, s14  }
0x8d: {  	p0 =	sne.s32 s14, s7  }
.Ltmp2:
0x8e: {  	_ = 	snop;
	(pc) =	sbr.rel @p0 .LBB2_1-.Ltmp2, $4  }
0x8f: {  	[hbm4b:s6+s8] =	stream.strided.scatter [tilespmem:s13], [sflag:$0x1], $0x780, s9, s8, $0x38;
	[tilespmem:$0xD8E0] =	vst v63  }
0x90: {  	_ =	swait.ge [sflag:s10], $0x780  }
0x91: {  	[sflag:s10] =	ssyncset.done $0x0  }
0x92: {  	[sflag:s10] =	ssyncadd.s32 $0xFFFFF880  }
0x93: {  	_ =	sfence.sel $0x180000  }
0x94: {  	[bflag:$0x0] =	sbarrier.arrive $0xFFFF  }
0x95: {  	p0 =	sne.s32 s0, $0x0;
	_ =	strace $0x9000004D  }
0x96: {  	s0 =	sadd.s32 @!p0 $0x100000, s1;
	[bflag:$0x2] =	sbarrier.arrive $0xFFFF  }
0x97: {  	[sflag:s0] =	ssyncadd.tile.s32 @!p0 $0x1;
	_ =	shalt  }
.Lfunc_end2:
_tile_overlayer_lowered:
.L_overlay_start_2:
0x98: {  	(tag) =	ssettag $0x2  }
0x99: {  	s0 =	rddreg [dreg:$0x0];
	s2 =	stileid.u32  }
0x9a: {  	s1 =	rddreg [dreg:$0x1];
	p0 =	sne.s32 s2, $0x0  }
0x9b: {  	s3 =	rddreg [dreg:$0x2];
	[bflag:$0x3] =	sbarrier.arrive $0xFFFF;
	s2 =	simm.s32 @!p0 $0x1C01  }
0x9c: {  	[timem:s3], [sflag:s2] =	dma.local @!p0 [hbm:s0], s1  }
0x9d: {  	s0 =	simm.s32 @!p0 $0x1  }
0x9e: {  	_ =	swait.ge @!p0 [sflag:s0], s1  }
0x9f: {  	s1 =	ssub.s32 @!p0 $0x0, s1;
	[sflag:s0] =	ssyncset.done @!p0 $0x0  }
0xa0: {  	[sflag:s0] =	ssyncadd.s32 @!p0 s1  }
0xa1: {  	[bflag:$0x3] =	sbarrier.arrive $0xFFFF  }
0xa2: {  	_ =	shalt  }

// kernel: kernel.17.cloned.1.call-start
scs
__scs_entry_jumppad:
0x0: {  	(pc) =	sbr.rel $0x88, $3  }
0x1: {  	(tag) =	ssettag $0x0;
	lr =	simm.s32 $0x1  }
0x2: {  	[smem:$0x3F99] =	sst lr;
	_ =	strace $0xD0000000  }
0x3: {  	_ = 	snop  }
0x4: {  	_ = 	snop  }
0x5: {  	_ = 	snop  }
0x6: {  	_ = 	snop  }
0x7: {  	_ = 	snop  }
__scs_overlays_trampoline_lowered:
0x8: {  	[smem:$0x3FA8] =	sst s0  }
0x9: {  	[smem:$0x3FA9] =	sst s1  }
0xa: {  	[smem:$0x3FAA] =	sst s2  }
0xb: {  	[smem:$0x3FAB] =	sst s3  }
0xc: {  	[smem:$0x3FAC] =	sst s4  }
0xd: {  	[smem:$0x3FAD] =	sst s5  }
0xe: {  	[smem:$0x3FAE] =	sst s6  }
0xf: {  	[smem:$0x3FAF] =	sst s7  }
0x10: {  	[smem:$0x3FB0] =	sst s8  }
0x11: {  	[smem:$0x3FB1] =	sst s9;
	s0 =	simm.s32 @!p0 $0x0  }
0x12: {  	s1 =	sld [smem:$0x3F97];
	s0 =	simm.s32 @p0 $0x1  }
0x13: {  	[smem:$0x3FB2] =	sst s0;
	s0 =	simm.s32 @!p1 $0x0  }
0x14: {  	s2 =	sld [smem:$0x3F96];
	s0 =	simm.s32 @p1 $0x1  }
0x15: {  	[smem:$0x3FB3] =	sst s0;
	s0 =	simm.s32 @!p2 $0x0  }
0x16: {  	s3 =	sld [smem:$0x3FDB];
	s0 =	simm.s32 @p2 $0x1  }
0x17: {  	s4 =	simm.s32 $0x1BF5;
	[smem:$0x3FB5] =	sst s0  }
0x18: {  	s0 =	sld [smem:$0x3F98];
	_ =	swait.ge [sflag:s4], $0x0  }
0x19: {  	s7 =	sld [smem:$0x3F99]  }
0x1a: {  	s8 =	sadd.s32 $0xFFFFE003, lr  }
0x1b: {  	s9 =	sadd.s32 $0xFFFFFEF7, lr;
	s5 =	simm.s32 $0xFFFFFFFF;
	p2 =	slt.u32 s8, $0xFFFFF086  }
0x1c: {  	p1 =	slt.u32 s9, $0xF7A;
	s5 =	simm.s32 @!p2 $0x0  }
0x1d: {  	s5 =	simm.s32 @p1 $0x1;
	p0 =	seq.s32 s7, s2  }
0x1e: {  	s7 =	smul.u32 @!p0 $0xF7A, s2;
	p2 =	seq.s32 @!p0 s5, $0x0  }
0x1f: {  	s9 =	smul.u32 $0xF7A, s1;
	s8 =	simm.s32 @!p0 $0x1BF5;
	p2 =	por !p2, p0  }
0x20: {  	[sflag:s8] =	ssyncset.s32 @!p0 $0xFFFFF086;
	s6 =	sadd.s32 @!p0 s3, s7;
	s7 =	simm.s32 @!p0 $0x108  }
0x21: {  	s3 =	sadd.s32 s3, s9;
	s6 =	sadd.s32 @!p0 $0x88, s6;
	s7 =	simm.s32 @p2 $0x1082  }
0x22: {  	[simem:s7], [sflag:s8] =	dma.local @!p0 [hbm:s6], $0xF7A  }
0x23: {  	s9 =	sor.u32 $0xD0000000, s2;
	s6 =	simm.s32 $0x108;
	_ =	swait.ge @!p0 [sflag:s8], $0x0  }
0x24: {  	s3 =	sadd.s32 $0x88, s3;
	s6 =	simm.s32 @!p1 $0x1082;
	[sflag:s4] =	ssyncset.s32 $0xFFFFF086  }
0x25: {  	[simem:s6], [sflag:s4] =	dma.local [hbm:s3], $0xF7A  }
0x26: {  	[smem:$0x3F99] =	sst s1;
	(tag) =	ssettag s2;
	_ =	strace s9  }
0x27: {  	s1 =	sld [smem:$0x3FA9]  }
0x28: {  	s2 =	sld [smem:$0x3FAA]  }
0x29: {  	s4 =	sld [smem:$0x3FAC]  }
0x2a: {  	p0 =	seq.s32 s5, $0x0;
	s5 =	sld [smem:$0x3FAD]  }
0x2b: {  	s6 =	sld [smem:$0x3FAE]  }
0x2c: {  	s7 =	sld [smem:$0x3FAF]  }
0x2d: {  	s3 =	simm.s32 $0x108;
	s8 =	sld [smem:$0x3FB0]  }
0x2e: {  	s3 =	simm.s32 @!p0 $0x1082;
	s9 =	sld [smem:$0x3FB1]  }
0x2f: {  	lr =	sadd.s32 s0, s3;
	s0 =	sld [smem:$0x3FA8]  }
0x30: {  	s3 =	sld [smem:$0x3FAB]  }
0x31: {  	[smem:$0x3FB4] =	sst s10  }
0x32: {  	s10 =	sld [smem:$0x3FB2];
	_ =	sdelay $0x3  }
0x33: {  	p0 =	seq.s32 s10, $0x1;
	s10 =	sld [smem:$0x3FB4];
	_ =	sdelay $0x3  }
0x34: {  	[smem:$0x3FB4] =	sst s10  }
0x35: {  	s10 =	sld [smem:$0x3FB3];
	_ =	sdelay $0x3  }
0x36: {  	p1 =	seq.s32 s10, $0x1;
	s10 =	sld [smem:$0x3FB4];
	_ =	sdelay $0x3  }
0x37: {  	[smem:$0x3FB4] =	sst s10  }
0x38: {  	s10 =	sld [smem:$0x3FB5]  }
0x39: {  	_ = 	snop;
	(pc) =	sbr.ind lr, $3  }
0x3a: {  	_ = 	snop  }
0x3b: {  	_ = 	snop  }
0x3c: {  	p2 =	seq.s32 s10, $0x1;
	s10 =	sld [smem:$0x3FB4]  }
0x3d: {  	_ =	shalt  }
0x3e: {  	_ =	shalt  }
0x3f: {  	_ =	shalt  }
0x40: {  	_ =	shalt  }
0x41: {  	_ =	shalt  }
0x42: {  	_ =	shalt  }
0x43: {  	_ =	shalt  }
0x44: {  	_ =	shalt  }
0x45: {  	_ =	shalt  }
0x46: {  	_ =	shalt  }
0x47: {  	_ =	shalt  }
0x48: {  	_ =	shalt  }
0x49: {  	_ =	shalt  }
0x4a: {  	_ =	shalt  }
0x4b: {  	_ =	shalt  }
0x4c: {  	_ =	shalt  }
0x4d: {  	_ =	shalt  }
0x4e: {  	_ =	shalt  }
0x4f: {  	_ =	shalt  }
0x50: {  	_ =	shalt  }
0x51: {  	_ =	shalt  }
0x52: {  	_ =	shalt  }
0x53: {  	_ =	shalt  }
0x54: {  	_ =	shalt  }
0x55: {  	_ =	shalt  }
0x56: {  	_ =	shalt  }
0x57: {  	_ =	shalt  }
0x58: {  	_ =	shalt  }
0x59: {  	_ =	shalt  }
0x5a: {  	_ =	shalt  }
0x5b: {  	_ =	shalt  }
0x5c: {  	_ =	shalt  }
0x5d: {  	_ =	shalt  }
0x5e: {  	_ =	shalt  }
0x5f: {  	_ =	shalt  }
0x60: {  	_ =	shalt  }
0x61: {  	_ =	shalt  }
0x62: {  	_ =	shalt  }
0x63: {  	_ =	shalt  }
0x64: {  	_ =	shalt  }
0x65: {  	_ =	shalt  }
0x66: {  	_ =	shalt  }
0x67: {  	_ =	shalt  }
0x68: {  	_ =	shalt  }
0x69: {  	_ =	shalt  }
0x6a: {  	_ =	shalt  }
0x6b: {  	_ =	shalt  }
0x6c: {  	_ =	shalt  }
0x6d: {  	_ =	shalt  }
0x6e: {  	_ =	shalt  }
0x6f: {  	_ =	shalt  }
0x70: {  	_ =	shalt  }
0x71: {  	_ =	shalt  }
0x72: {  	_ =	shalt  }
0x73: {  	_ =	shalt  }
0x74: {  	_ =	shalt  }
0x75: {  	_ =	shalt  }
0x76: {  	_ =	shalt  }
0x77: {  	_ =	shalt  }
0x78: {  	_ =	shalt  }
0x79: {  	_ =	shalt  }
0x7a: {  	_ =	shalt  }
0x7b: {  	_ =	shalt  }
0x7c: {  	_ =	shalt  }
0x7d: {  	_ =	shalt  }
0x7e: {  	_ =	shalt  }
0x7f: {  	_ =	shalt  }
0x80: {  	_ =	shalt  }
0x81: {  	_ =	shalt  }
0x82: {  	_ =	shalt  }
0x83: {  	_ =	shalt  }
0x84: {  	_ =	shalt  }
0x85: {  	_ =	shalt  }
0x86: {  	_ =	shalt  }
0x87: {  	_ =	shalt  }
.Lfunc_end0:
.L_simem_size_0:
called_computation.3_lowered:
.L_overlay_start_0:
0x88: {  	s2 =	sld [smem:$0x3FD9]  }
0x89: {  	s3 =	sld [smem:$0x3FFE];
	_ =	sdelay $0x1  }
0x8a: {  	s1 =	srdreg.scid  }
0x8b: {  	s0 =	sand.u32 $0x1, s1  }
0x8c: {  	s16 =	sshll.u32 s0, $0xA;
	s2 =	sadd.s32 s3, s2  }
0x8d: {  	s2 =	sadd.s32 s2, s16  }
0x8e: {  	[smem:$0x3FC0] =	sst s2  }
0x8f: {  	_ = 	snop  }
0x90: {  	(tm) =	ssettm $0x1  }
0x91: {  	s17 =	sld [smem:$0x3FFB];
	_ =	sdelay $0x3  }
0x92: {  	_ =	strace s17  }
0x93: {  	s2 =	sld [smem:$0x3FFC];
	_ =	sdelay $0x3  }
0x94: {  	_ =	strace s2  }
0x95: {  	s2 =	sld [smem:$0x3FFD];
	_ =	sdelay $0x3  }
0x96: {  	_ =	strace s2  }
0x97: {  	_ =	strace $0x8FFFFFFF  }
0x98: {  	s18 =	sld [smem:$0x3FDB];
	_ =	sdelay $0x1  }
0x99: {  	s19 =	simm.s32 $_scs_section_size  }
0x9a: {  	s4 =	simm.s32 $_size__tile_overlayer_lowered;
	s5 =	simm.s32 $_tile_overlayer_lowered  }
0x9b: {  	s22 =	simm.s32 $0x1BFF;
	s21 =	sshll.u32 s5, $0x1;
	s2 =	sadd.s32 s19, s18  }
0x9c: {  	s6 =	simm.s32 $0x0;
	s20 =	sshll.u32 s4, $0x1;
	s4 =	sadd.s32 s21, s2  }
0x9d: {  	[timem:s6], [sflag:s22] =	dma.local [hbm:s4], s20  }
0x9e: {  	_ =	swait.ge [sflag:s22], s20  }
0x9f: {  	s3 =	ssub.s32 $0x0, s20;
	[sflag:s22] =	ssyncset.done $0x0  }
0xa0: {  	[sflag:s22] =	ssyncadd.s32 s3;
	_ =	sdelay $0x1  }
0xa1: {  	s23 =	simm.s32 $0x1B8B  }
0xa2: {  	_ =	swait.ge [sflag:s23], $0x1  }
0xa3: {  	[sflag:s23] =	ssyncset.done $0x0  }
0xa4: {  	s25 =	simm.s32 $0x1B8E;
	s24 =	sld [smem:$0x3FFE];
	[sflag:s23] =	ssyncadd.s32 $0xFFFFFFFF  }
0xa5: {  	s26 =	simm.s32 $execute0_lowered;
	[smem:$0x3FD2] =	sst s25  }
0xa6: {  	s4 =	sshll.u32 s26, $0x1;
	_ =	strace $0x8000004F;
	[dreg:$0x1] =	wrdreg $0xFFFFFFFF  }
0xa7: {  	s28 =	simm.s32 $_size_execute0_lowered;
	s2 =	sadd.s32 s2, s4;
	[dreg:$0x0] =	wrdreg $0x0  }
0xa8: {  	s4 =	sshll.u32 s28, $0x1;
	[dreg:$0x2] =	wrdreg s2  }
0xa9: {  	[dreg:$0x3] =	wrdreg s4  }
0xaa: {  	[dreg:$0x4] =	wrdreg $0xC0  }
0xab: {  	_ =	task [dreg:s6], $0x5FFFF  }
0xac: {  	[dreg:$0x1] =	wrdreg $0xFFFFFFFF  }
0xad: {  	[dreg:$0x0] =	wrdreg $0x60  }
0xae: {  	[dreg:$0x2] =	wrdreg s24  }
0xaf: {  	[dreg:$0x3] =	wrdreg $0x9  }
0xb0: {  	_ =	task.clear_ibuf [dreg:s6], $0x4FFFF;
	_ =	strace $0x9000004F  }
0xb1: {  	s29 =	simm.s32 $0x9;
	_ =	strace $0x80000051  }
0xb2: {  	_ =	swait.ge [sflag:s29], $0x1  }
0xb3: {  	[sflag:s29] =	ssyncadd.s32 $0xFFFFFFFF  }
0xb4: {  	_ =	strace $0x90000051  }
0xb5: {  	_ =	sfence  }
0xb6: {  	s30 =	sld [smem:$0x0];
	_ =	sdelay $0x2  }
0xb7: {  	s31 =	sshll.u32 s1, $0xD;
	s1 =	sshrl.u32 s1, $0x2  }
0xb8: {  	s3 =	sand.u32 $0x4000, s31;
	s1 =	sadd.s32 s1, s30  }
0xb9: {  	s0 =	sor.u32 s3, s0;
	s1 =	sshll.u32 s1, $0x11  }
0xba: {  	s0 =	sor.u32 s1, s0  }
0xbb: {  	s0 =	sadd.s32 $0x8F2B, s0  }
0xbc: {  	[sflag:s0] =	ssyncadd.remote.s32 $0x1  }
0xbd: {  	_ =	sfence.sel $0xFFFF  }
0xbe: {  	[dreg:$0x0] =	wrdreg $0xFFFFFFFF;
	(pc) =	sbr.abs _section_cstart, $3  }
0xbf: {  	[dreg:$0x1] =	wrdreg $0xFFFFFFFF  }
0xc0: {  	_ =	task.clear_ibuf [dreg:s6], $0x2FFFF;
	_ =	strace $0x9FFFFFFF  }
0xc1: {  	(tm) =	ssettm $0x7FFFFFFF  }
tec
execute0_lowered:
.L_overlay_start_1:
0x0: {  	(tag) =	ssettag $0x1  }
0x1: {  	s0 =	srdreg.scid  }
0x2: {  	s2 =	stileid.u32;
	s1 =	rddreg [dreg:$0x0]  }
0x3: {  	s18 =	simm.s32 $0x3;
	s19 =	simm.s32 $0x2800;
	s20 =	simm.s32 $0x5000  }
0x4: {  	s21 =	simm.s32 $0x7800;
	s22 =	simm.s32 $0xA000;
	s28 =	simm.s32 $0x11800  }
0x5: {  	s29 =	simm.s32 $0x14000;
	s30 =	simm.s32 $0x16800;
	s31 =	simm.s32 $0x0  }
0x6: {  	s0 =	sand.u32 $0x1, s0;
	s3 =	sshll.u32 s2, $0x1;
	s2 =	simm.s32 $0x0  }
0x7: {  	s5 =	sadd.s32 $0x49A00, s1;
	s25 =	sadd.s32 $0x49F00, s1;
	s26 =	sadd.s32 $0x4A400, s1  }
0x8: {  	s8 =	sadd.s32 $0x4A900, s1;
	s3 =	sor.u32 s0, s3;
	[smem:$0x7FF] =	sst s2  }
0x9: {  	s4 =	smul.u32 $0xC800, s3;
	_ =	strace $0x80000050;
	[dreg:$0x2] =	wrdreg s5  }
0xa: {  	s0 =	ssub.s32 $0x2, s0;
	s3 =	smul.u32 $0x4E2, s3;
	[dreg:$0x5] =	wrdreg s25  }
0xb: {  	s9 =	sadd.s32 $0x4AE00, s1;
	s23 =	sshrl.u32 s0, $0x1;
	[dreg:$0x6] =	wrdreg s26  }
0xc: {  	s25 =	simm.s32 $0xC800;
	s26 =	simm.s32 $0xF000;
	s3 =	sadd.s32 s3, s1  }
0xd: {  	s0 =	ssub.s32 s0, s23;
	s23 =	simm.s32 $0x1;
	s24 =	sadd.s32 $0x2000, s3  }
0xe: {  	s4 =	sshrl.u32 s4, $0x3;
	s3 =	sadd.s32 $0xBE00, s3;
	[dreg:$0x3] =	wrdreg s24  }
0xf: {  	s15 =	smax.u32 s0, $0x1;
	s4 =	sadd.s32 s4, s1;
	[dreg:$0x4] =	wrdreg s3  }
0x10: {  	s10 =	sadd.s32 $0x15C00, s4;
	s11 =	sadd.s32 $0x16100, s4;
	s12 =	sadd.s32 $0x16600, s4  }
0x11: {  	v0 =	vimm.f32 $0.0e+00;
	s13 =	sadd.s32 $0x16B00, s4;
	s14 =	sadd.s32 $0x17000, s4;
	s24 =	simm.s32 $0x2  }
.LBB2_1:
0x12: {  	s0 =	rddreg [dreg:$0x3];
	s1 =	simm.s32 $0x19000  }
0x13: {  	[tilespmem:s1], [sflag:$0x1] =	stream.linear.gather [hbm4b:s0+s2], $0x2710, $0x38;
	[tilespmem:$0x1DE20] =	vst v63  }
0x14: {  	s5 =	rddreg [dreg:$0x4];
	s6 =	simm.s32 $0x1B710  }
0x15: {  	[tilespmem:s6], [sflag:$0x2] =	stream.linear.gather [hbm4b:s5+s2], $0x2710, $0x38;
	[tilespmem:$0x1DE20] =	vst v63  }
0x16: {  	s7 =	rddreg [dreg:$0x2]  }
0x17: {  	[tilespmem:s2], [sflag:$0x3] =	stream.linear.gather [hbm4b:s7+s2], $0x2800, $0x38;
	[tilespmem:$0x1DE20] =	vst v63  }
0x18: {  	_ =	swait.ge [sflag:s18], $0x2800  }
0x19: {  	[sflag:s18] =	ssyncset.done $0x0  }
0x1a: {  	s16 =	rddreg [dreg:$0x5];
	[sflag:s18] =	ssyncadd.s32 $0xFFFFD800  }
0x1b: {  	[tilespmem:s19], [sflag:$0x3] =	stream.linear.gather [hbm4b:s16+s2], $0x2800, $0x38;
	[tilespmem:$0x1DE20] =	vst v63  }
0x1c: {  	_ =	swait.ge [sflag:s18], $0x2800  }
0x1d: {  	[sflag:s18] =	ssyncset.done $0x0  }
0x1e: {  	s17 =	rddreg [dreg:$0x6];
	[sflag:s18] =	ssyncadd.s32 $0xFFFFD800  }
0x1f: {  	[tilespmem:s20], [sflag:$0x3] =	stream.linear.gather [hbm4b:s17+s2], $0x2800, $0x38;
	[tilespmem:$0x1DE20] =	vst v63  }
0x20: {  	_ =	swait.ge [sflag:s18], $0x2800  }
0x21: {  	[sflag:s18] =	ssyncset.done $0x0  }
0x22: {  	[sflag:s18] =	ssyncadd.s32 $0xFFFFD800  }
0x23: {  	[tilespmem:s21], [sflag:$0x3] =	stream.linear.gather [hbm4b:s8+s2], $0x2800, $0x38;
	[tilespmem:$0x1DE20] =	vst v63  }
0x24: {  	_ =	swait.ge [sflag:s18], $0x2800  }
0x25: {  	[sflag:s18] =	ssyncset.done $0x0  }
0x26: {  	[sflag:s18] =	ssyncadd.s32 $0xFFFFD800  }
0x27: {  	[tilespmem:s22], [sflag:$0x3] =	stream.linear.gather [hbm4b:s9+s2], $0x2800, $0x38;
	[tilespmem:$0x1DE20] =	vst v63  }
0x28: {  	_ =	swait.ge [sflag:s18], $0x2800  }
0x29: {  	[sflag:s18] =	ssyncset.done $0x0  }
0x2a: {  	s0 =	simm.s32 $0xC820;
	[sflag:s18] =	ssyncadd.s32 $0xFFFFD800  }
0x2b: {  	[tilespmem:s0+$0x0] =	vst v0  }
0x2c: {  	[tilespmem:s0+$0xFFFFFFE0] =	vst v0  }
0x2d: {  	[tilespmem:s0+$0xFFFFFFF0] =	vst v0  }
0x2e: {  	s1 =	simm.s32 $0xF020;
	[tilespmem:s0+$0x10] =	vst v0  }
0x2f: {  	[tilespmem:s1+$0x10] =	vst v0  }
0x30: {  	[tilespmem:s1+$0xFFFFFFF0] =	vst v0  }
0x31: {  	s16 =	simm.s32 $0x11820;
	[tilespmem:s1+$0xFFFFFFE0] =	vst v0  }
0x32: {  	[tilespmem:s16+$0x10] =	vst v0  }
0x33: {  	[tilespmem:s16+$0xFFFFFFF0] =	vst v0  }
0x34: {  	s17 =	simm.s32 $0x14020;
	[tilespmem:s16+$0xFFFFFFE0] =	vst v0  }
0x35: {  	[tilespmem:s17+$0x10] =	vst v0  }
0x36: {  	[tilespmem:s17+$0xFFFFFFE0] =	vst v0  }
0x37: {  	s3 =	simm.s32 $0x16820;
	[tilespmem:s17+$0xFFFFFFF0] =	vst v0  }
0x38: {  	s4 =	simm.s32 $0x0;
	[tilespmem:s3+$0x10] =	vst v0  }
0x39: {  	s5 =	simm.s32 $0x11860;
	s6 =	simm.s32 $0x14060;
	s7 =	simm.s32 $0x16860;
	[tilespmem:s3+$0xFFFFFFF0] =	vst v0  }
.LBB2_2:
0x3a: {  	s4 =	sadd.s32 $0x40, s4;
	[tilespmem:s1+$0x0] =	vst v0;
	s0 =	sadd.s32 $0x40, s0;
	s1 =	sadd.s32 $0x40, s1  }
0x3b: {  	p0 =	slt.u32 s4, $0x27C0;
	[tilespmem:s16+$0x0] =	vst v0;
	s16 =	smov.u32 s5  }
0x3c: {  	[tilespmem:s17+$0x0] =	vst v0;
	s17 =	smov.u32 s6  }
0x3d: {  	[tilespmem:s3+$0xFFFFFFE0] =	vst v0  }
0x3e: {  	[tilespmem:s3+$0x0] =	vst v0;
	s3 =	smov.u32 s7  }
0x3f: {  	[tilespmem:s0+$0x0] =	vst v0  }
0x40: {  	[tilespmem:s0+$0xFFFFFFE0] =	vst v0  }
0x41: {  	[tilespmem:s0+$0xFFFFFFF0] =	vst v0  }
0x42: {  	[tilespmem:s0+$0x10] =	vst v0  }
0x43: {  	[tilespmem:s1+$0x10] =	vst v0  }
0x44: {  	[tilespmem:s5+$0x10] =	vst v0  }
0x45: {  	[tilespmem:s6+$0x10] =	vst v0  }
0x46: {  	[tilespmem:s7+$0x10] =	vst v0  }
0x47: {  	[tilespmem:s1+$0xFFFFFFF0] =	vst v0  }
0x48: {  	[tilespmem:s5+$0xFFFFFFF0] =	vst v0  }
.Ltmp0:
0x49: {  	[tilespmem:s1+$0xFFFFFFE0] =	vst v0;
	(pc) =	sbr.rel @p0 .LBB2_2-.Ltmp0, $4  }
0x4a: {  	[tilespmem:s5+$0xFFFFFFE0] =	vst v0  }
0x4b: {  	[tilespmem:s6+$0xFFFFFFE0] =	vst v0  }
0x4c: {  	[tilespmem:s6+$0xFFFFFFF0] =	vst v0  }
0x4d: {  	s7 =	sadd.s32 $0x40, s7;
	s5 =	sadd.s32 $0x40, s5;
	s6 =	sadd.s32 $0x40, s6;
	[tilespmem:s3+$0xFFFFFFF0] =	vst v0  }
0x4e: {  	[tilespmem:s1+$0x0] =	vst v0  }
0x4f: {  	[tilespmem:s3+$0xFFFFFFE0] =	vst v0  }
0x50: {  	[tilespmem:s16+$0x0] =	vst v0  }
0x51: {  	[tilespmem:s17+$0x0] =	vst v0  }
0x52: {  	[tilespmem:s3+$0x0] =	vst v0  }
0x53: {  	_ =	swait.ge [sflag:s23], $0x2710  }
0x54: {  	[sflag:s23] =	ssyncset.done $0x0  }
0x55: {  	[sflag:s23] =	ssyncadd.s32 $0xFFFFD8F0  }
0x56: {  	_ =	swait.ge [sflag:s24], $0x2710  }
0x57: {  	[sflag:s24] =	ssyncset.done $0x0  }
0x58: {  	s0 =	simm.s32 $0x19020;
	[sflag:s24] =	ssyncadd.s32 $0xFFFFD8F0  }
0x59: {  	v6 =	vld [tilespmem:s0+$0x10]  }
0x5a: {  	v7 =	vld [tilespmem:s0+$0xFFFFFFE0]  }
0x5b: {  	v2 =	vld [tilespmem:s0+$0xFFFFFFF0];
	_ =	sdelay $0x1  }
0x5c: {  	s1 =	simm.s32 $0x1B730;
	v5 =	vld [tilespmem:s0+$0x0]  }
0x5d: {  	v8 =	vld [tilespmem:s1+$0x10]  }
0x5e: {  	v1 =	vld [tilespmem:s1+$0xFFFFFFE0]  }
0x5f: {  	v3 =	vld [tilespmem:s1+$0xFFFFFFF0]  }
0x60: {  	v9 =	vld.idx.msk [tilespmem:v6+s2+$0x0], $0xffff  }
0x61: {  	v11 =	vld.idx.msk [tilespmem:v7+s2+$0x0], $0xffff  }
0x62: {  	v10 =	vld.idx.msk [tilespmem:v2+s2+$0x0], $0xffff  }
0x63: {  	v4 =	vld [tilespmem:s1+$0x0]  }
0x64: {  	v12 =	vld.idx.msk [tilespmem:v5+s2+$0x0], $0xffff  }
0x65: {  	[tilespmem:v8+s25+$0x0] =	vst.idx.add.f32.msk $0xffff, v9  }
0x66: {  	[tilespmem:v1+s25+$0x0] =	vst.idx.add.f32.msk $0xffff, v11  }
0x67: {  	[tilespmem:v3+s25+$0x0] =	vst.idx.add.f32.msk $0xffff, v10  }
0x68: {  	v9 =	vld.idx.msk [tilespmem:v6+s19+$0x0], $0xffff  }
0x69: {  	v11 =	vld.idx.msk [tilespmem:v7+s19+$0x0], $0xffff  }
0x6a: {  	v10 =	vld.idx.msk [tilespmem:v2+s19+$0x0], $0xffff  }
0x6b: {  	[tilespmem:v4+s25+$0x0] =	vst.idx.add.f32.msk $0xffff, v12  }
0x6c: {  	v12 =	vld.idx.msk [tilespmem:v5+s19+$0x0], $0xffff  }
0x6d: {  	[tilespmem:v8+s26+$0x0] =	vst.idx.add.f32.msk $0xffff, v9  }
0x6e: {  	[tilespmem:v1+s26+$0x0] =	vst.idx.add.f32.msk $0xffff, v11  }
0x6f: {  	[tilespmem:v3+s26+$0x0] =	vst.idx.add.f32.msk $0xffff, v10  }
0x70: {  	v9 =	vld.idx.msk [tilespmem:v6+s20+$0x0], $0xffff  }
0x71: {  	v11 =	vld.idx.msk [tilespmem:v7+s20+$0x0], $0xffff  }
0x72: {  	v10 =	vld.idx.msk [tilespmem:v2+s20+$0x0], $0xffff  }
0x73: {  	[tilespmem:v4+s26+$0x0] =	vst.idx.add.f32.msk $0xffff, v12  }
0x74: {  	v12 =	vld.idx.msk [tilespmem:v5+s20+$0x0], $0xffff  }
0x75: {  	[tilespmem:v8+s28+$0x0] =	vst.idx.add.f32.msk $0xffff, v9  }
0x76: {  	[tilespmem:v1+s28+$0x0] =	vst.idx.add.f32.msk $0xffff, v11  }
0x77: {  	[tilespmem:v3+s28+$0x0] =	vst.idx.add.f32.msk $0xffff, v10  }
0x78: {  	v9 =	vld.idx.msk [tilespmem:v6+s21+$0x0], $0xffff  }
0x79: {  	[tilespmem:v4+s28+$0x0] =	vst.idx.add.f32.msk $0xffff, v12  }
0x7a: {  	v62 =	vld.idx.msk [tilespmem:v7+s21+$0x0], $0xffff  }
0x7b: {  	v10 =	vld.idx.msk [tilespmem:v2+s21+$0x0], $0xffff  }
0x7c: {  	v63 =	vld.idx.msk [tilespmem:v5+s21+$0x0], $0xffff  }
0x7d: {  	[tilespmem:v8+s29+$0x0] =	vst.idx.add.f32.msk $0xffff, v9  }
0x7e: {  	v6 =	vld.idx.msk [tilespmem:v6+s22+$0x0], $0xffff;
	_ =	sdelay $0x1  }
0x7f: {  	[tilespmem:v1+s29+$0x0] =	vst.idx.add.f32.msk $0xffff, v62  }
0x80: {  	[tilespmem:v3+s29+$0x0] =	vst.idx.add.f32.msk $0xffff, v10  }
0x81: {  	[tilespmem:v4+s29+$0x0] =	vst.idx.add.f32.msk $0xffff, v63  }
0x82: {  	[tilespmem:v8+s30+$0x0] =	vst.idx.add.f32.msk $0xffff, v6  }
0x83: {  	s16 =	simm.s32 $0x19060;
	s0 =	simm.s32 $0x0;
	v6 =	vld.idx.msk [tilespmem:v7+s22+$0x0], $0xffff  }
.LBB2_4:
0x84: {  	v7 =	vld [tilespmem:s16+$0x10];
	s0 =	sadd.s32 $0x40, s0  }
0x85: {  	v8 =	vld [tilespmem:s16+$0xFFFFFFF0];
	p0 =	slt.u32 s0, $0x26C0  }
0x86: {  	v9 =	vld [tilespmem:s16+$0x0]  }
0x87: {  	v10 =	vld [tilespmem:s16+$0xFFFFFFE0]  }
0x88: {  	v11 =	vld.idx.msk [tilespmem:v2+s22+$0x0], $0xffff  }
0x89: {  	s1 =	sadd.s32 $0x40, s1;
	v12 =	vld.idx.msk [tilespmem:v5+s22+$0x0], $0xffff  }
0x8a: {  	v13 =	vld [tilespmem:s1+$0x10];
	v2 =	vmov v8  }
0x8b: {  	v14 =	vld [tilespmem:s1+$0xFFFFFFE0];
	v5 =	vmov v9  }
0x8c: {  	v15 =	vld.idx.msk [tilespmem:v7+s2+$0x0], $0xffff  }
0x8d: {  	v8 =	vld.idx.msk [tilespmem:v8+s2+$0x0], $0xffff  }
0x8e: {  	v9 =	vld.idx.msk [tilespmem:v9+s2+$0x0], $0xffff  }
0x8f: {  	v16 =	vld.idx.msk [tilespmem:v10+s2+$0x0], $0xffff  }
0x90: {  	v17 =	vld [tilespmem:s1+$0xFFFFFFF0]  }
0x91: {  	v18 =	vld [tilespmem:s1+$0x0]  }
0x92: {  	[tilespmem:v13+s25+$0x0] =	vst.idx.add.f32.msk $0xffff, v15  }
0x93: {  	v15 =	vld.idx.msk [tilespmem:v7+s19+$0x0], $0xffff  }
0x94: {  	[tilespmem:v1+s30+$0x0] =	vst.idx.add.f32.msk $0xffff, v6;
	v1 =	vmov v14  }
0x95: {  	[tilespmem:v14+s25+$0x0] =	vst.idx.add.f32.msk $0xffff, v16  }
0x96: {  	v6 =	vld.idx.msk [tilespmem:v10+s19+$0x0], $0xffff  }
0x97: {  	[tilespmem:v3+s30+$0x0] =	vst.idx.add.f32.msk $0xffff, v11;
	v3 =	vmov v17  }
0x98: {  	[tilespmem:v17+s25+$0x0] =	vst.idx.add.f32.msk $0xffff, v8  }
0x99: {  	[tilespmem:v13+s26+$0x0] =	vst.idx.add.f32.msk $0xffff, v15  }
0x9a: {  	v8 =	vld.idx.msk [tilespmem:v7+s20+$0x0], $0xffff  }
0x9b: {  	[tilespmem:v18+s25+$0x0] =	vst.idx.add.f32.msk $0xffff, v9  }
0x9c: {  	v9 =	vld.idx.msk [tilespmem:v2+s19+$0x0], $0xffff  }
0x9d: {  	v11 =	vld.idx.msk [tilespmem:v5+s19+$0x0], $0xffff  }
0x9e: {  	[tilespmem:v14+s26+$0x0] =	vst.idx.add.f32.msk $0xffff, v6  }
0x9f: {  	v6 =	vld.idx.msk [tilespmem:v10+s20+$0x0], $0xffff  }
0xa0: {  	[tilespmem:v13+s28+$0x0] =	vst.idx.add.f32.msk $0xffff, v8  }
0xa1: {  	v8 =	vld.idx.msk [tilespmem:v7+s21+$0x0], $0xffff  }
0xa2: {  	[tilespmem:v17+s26+$0x0] =	vst.idx.add.f32.msk $0xffff, v9  }
0xa3: {  	[tilespmem:v18+s26+$0x0] =	vst.idx.add.f32.msk $0xffff, v11  }
0xa4: {  	v9 =	vld.idx.msk [tilespmem:v2+s20+$0x0], $0xffff  }
0xa5: {  	v11 =	vld.idx.msk [tilespmem:v5+s20+$0x0], $0xffff  }
0xa6: {  	[tilespmem:v14+s28+$0x0] =	vst.idx.add.f32.msk $0xffff, v6  }
0xa7: {  	[tilespmem:v13+s29+$0x0] =	vst.idx.add.f32.msk $0xffff, v8  }
0xa8: {  	v6 =	vld.idx.msk [tilespmem:v7+s22+$0x0], $0xffff  }
0xa9: {  	v7 =	vld.idx.msk [tilespmem:v10+s21+$0x0], $0xffff  }
0xaa: {  	[tilespmem:v17+s28+$0x0] =	vst.idx.add.f32.msk $0xffff, v9  }
0xab: {  	[tilespmem:v18+s28+$0x0] =	vst.idx.add.f32.msk $0xffff, v11  }
0xac: {  	v8 =	vld.idx.msk [tilespmem:v2+s21+$0x0], $0xffff  }
0xad: {  	v9 =	vld.idx.msk [tilespmem:v5+s21+$0x0], $0xffff  }
0xae: {  	[tilespmem:v13+s30+$0x0] =	vst.idx.add.f32.msk $0xffff, v6  }
.Ltmp1:
0xaf: {  	[tilespmem:v1+s29+$0x0] =	vst.idx.add.f32.msk $0xffff, v7;
	(pc) =	sbr.rel @p0 .LBB2_4-.Ltmp1, $4  }
0xb0: {  	v6 =	vld.idx.msk [tilespmem:v10+s22+$0x0], $0xffff  }
0xb1: {  	[tilespmem:v4+s30+$0x0] =	vst.idx.add.f32.msk $0xffff, v12;
	v4 =	vmov v18  }
0xb2: {  	[tilespmem:v3+s29+$0x0] =	vst.idx.add.f32.msk $0xffff, v8  }
0xb3: {  	s16 =	sadd.s32 $0x40, s16;
	[tilespmem:v18+s29+$0x0] =	vst.idx.add.f32.msk $0xffff, v9  }
0xb4: {  	_ =	sdelay $0x3  }
0xb5: {  	v2 =	vld.idx.msk [tilespmem:v2+s22+$0x0], $0xffff  }
0xb6: {  	v5 =	vld.idx.msk [tilespmem:v5+s22+$0x0], $0xffff;
	_ =	sdelay $0x2  }
0xb7: {  	[tilespmem:v1+s30+$0x0] =	vst.idx.add.f32.msk $0xffff, v6  }
0xb8: {  	[tilespmem:v3+s30+$0x0] =	vst.idx.add.f32.msk $0xffff, v2  }
0xb9: {  	[tilespmem:v4+s30+$0x0] =	vst.idx.add.f32.msk $0xffff, v5  }
0xba: {  	v1 =	vld [tilespmem:$0x1B700];
	_ =	sdelay $0x4  }
0xbb: {  	v2 =	vld [tilespmem:$0x1DE10];
	_ =	sdelay $0x2  }
0xbc: {  	v3 =	vld.idx.msk [tilespmem:v1+s2+$0x0], $0xffff;
	_ =	sdelay $0x4  }
0xbd: {  	[tilespmem:v2+s25+$0x0] =	vst.idx.add.f32.msk $0xffff, v3  }
0xbe: {  	v3 =	vld.idx.msk [tilespmem:v1+s19+$0x0], $0xffff;
	_ =	sdelay $0x4  }
0xbf: {  	[tilespmem:v2+s26+$0x0] =	vst.idx.add.f32.msk $0xffff, v3  }
0xc0: {  	v3 =	vld.idx.msk [tilespmem:v1+s20+$0x0], $0xffff;
	_ =	sdelay $0x4  }
0xc1: {  	[tilespmem:v2+s28+$0x0] =	vst.idx.add.f32.msk $0xffff, v3  }
0xc2: {  	v3 =	vld.idx.msk [tilespmem:v1+s21+$0x0], $0xffff;
	_ =	sdelay $0x4  }
0xc3: {  	[tilespmem:v2+s29+$0x0] =	vst.idx.add.f32.msk $0xffff, v3  }
0xc4: {  	v1 =	vld.idx.msk [tilespmem:v1+s22+$0x0], $0xffff;
	_ =	sdelay $0x4  }
0xc5: {  	[tilespmem:v2+s30+$0x0] =	vst.idx.add.f32.msk $0xffff, v1  }
0xc6: {  	[hbm4b:s10+s2] =	stream.linear.scatter [tilespmem:s25], [sflag:$0x3], $0x2800, $0x38;
	[tilespmem:$0x1DE20] =	vst v63  }
0xc7: {  	_ =	swait.ge [sflag:s18], $0x2800  }
0xc8: {  	[sflag:s18] =	ssyncset.done $0x0  }
0xc9: {  	[sflag:s18] =	ssyncadd.s32 $0xFFFFD800  }
0xca: {  	[hbm4b:s11+s2] =	stream.linear.scatter [tilespmem:s26], [sflag:$0x3], $0x2800, $0x38;
	[tilespmem:$0x1DE20] =	vst v63  }
0xcb: {  	_ =	swait.ge [sflag:s18], $0x2800  }
0xcc: {  	[sflag:s18] =	ssyncset.done $0x0  }
0xcd: {  	[sflag:s18] =	ssyncadd.s32 $0xFFFFD800  }
0xce: {  	[hbm4b:s12+s2] =	stream.linear.scatter [tilespmem:s28], [sflag:$0x3], $0x2800, $0x38;
	[tilespmem:$0x1DE20] =	vst v63  }
0xcf: {  	_ =	swait.ge [sflag:s18], $0x2800  }
0xd0: {  	[sflag:s18] =	ssyncset.done $0x0  }
0xd1: {  	[sflag:s18] =	ssyncadd.s32 $0xFFFFD800  }
0xd2: {  	[hbm4b:s13+s2] =	stream.linear.scatter [tilespmem:s29], [sflag:$0x3], $0x2800, $0x38;
	[tilespmem:$0x1DE20] =	vst v63  }
0xd3: {  	s31 =	sadd.s32 $0x1, s31;
	_ =	swait.ge [sflag:s18], $0x2800  }
0xd4: {  	p0 =	sne.s32 s31, s15;
	[sflag:s18] =	ssyncset.done $0x0  }
.Ltmp2:
0xd5: {  	[sflag:s18] =	ssyncadd.s32 $0xFFFFD800;
	(pc) =	sbr.rel @p0 .LBB2_1-.Ltmp2, $4  }
0xd6: {  	[hbm4b:s14+s2] =	stream.linear.scatter [tilespmem:s30], [sflag:$0x3], $0x2800, $0x38;
	[tilespmem:$0x1DE20] =	vst v63  }
0xd7: {  	_ =	swait.ge [sflag:s18], $0x2800  }
0xd8: {  	[sflag:s18] =	ssyncset.done $0x0  }
0xd9: {  	[sflag:s18] =	ssyncadd.s32 $0xFFFFD800  }
0xda: {  	_ =	sfence.sel $0x180000  }
0xdb: {  	[bflag:$0x0] =	sbarrier.arrive $0xFFFF  }
0xdc: {  	_ =	strace $0x90000050  }
0xdd: {  	s0 =	stileid.u32;
	[bflag:$0x2] =	sbarrier.arrive $0xFFFF  }
0xde: {  	p0 =	sne.s32 s0, $0x0;
	s0 =	rddreg [dreg:$0x1]  }
0xdf: {  	s0 =	sadd.s32 @!p0 $0x100000, s0  }
0xe0: {  	[sflag:s0] =	ssyncadd.tile.s32 @!p0 $0x1;
	_ =	shalt  }
.Lfunc_end2:
_tile_overlayer_lowered:
.L_overlay_start_2:
0xe1: {  	(tag) =	ssettag $0x2  }
0xe2: {  	s0 =	rddreg [dreg:$0x0];
	s2 =	stileid.u32  }
0xe3: {  	s1 =	rddreg [dreg:$0x1];
	p0 =	sne.s32 s2, $0x0  }
0xe4: {  	s3 =	rddreg [dreg:$0x2];
	[bflag:$0x3] =	sbarrier.arrive $0xFFFF;
	s2 =	simm.s32 @!p0 $0x1C03  }
0xe5: {  	[timem:s3], [sflag:s2] =	dma.local @!p0 [hbm:s0], s1  }
0xe6: {  	s0 =	simm.s32 @!p0 $0x3  }
0xe7: {  	_ =	swait.ge @!p0 [sflag:s0], s1  }
0xe8: {  	s1 =	ssub.s32 @!p0 $0x0, s1;
	[sflag:s0] =	ssyncset.done @!p0 $0x0  }
0xe9: {  	[sflag:s0] =	ssyncadd.s32 @!p0 s1  }
0xea: {  	[bflag:$0x3] =	sbarrier.arrive $0xFFFF  }
0xeb: {  	_ =	shalt  }

// kernel: kernel.20.cloned.1.call-start
scs
__scs_entry_jumppad:
0x0: {  	(pc) =	sbr.rel $0x88, $3  }
0x1: {  	(tag) =	ssettag $0x0;
	lr =	simm.s32 $0x1  }
0x2: {  	[smem:$0x3F99] =	sst lr;
	_ =	strace $0xD0000000  }
0x3: {  	_ = 	snop  }
0x4: {  	_ = 	snop  }
0x5: {  	_ = 	snop  }
0x6: {  	_ = 	snop  }
0x7: {  	_ = 	snop  }
__scs_overlays_trampoline_lowered:
0x8: {  	[smem:$0x3FA8] =	sst s0  }
0x9: {  	[smem:$0x3FA9] =	sst s1  }
0xa: {  	[smem:$0x3FAA] =	sst s2  }
0xb: {  	[smem:$0x3FAB] =	sst s3  }
0xc: {  	[smem:$0x3FAC] =	sst s4  }
0xd: {  	[smem:$0x3FAD] =	sst s5  }
0xe: {  	[smem:$0x3FAE] =	sst s6  }
0xf: {  	[smem:$0x3FAF] =	sst s7  }
0x10: {  	[smem:$0x3FB0] =	sst s8  }
0x11: {  	[smem:$0x3FB1] =	sst s9;
	s0 =	simm.s32 @!p0 $0x0  }
0x12: {  	s1 =	sld [smem:$0x3F97];
	s0 =	simm.s32 @p0 $0x1  }
0x13: {  	[smem:$0x3FB2] =	sst s0;
	s0 =	simm.s32 @!p1 $0x0  }
0x14: {  	s2 =	sld [smem:$0x3F96];
	s0 =	simm.s32 @p1 $0x1  }
0x15: {  	[smem:$0x3FB3] =	sst s0;
	s0 =	simm.s32 @!p2 $0x0  }
0x16: {  	s3 =	sld [smem:$0x3FDB];
	s0 =	simm.s32 @p2 $0x1  }
0x17: {  	s4 =	simm.s32 $0x1BF5;
	[smem:$0x3FB5] =	sst s0  }
0x18: {  	s0 =	sld [smem:$0x3F98];
	_ =	swait.ge [sflag:s4], $0x0  }
0x19: {  	s7 =	sld [smem:$0x3F99]  }
0x1a: {  	s8 =	sadd.s32 $0xFFFFE003, lr  }
0x1b: {  	s9 =	sadd.s32 $0xFFFFFEF7, lr;
	s5 =	simm.s32 $0xFFFFFFFF;
	p2 =	slt.u32 s8, $0xFFFFF086  }
0x1c: {  	p1 =	slt.u32 s9, $0xF7A;
	s5 =	simm.s32 @!p2 $0x0  }
0x1d: {  	s5 =	simm.s32 @p1 $0x1;
	p0 =	seq.s32 s7, s2  }
0x1e: {  	s7 =	smul.u32 @!p0 $0xF7A, s2;
	p2 =	seq.s32 @!p0 s5, $0x0  }
0x1f: {  	s9 =	smul.u32 $0xF7A, s1;
	s8 =	simm.s32 @!p0 $0x1BF5;
	p2 =	por !p2, p0  }
0x20: {  	[sflag:s8] =	ssyncset.s32 @!p0 $0xFFFFF086;
	s6 =	sadd.s32 @!p0 s3, s7;
	s7 =	simm.s32 @!p0 $0x108  }
0x21: {  	s3 =	sadd.s32 s3, s9;
	s6 =	sadd.s32 @!p0 $0x88, s6;
	s7 =	simm.s32 @p2 $0x1082  }
0x22: {  	[simem:s7], [sflag:s8] =	dma.local @!p0 [hbm:s6], $0xF7A  }
0x23: {  	s9 =	sor.u32 $0xD0000000, s2;
	s6 =	simm.s32 $0x108;
	_ =	swait.ge @!p0 [sflag:s8], $0x0  }
0x24: {  	s3 =	sadd.s32 $0x88, s3;
	s6 =	simm.s32 @!p1 $0x1082;
	[sflag:s4] =	ssyncset.s32 $0xFFFFF086  }
0x25: {  	[simem:s6], [sflag:s4] =	dma.local [hbm:s3], $0xF7A  }
0x26: {  	[smem:$0x3F99] =	sst s1;
	(tag) =	ssettag s2;
	_ =	strace s9  }
0x27: {  	s1 =	sld [smem:$0x3FA9]  }
0x28: {  	s2 =	sld [smem:$0x3FAA]  }
0x29: {  	s4 =	sld [smem:$0x3FAC]  }
0x2a: {  	p0 =	seq.s32 s5, $0x0;
	s5 =	sld [smem:$0x3FAD]  }
0x2b: {  	s6 =	sld [smem:$0x3FAE]  }
0x2c: {  	s7 =	sld [smem:$0x3FAF]  }
0x2d: {  	s3 =	simm.s32 $0x108;
	s8 =	sld [smem:$0x3FB0]  }
0x2e: {  	s3 =	simm.s32 @!p0 $0x1082;
	s9 =	sld [smem:$0x3FB1]  }
0x2f: {  	lr =	sadd.s32 s0, s3;
	s0 =	sld [smem:$0x3FA8]  }
0x30: {  	s3 =	sld [smem:$0x3FAB]  }
0x31: {  	[smem:$0x3FB4] =	sst s10  }
0x32: {  	s10 =	sld [smem:$0x3FB2];
	_ =	sdelay $0x3  }
0x33: {  	p0 =	seq.s32 s10, $0x1;
	s10 =	sld [smem:$0x3FB4];
	_ =	sdelay $0x3  }
0x34: {  	[smem:$0x3FB4] =	sst s10  }
0x35: {  	s10 =	sld [smem:$0x3FB3];
	_ =	sdelay $0x3  }
0x36: {  	p1 =	seq.s32 s10, $0x1;
	s10 =	sld [smem:$0x3FB4];
	_ =	sdelay $0x3  }
0x37: {  	[smem:$0x3FB4] =	sst s10  }
0x38: {  	s10 =	sld [smem:$0x3FB5]  }
0x39: {  	_ = 	snop;
	(pc) =	sbr.ind lr, $3  }
0x3a: {  	_ = 	snop  }
0x3b: {  	_ = 	snop  }
0x3c: {  	p2 =	seq.s32 s10, $0x1;
	s10 =	sld [smem:$0x3FB4]  }
0x3d: {  	_ =	shalt  }
0x3e: {  	_ =	shalt  }
0x3f: {  	_ =	shalt  }
0x40: {  	_ =	shalt  }
0x41: {  	_ =	shalt  }
0x42: {  	_ =	shalt  }
0x43: {  	_ =	shalt  }
0x44: {  	_ =	shalt  }
0x45: {  	_ =	shalt  }
0x46: {  	_ =	shalt  }
0x47: {  	_ =	shalt  }
0x48: {  	_ =	shalt  }
0x49: {  	_ =	shalt  }
0x4a: {  	_ =	shalt  }
0x4b: {  	_ =	shalt  }
0x4c: {  	_ =	shalt  }
0x4d: {  	_ =	shalt  }
0x4e: {  	_ =	shalt  }
0x4f: {  	_ =	shalt  }
0x50: {  	_ =	shalt  }
0x51: {  	_ =	shalt  }
0x52: {  	_ =	shalt  }
0x53: {  	_ =	shalt  }
0x54: {  	_ =	shalt  }
0x55: {  	_ =	shalt  }
0x56: {  	_ =	shalt  }
0x57: {  	_ =	shalt  }
0x58: {  	_ =	shalt  }
0x59: {  	_ =	shalt  }
0x5a: {  	_ =	shalt  }
0x5b: {  	_ =	shalt  }
0x5c: {  	_ =	shalt  }
0x5d: {  	_ =	shalt  }
0x5e: {  	_ =	shalt  }
0x5f: {  	_ =	shalt  }
0x60: {  	_ =	shalt  }
0x61: {  	_ =	shalt  }
0x62: {  	_ =	shalt  }
0x63: {  	_ =	shalt  }
0x64: {  	_ =	shalt  }
0x65: {  	_ =	shalt  }
0x66: {  	_ =	shalt  }
0x67: {  	_ =	shalt  }
0x68: {  	_ =	shalt  }
0x69: {  	_ =	shalt  }
0x6a: {  	_ =	shalt  }
0x6b: {  	_ =	shalt  }
0x6c: {  	_ =	shalt  }
0x6d: {  	_ =	shalt  }
0x6e: {  	_ =	shalt  }
0x6f: {  	_ =	shalt  }
0x70: {  	_ =	shalt  }
0x71: {  	_ =	shalt  }
0x72: {  	_ =	shalt  }
0x73: {  	_ =	shalt  }
0x74: {  	_ =	shalt  }
0x75: {  	_ =	shalt  }
0x76: {  	_ =	shalt  }
0x77: {  	_ =	shalt  }
0x78: {  	_ =	shalt  }
0x79: {  	_ =	shalt  }
0x7a: {  	_ =	shalt  }
0x7b: {  	_ =	shalt  }
0x7c: {  	_ =	shalt  }
0x7d: {  	_ =	shalt  }
0x7e: {  	_ =	shalt  }
0x7f: {  	_ =	shalt  }
0x80: {  	_ =	shalt  }
0x81: {  	_ =	shalt  }
0x82: {  	_ =	shalt  }
0x83: {  	_ =	shalt  }
0x84: {  	_ =	shalt  }
0x85: {  	_ =	shalt  }
0x86: {  	_ =	shalt  }
0x87: {  	_ =	shalt  }
.Lfunc_end0:
.L_simem_size_0:
called_computation.4_lowered:
.L_overlay_start_0:
0x88: {  	s2 =	sld [smem:$0x3FD9]  }
0x89: {  	s3 =	sld [smem:$0x3FFE];
	_ =	sdelay $0x1  }
0x8a: {  	s1 =	srdreg.scid  }
0x8b: {  	s0 =	sand.u32 $0x1, s1  }
0x8c: {  	s17 =	sshll.u32 s0, $0xA;
	s2 =	sadd.s32 s3, s2  }
0x8d: {  	s2 =	sadd.s32 s2, s17  }
0x8e: {  	[smem:$0x3FC0] =	sst s2  }
0x8f: {  	_ = 	snop  }
0x90: {  	s2 =	sld [smem:$0x3FD0];
	(tm) =	ssettm $0x1  }
0x91: {  	s18 =	sld [smem:$0x3FFB];
	_ =	sdelay $0x3  }
0x92: {  	_ =	strace s18  }
0x93: {  	s3 =	sld [smem:$0x3FFC];
	_ =	sdelay $0x3  }
0x94: {  	_ =	strace s3  }
0x95: {  	s3 =	sld [smem:$0x3FFD];
	_ =	sdelay $0x3  }
0x96: {  	_ =	strace s3  }
0x97: {  	_ =	strace $0x8FFFFFFF  }
0x98: {  	s19 =	sld [smem:$0x3FDB];
	_ =	sdelay $0x1  }
0x99: {  	s4 =	simm.s32 $_scs_section_size  }
0x9a: {  	s5 =	simm.s32 $_size__tile_overlayer_lowered;
	s6 =	simm.s32 $_tile_overlayer_lowered  }
0x9b: {  	s22 =	simm.s32 $0x1BFF;
	s21 =	sshll.u32 s6, $0x1;
	s3 =	sadd.s32 s4, s19  }
0x9c: {  	s7 =	simm.s32 $0x0;
	s20 =	sshll.u32 s5, $0x1;
	s5 =	sadd.s32 s21, s3  }
0x9d: {  	[timem:s7], [sflag:s22] =	dma.local [hbm:s5], s20  }
0x9e: {  	_ =	swait.ge [sflag:s22], s20  }
0x9f: {  	s4 =	ssub.s32 $0x0, s20;
	[sflag:s22] =	ssyncset.done $0x0  }
0xa0: {  	[sflag:s22] =	ssyncadd.s32 s4;
	_ =	sdelay $0x1  }
0xa1: {  	s23 =	simm.s32 $0x1B8B  }
0xa2: {  	_ =	swait.ge [sflag:s23], $0x1  }
0xa3: {  	[sflag:s23] =	ssyncset.done $0x0  }
0xa4: {  	s25 =	simm.s32 $0x1B8E;
	s24 =	sld [smem:$0x3FFE];
	[sflag:s23] =	ssyncadd.s32 $0xFFFFFFFF  }
0xa5: {  	s26 =	simm.s32 $execute0_lowered;
	[smem:$0x3FD2] =	sst s25  }
0xa6: {  	s5 =	sshll.u32 s26, $0x1;
	_ =	strace $0x80000052;
	[dreg:$0x1] =	wrdreg $0xFFFFFFFF  }
0xa7: {  	s28 =	simm.s32 $_size_execute0_lowered;
	s3 =	sadd.s32 s3, s5;
	[dreg:$0x0] =	wrdreg $0x0  }
0xa8: {  	s5 =	sshll.u32 s28, $0x1;
	[dreg:$0x2] =	wrdreg s3  }
0xa9: {  	[dreg:$0x3] =	wrdreg s5  }
0xaa: {  	[dreg:$0x4] =	wrdreg $0xC0  }
0xab: {  	_ =	task [dreg:s7], $0x5FFFF  }
0xac: {  	[dreg:$0x1] =	wrdreg $0xFFFFFFFF  }
0xad: {  	[dreg:$0x0] =	wrdreg $0x60  }
0xae: {  	[dreg:$0x2] =	wrdreg s24  }
0xaf: {  	[dreg:$0x3] =	wrdreg s2  }
0xb0: {  	[dreg:$0x4] =	wrdreg $0x9  }
0xb1: {  	_ =	task.clear_ibuf [dreg:s7], $0x5FFFF;
	_ =	strace $0x90000052  }
0xb2: {  	s29 =	simm.s32 $0x9;
	_ =	strace $0x80000054  }
0xb3: {  	_ =	swait.ge [sflag:s29], $0x1  }
0xb4: {  	[sflag:s29] =	ssyncadd.s32 $0xFFFFFFFF  }
0xb5: {  	_ =	strace $0x90000054  }
0xb6: {  	_ =	sfence  }
0xb7: {  	s30 =	sld [smem:$0x0];
	_ =	sdelay $0x2  }
0xb8: {  	s31 =	sshll.u32 s1, $0xD;
	s1 =	sshrl.u32 s1, $0x2  }
0xb9: {  	s3 =	sand.u32 $0x4000, s31;
	s1 =	sadd.s32 s1, s30  }
0xba: {  	s0 =	sor.u32 s3, s0;
	s1 =	sshll.u32 s1, $0x11  }
0xbb: {  	s0 =	sor.u32 s1, s0  }
0xbc: {  	s0 =	sadd.s32 $0x8F2B, s0  }
0xbd: {  	[sflag:s0] =	ssyncadd.remote.s32 $0x1  }
0xbe: {  	_ =	sfence.sel $0xFFFF  }
0xbf: {  	[dreg:$0x0] =	wrdreg $0xFFFFFFFF;
	(pc) =	sbr.abs _section_cstart, $3  }
0xc0: {  	[dreg:$0x1] =	wrdreg $0xFFFFFFFF  }
0xc1: {  	_ =	task.clear_ibuf [dreg:s7], $0x2FFFF;
	_ =	strace $0x9FFFFFFF  }
0xc2: {  	(tm) =	ssettm $0x7FFFFFFF  }
0xc3: {  	_ =	shalt  }
tec
execute0_lowered:
.L_overlay_start_1:
0x0: {  	(tag) =	ssettag $0x1  }
0x1: {  	s1 =	srdreg.scid;
	s4 =	rddreg [dreg:$0x0]  }
0x2: {  	s0 =	stileid.u32;
	s2 =	rddreg [dreg:$0x1];
	s3 =	simm.s32 $0x0  }
0x3: {  	s9 =	simm.s32 $0x2800;
	s10 =	simm.s32 $0x1;
	s11 =	simm.s32 $0xCF80  }
0x4: {  	s12 =	simm.s32 $0x780;
	s5 =	sand.u32 $0x1, s1;
	s30 =	sshll.u32 s0, $0x1  }
0x5: {  	s13 =	simm.s32 $0xD150;
	s14 =	simm.s32 $0x0;
	s6 =	sor.u32 s5, s30  }
0x6: {  	s1 =	rddreg [dreg:$0x2];
	s5 =	ssub.s32 $0x2, s5;
	s7 =	smul.u32 $0x28, s6  }
0x7: {  	[smem:$0x7FF] =	sst s3;
	s6 =	smul.u32 $0xA0, s6;
	s31 =	sshrl.u32 s5, $0x1  }
0x8: {  	_ =	strace $0x80000053;
	s8 =	ssub.s32 s5, s31;
	s7 =	sadd.s32 s7, s4  }
0x9: {  	v0 =	vlaneseq.u32;
	s6 =	sadd.s32 s6, s4;
	s4 =	sadd.s32 $0x49A00, s7;
	s5 =	sadd.s32 $0x15C00, s7  }
0xa: {  	v0 =	vmul.u32 $0x4, v0;
	s6 =	sadd.s32 $0x47C00, s6;
	s7 =	smax.u32 s8, $0x1;
	s8 =	simm.s32 $0x140  }
.LBB2_1:
0xb: {  	[tilespmem:s3], [sflag:$0x1] =	stream.strided.gather [hbm4b:s4+s8], $0x780, s9, s8, $0x38;
	[tilespmem:$0xD650] =	vst v63  }
0xc: {  	_ =	swait.ge [sflag:s10], $0x780  }
0xd: {  	[sflag:s10] =	ssyncset.done $0x0  }
0xe: {  	[sflag:s10] =	ssyncadd.s32 $0xFFFFF880  }
0xf: {  	[tilespmem:s11], [sflag:$0x1] =	stream.linear.gather [hbm4b:s2+s3], $0x1D0, $0x38;
	[tilespmem:$0xD650] =	vst v63  }
0x10: {  	_ =	swait.ge [sflag:s10], $0x1D0  }
0x11: {  	[sflag:s10] =	ssyncset.done $0x0  }
0x12: {  	[sflag:s10] =	ssyncadd.s32 $0xFFFFFE30  }
0x13: {  	[tilespmem:s12], [sflag:$0x1] =	stream.strided.gather [hbm4b:s5+s8], $0xC800, s9, s8, $0x38;
	[tilespmem:$0xD650] =	vst v63  }
0x14: {  	_ =	swait.ge [sflag:s10], $0xC800  }
0x15: {  	[sflag:s10] =	ssyncset.done $0x0  }
0x16: {  	s15 =	simm.s32 $0x1400;
	s16 =	simm.s32 $0x0;
	[sflag:s10] =	ssyncadd.s32 $0xFFFF3800  }
.LBB2_2:
0x17: {  	v14 =	vld [tilespmem:s15+$0x640]  }
0x18: {  	v3 =	vld [tilespmem:s15+$0x780]  }
0x19: {  	v2 =	vld [tilespmem:s15+$0x8C0]  }
0x1a: {  	v7 =	vld [tilespmem:s15+$0x0]  }
0x1b: {  	v4 =	vld [tilespmem:s15+$0x140]  }
0x1c: {  	v11 =	vld [tilespmem:s15+$0xFFFFF380]  }
0x1d: {  	v5 =	vld [tilespmem:s15+$0x280]  }
0x1e: {  	v12 =	vld [tilespmem:s15+$0xFFFFF9C0]  }
0x1f: {  	v15 =	vld [tilespmem:s15+$0xFFFFFB00]  }
0x20: {  	v17 =	vld [tilespmem:s15+$0xFFFFFC40]  }
0x21: {  	v16 =	vld [tilespmem:s15+$0xFFFFF4C0]  }
0x22: {  	v18 =	vld [tilespmem:s15+$0xFFFFF600]  }
0x23: {  	s17 =	sshll.u32 s16, $0x4;
	v19 =	vld [tilespmem:s15+$0xFFFFF740]  }
0x24: {  	v6 =	vld [tilespmem:s17+$0x0]  }
0x25: {  	v20 =	vld [tilespmem:s15+$0xFFFFF880]  }
0x26: {  	v1 =	vld [tilespmem:s17+$0x640]  }
0x27: {  	v8 =	vld [tilespmem:s17+$0x140]  }
0x28: {  	v9 =	vld [tilespmem:s17+$0x280]  }
0x29: {  	v13 =	vld [tilespmem:s17+$0x500];
	v6 =	vadd.f32 v11, v6  }
0x2a: {  	v10 =	vld [tilespmem:s17+$0x3C0]  }
0x2b: {  	v11 =	vld [tilespmem:s15+$0xFFFFFD80];
	v6 =	vadd.f32 v12, v6  }
0x2c: {  	v12 =	vld [tilespmem:s15+$0xFFFFFEC0]  }
0x2d: {  	v18 =	vadd.f32 v18, v9;
	v9 =	vld [tilespmem:s15+$0x500];
	v6 =	vadd.f32 v7, v6  }
0x2e: {  	v16 =	vadd.f32 v16, v8;
	v13 =	vadd.f32 v20, v13;
	v7 =	vld [tilespmem:s15+$0x3C0]  }
0x2f: {  	v8 =	vld [tilespmem:s15+$0xA00];
	v6 =	vadd.f32 v14, v6;
	v14 =	vadd.f32 v19, v10  }
0x30: {  	s18 =	simm.s32 $0x0;
	s19 =	sadd.s32 $0x1900, s15;
	v16 =	vadd.f32 v15, v16;
	v15 =	vadd.f32 v17, v18;
	v10 =	vld [tilespmem:s15+$0xB40]  }
.LBB2_3:
0x31: {  	v17 =	vld [tilespmem:s19+$0x640];
	v11 =	vadd.f32 v11, v14;
	v12 =	vadd.f32 v12, v13  }
0x32: {  	v13 =	vld [tilespmem:s19+$0x780];
	v4 =	vadd.f32 v4, v16;
	v5 =	vadd.f32 v5, v15  }
0x33: {  	v14 =	vld [tilespmem:s19+$0x8C0];
	v7 =	vadd.f32 v7, v11;
	v9 =	vadd.f32 v9, v12  }
0x34: {  	v12 =	vld [tilespmem:s19+$0x0];
	v15 =	vadd.f32 v3, v4;
	v16 =	vadd.f32 v2, v5  }
0x35: {  	v4 =	vld [tilespmem:s19+$0x140];
	v8 =	vadd.f32 v8, v7;
	v10 =	vadd.f32 v10, v9  }
0x36: {  	v7 =	vld [tilespmem:s19+$0xFFFFF380]  }
0x37: {  	v5 =	vld [tilespmem:s19+$0x280];
	v3 =	vmov v13  }
0x38: {  	v9 =	vld [tilespmem:s19+$0xFFFFF9C0];
	v2 =	vmov v14  }
0x39: {  	v18 =	vld [tilespmem:s19+$0xFFFFFB00]  }
0x3a: {  	v19 =	vld [tilespmem:s19+$0xFFFFFC40]  }
0x3b: {  	v6 =	vadd.f32 v7, v6;
	v13 =	vld [tilespmem:s19+$0xFFFFF4C0]  }
0x3c: {  	v14 =	vld [tilespmem:s19+$0xFFFFF600]  }
0x3d: {  	v20 =	vld [tilespmem:s19+$0xFFFFF740];
	v6 =	vadd.f32 v9, v6  }
0x3e: {  	s18 =	sadd.s32 $0x4, s18;
	v21 =	vld [tilespmem:s19+$0xFFFFF880]  }
0x3f: {  	p0 =	slt.u32 s18, $0x1C;
	v11 =	vld [tilespmem:s19+$0xFFFFFD80];
	v6 =	vadd.f32 v12, v6  }
.Ltmp0:
0x40: {  	v12 =	vld [tilespmem:s19+$0xFFFFFEC0];
	(pc) =	sbr.rel @p0 .LBB2_3-.Ltmp0, $4  }
0x41: {  	v7 =	vld [tilespmem:s19+$0x3C0];
	v6 =	vadd.f32 v17, v6  }
0x42: {  	v15 =	vadd.f32 v13, v15;
	v17 =	vadd.f32 v14, v16;
	v9 =	vld [tilespmem:s19+$0x500]  }
0x43: {  	v14 =	vadd.f32 v20, v8;
	v13 =	vadd.f32 v21, v10;
	v8 =	vld [tilespmem:s19+$0xA00]  }
0x44: {  	v16 =	vadd.f32 v18, v15;
	v15 =	vadd.f32 v19, v17;
	v10 =	vld [tilespmem:s19+$0xB40];
	s19 =	sadd.s32 $0x1900, s19  }
0x45: {  	_ = 	snop  }
0x46: {  	v27 =	vld [tilespmem:$0xD0C0];
	v4 =	vadd.f32 v4, v16  }
0x47: {  	v11 =	vadd.f32 v11, v14;
	v28 =	vld [tilespmem:$0xD0D0]  }
0x48: {  	v29 =	vld [tilespmem:$0xD0E0];
	v5 =	vadd.f32 v5, v15;
	v3 =	vadd.f32 v3, v4  }
0x49: {  	v12 =	vadd.f32 v12, v13;
	v30 =	vld [tilespmem:$0xCF80];
	v7 =	vadd.f32 v7, v11  }
0x4a: {  	v6 =	vmul.f32 v6, v1;
	v31 =	vld [tilespmem:$0xCFC0];
	v2 =	vadd.f32 v2, v5;
	v3 =	vmul.f32 v3, v1  }
0x4b: {  	v32 =	vld [tilespmem:$0xD0F0];
	v9 =	vadd.f32 v9, v12;
	v7 =	vadd.f32 v8, v7  }
0x4c: {  	v33 =	vld [tilespmem:$0xD000];
	v6 =	vadd.f32 v27, v6;
	v2 =	vmul.f32 v2, v1;
	v3 =	vadd.f32 v28, v3  }
0x4d: {  	v34 =	vld [tilespmem:$0xD100];
	v9 =	vadd.f32 v10, v9;
	v35 =	vmul.f32 v7, v1  }
0x4e: {  	v36 =	vld [tilespmem:$0xD040];
	v6 =	vmax.f32 v6, $0.0e+00;
	v2 =	vadd.f32 v29, v2;
	v3 =	vmax.f32 v3, $0.0e+00  }
0x4f: {  	v37 =	vmul.f32 v30, v6;
	v5 =	vmul.f32 v31, v3  }
0x50: {  	v38 =	vld [tilespmem:$0xD080];
	v1 =	vmul.f32 v9, v1;
	v4 =	vadd.f32 v32, v35;
	v2 =	vmax.f32 v2, $0.0e+00  }
0x51: {  	v8 =	vmul.f32 v33, v2;
	v5 =	vadd.f32 v5, v37  }
0x52: {  	v1 =	vadd.f32 v34, v1;
	v4 =	vmax.f32 v4, $0.0e+00  }
0x53: {  	v7 =	vmul.f32 v36, v4;
	v5 =	vadd.f32 v8, v5  }
0x54: {  	v39 =	vld [tilespmem:$0xD110];
	v40 =	vmov s17;
	v1 =	vmax.f32 v1, $0.0e+00  }
0x55: {  	v42 =	vshll.u32 v40, $0x2;
	v41 =	vmul.f32 v38, v1;
	v5 =	vadd.f32 v7, v5  }
0x56: {  	v9 =	vor.u32 v0, v42  }
0x57: {  	v5 =	vadd.f32 v41, v5;
	_ =	sdelay $0x1  }
0x58: {  	v5 =	vadd.f32 v5, v39;
	_ =	sdelay $0x1  }
0x59: {  	[tilespmem:v9+s13+$0x0] =	vst.idx.msk $0xffff, v5  }
0x5a: {  	v5 =	vld [tilespmem:$0xCF90]  }
0x5b: {  	v43 =	vld [tilespmem:$0xCFD0];
	_ =	sdelay $0x1  }
0x5c: {  	v44 =	vld [tilespmem:$0xD010];
	_ =	sdelay $0x1  }
0x5d: {  	v45 =	vld [tilespmem:$0xD050]  }
0x5e: {  	v5 =	vmul.f32 v5, v6;
	v7 =	vmul.f32 v43, v3  }
0x5f: {  	v46 =	vld [tilespmem:$0xD090]  }
0x60: {  	v47 =	vmul.f32 v44, v2;
	v5 =	vadd.f32 v7, v5;
	_ =	sdelay $0x1  }
0x61: {  	v48 =	vmul.f32 v45, v4;
	v5 =	vadd.f32 v47, v5  }
0x62: {  	v49 =	vld [tilespmem:$0xD120]  }
0x63: {  	v50 =	vmul.f32 v46, v1;
	v5 =	vadd.f32 v48, v5  }
0x64: {  	v51 =	vor.u32 $0x1, v9  }
0x65: {  	v5 =	vadd.f32 v50, v5;
	_ =	sdelay $0x1  }
0x66: {  	v5 =	vadd.f32 v5, v49;
	_ =	sdelay $0x1  }
0x67: {  	[tilespmem:v51+s13+$0x0] =	vst.idx.msk $0xffff, v5  }
0x68: {  	v5 =	vld [tilespmem:$0xCFA0]  }
0x69: {  	v52 =	vld [tilespmem:$0xCFE0];
	_ =	sdelay $0x1  }
0x6a: {  	v53 =	vld [tilespmem:$0xD020];
	_ =	sdelay $0x1  }
0x6b: {  	v10 =	vld [tilespmem:$0xD060]  }
0x6c: {  	v5 =	vmul.f32 v5, v6;
	v7 =	vmul.f32 v52, v3  }
0x6d: {  	v54 =	vld [tilespmem:$0xD0A0]  }
0x6e: {  	v55 =	vmul.f32 v53, v2;
	v5 =	vadd.f32 v7, v5;
	_ =	sdelay $0x1  }
0x6f: {  	v56 =	vmul.f32 v10, v4;
	v5 =	vadd.f32 v55, v5  }
0x70: {  	v57 =	vld [tilespmem:$0xD130]  }
0x71: {  	v58 =	vmul.f32 v54, v1;
	v5 =	vadd.f32 v56, v5  }
0x72: {  	v59 =	vor.u32 $0x2, v9  }
0x73: {  	v5 =	vadd.f32 v58, v5;
	_ =	sdelay $0x1  }
0x74: {  	v5 =	vadd.f32 v5, v57;
	_ =	sdelay $0x1  }
0x75: {  	[tilespmem:v59+s13+$0x0] =	vst.idx.msk $0xffff, v5  }
0x76: {  	v5 =	vld [tilespmem:$0xCFB0]  }
0x77: {  	v60 =	vld [tilespmem:$0xCFF0];
	_ =	sdelay $0x1  }
0x78: {  	v61 =	vld [tilespmem:$0xD030];
	_ =	sdelay $0x1  }
0x79: {  	v10 =	vld [tilespmem:$0xD070]  }
0x7a: {  	v5 =	vmul.f32 v5, v6;
	v3 =	vmul.f32 v60, v3  }
0x7b: {  	v62 =	vld [tilespmem:$0xD0B0]  }
0x7c: {  	v2 =	vmul.f32 v61, v2;
	v3 =	vadd.f32 v3, v5;
	_ =	sdelay $0x1  }
0x7d: {  	v2 =	vadd.f32 v2, v3;
	v3 =	vmul.f32 v10, v4  }
0x7e: {  	v63 =	vld [tilespmem:$0xD140]  }
0x7f: {  	s16 =	sadd.s32 $0x1, s16;
	v1 =	vmul.f32 v62, v1;
	v2 =	vadd.f32 v3, v2  }
0x80: {  	p0 =	sne.s32 s16, $0x14;
	v3 =	vor.u32 $0x3, v9  }
.Ltmp1:
0x81: {  	v1 =	vadd.f32 v1, v2;
	(pc) =	sbr.rel @p0 .LBB2_2-.Ltmp1, $3  }
0x82: {  	_ = 	snop  }
0x83: {  	v1 =	vadd.f32 v1, v63;
	_ =	sdelay $0x1  }
0x84: {  	s15 =	sadd.s32 $0x10, s15;
	[tilespmem:v3+s13+$0x0] =	vst.idx.msk $0xffff, v1  }
0x85: {  	s14 =	sadd.s32 $0x1, s14  }
0x86: {  	p0 =	sne.s32 s14, s7  }
.Ltmp2:
0x87: {  	_ = 	snop;
	(pc) =	sbr.rel @p0 .LBB2_1-.Ltmp2, $4  }
0x88: {  	[hbm4b:s6+s3] =	stream.linear.scatter [tilespmem:s13], [sflag:$0x1], $0x500, $0x38;
	[tilespmem:$0xD650] =	vst v63  }
0x89: {  	_ =	swait.ge [sflag:s10], $0x500  }
0x8a: {  	[sflag:s10] =	ssyncset.done $0x0  }
0x8b: {  	[sflag:s10] =	ssyncadd.s32 $0xFFFFFB00  }
0x8c: {  	_ =	sfence.sel $0x180000  }
0x8d: {  	[bflag:$0x0] =	sbarrier.arrive $0xFFFF  }
0x8e: {  	p0 =	sne.s32 s0, $0x0;
	_ =	strace $0x90000053  }
0x8f: {  	s0 =	sadd.s32 @!p0 $0x100000, s1;
	[bflag:$0x2] =	sbarrier.arrive $0xFFFF  }
0x90: {  	[sflag:s0] =	ssyncadd.tile.s32 @!p0 $0x1;
	_ =	shalt  }
.Lfunc_end2:
_tile_overlayer_lowered:
.L_overlay_start_2:
0x91: {  	(tag) =	ssettag $0x2  }
0x92: {  	s0 =	rddreg [dreg:$0x0];
	s2 =	stileid.u32  }
0x93: {  	s1 =	rddreg [dreg:$0x1];
	p0 =	sne.s32 s2, $0x0  }
0x94: {  	s3 =	rddreg [dreg:$0x2];
	[bflag:$0x3] =	sbarrier.arrive $0xFFFF;
	s2 =	simm.s32 @!p0 $0x1C01  }
0x95: {  	[timem:s3], [sflag:s2] =	dma.local @!p0 [hbm:s0], s1  }
0x96: {  	s0 =	simm.s32 @!p0 $0x1  }
0x97: {  	_ =	swait.ge @!p0 [sflag:s0], s1  }
0x98: {  	s1 =	ssub.s32 @!p0 $0x0, s1;
	[sflag:s0] =	ssyncset.done @!p0 $0x0  }
0x99: {  	[sflag:s0] =	ssyncadd.s32 @!p0 s1  }
0x9a: {  	[bflag:$0x3] =	sbarrier.arrive $0xFFFF  }
0x9b: {  	_ =	shalt  }

// kernel: kernel.8.cloned.1.call-start
scs
__scs_entry_jumppad:
0x0: {  	(pc) =	sbr.rel $0x88, $3  }
0x1: {  	(tag) =	ssettag $0x0;
	lr =	simm.s32 $0x1  }
0x2: {  	[smem:$0x3F99] =	sst lr;
	_ =	strace $0xD0000000  }
0x3: {  	_ = 	snop  }
0x4: {  	_ = 	snop  }
0x5: {  	_ = 	snop  }
0x6: {  	_ = 	snop  }
0x7: {  	_ = 	snop  }
__scs_overlays_trampoline_lowered:
0x8: {  	[smem:$0x3FA8] =	sst s0  }
0x9: {  	[smem:$0x3FA9] =	sst s1  }
0xa: {  	[smem:$0x3FAA] =	sst s2  }
0xb: {  	[smem:$0x3FAB] =	sst s3  }
0xc: {  	[smem:$0x3FAC] =	sst s4  }
0xd: {  	[smem:$0x3FAD] =	sst s5  }
0xe: {  	[smem:$0x3FAE] =	sst s6  }
0xf: {  	[smem:$0x3FAF] =	sst s7  }
0x10: {  	[smem:$0x3FB0] =	sst s8  }
0x11: {  	[smem:$0x3FB1] =	sst s9;
	s0 =	simm.s32 @!p0 $0x0  }
0x12: {  	s1 =	sld [smem:$0x3F97];
	s0 =	simm.s32 @p0 $0x1  }
0x13: {  	[smem:$0x3FB2] =	sst s0;
	s0 =	simm.s32 @!p1 $0x0  }
0x14: {  	s2 =	sld [smem:$0x3F96];
	s0 =	simm.s32 @p1 $0x1  }
0x15: {  	[smem:$0x3FB3] =	sst s0;
	s0 =	simm.s32 @!p2 $0x0  }
0x16: {  	s3 =	sld [smem:$0x3FDB];
	s0 =	simm.s32 @p2 $0x1  }
0x17: {  	s4 =	simm.s32 $0x1BF5;
	[smem:$0x3FB5] =	sst s0  }
0x18: {  	s0 =	sld [smem:$0x3F98];
	_ =	swait.ge [sflag:s4], $0x0  }
0x19: {  	s7 =	sld [smem:$0x3F99]  }
0x1a: {  	s8 =	sadd.s32 $0xFFFFE003, lr  }
0x1b: {  	s9 =	sadd.s32 $0xFFFFFEF7, lr;
	s5 =	simm.s32 $0xFFFFFFFF;
	p2 =	slt.u32 s8, $0xFFFFF086  }
0x1c: {  	p1 =	slt.u32 s9, $0xF7A;
	s5 =	simm.s32 @!p2 $0x0  }
0x1d: {  	s5 =	simm.s32 @p1 $0x1;
	p0 =	seq.s32 s7, s2  }
0x1e: {  	s7 =	smul.u32 @!p0 $0xF7A, s2;
	p2 =	seq.s32 @!p0 s5, $0x0  }
0x1f: {  	s9 =	smul.u32 $0xF7A, s1;
	s8 =	simm.s32 @!p0 $0x1BF5;
	p2 =	por !p2, p0  }
0x20: {  	[sflag:s8] =	ssyncset.s32 @!p0 $0xFFFFF086;
	s6 =	sadd.s32 @!p0 s3, s7;
	s7 =	simm.s32 @!p0 $0x108  }
0x21: {  	s3 =	sadd.s32 s3, s9;
	s6 =	sadd.s32 @!p0 $0x88, s6;
	s7 =	simm.s32 @p2 $0x1082  }
0x22: {  	[simem:s7], [sflag:s8] =	dma.local @!p0 [hbm:s6], $0xF7A  }
0x23: {  	s9 =	sor.u32 $0xD0000000, s2;
	s6 =	simm.s32 $0x108;
	_ =	swait.ge @!p0 [sflag:s8], $0x0  }
0x24: {  	s3 =	sadd.s32 $0x88, s3;
	s6 =	simm.s32 @!p1 $0x1082;
	[sflag:s4] =	ssyncset.s32 $0xFFFFF086  }
0x25: {  	[simem:s6], [sflag:s4] =	dma.local [hbm:s3], $0xF7A  }
0x26: {  	[smem:$0x3F99] =	sst s1;
	(tag) =	ssettag s2;
	_ =	strace s9  }
0x27: {  	s1 =	sld [smem:$0x3FA9]  }
0x28: {  	s2 =	sld [smem:$0x3FAA]  }
0x29: {  	s4 =	sld [smem:$0x3FAC]  }
0x2a: {  	p0 =	seq.s32 s5, $0x0;
	s5 =	sld [smem:$0x3FAD]  }
0x2b: {  	s6 =	sld [smem:$0x3FAE]  }
0x2c: {  	s7 =	sld [smem:$0x3FAF]  }
0x2d: {  	s3 =	simm.s32 $0x108;
	s8 =	sld [smem:$0x3FB0]  }
0x2e: {  	s3 =	simm.s32 @!p0 $0x1082;
	s9 =	sld [smem:$0x3FB1]  }
0x2f: {  	lr =	sadd.s32 s0, s3;
	s0 =	sld [smem:$0x3FA8]  }
0x30: {  	s3 =	sld [smem:$0x3FAB]  }
0x31: {  	[smem:$0x3FB4] =	sst s10  }
0x32: {  	s10 =	sld [smem:$0x3FB2];
	_ =	sdelay $0x3  }
0x33: {  	p0 =	seq.s32 s10, $0x1;
	s10 =	sld [smem:$0x3FB4];
	_ =	sdelay $0x3  }
0x34: {  	[smem:$0x3FB4] =	sst s10  }
0x35: {  	s10 =	sld [smem:$0x3FB3];
	_ =	sdelay $0x3  }
0x36: {  	p1 =	seq.s32 s10, $0x1;
	s10 =	sld [smem:$0x3FB4];
	_ =	sdelay $0x3  }
0x37: {  	[smem:$0x3FB4] =	sst s10  }
0x38: {  	s10 =	sld [smem:$0x3FB5]  }
0x39: {  	_ = 	snop;
	(pc) =	sbr.ind lr, $3  }
0x3a: {  	_ = 	snop  }
0x3b: {  	_ = 	snop  }
0x3c: {  	p2 =	seq.s32 s10, $0x1;
	s10 =	sld [smem:$0x3FB4]  }
0x3d: {  	_ =	shalt  }
0x3e: {  	_ =	shalt  }
0x3f: {  	_ =	shalt  }
0x40: {  	_ =	shalt  }
0x41: {  	_ =	shalt  }
0x42: {  	_ =	shalt  }
0x43: {  	_ =	shalt  }
0x44: {  	_ =	shalt  }
0x45: {  	_ =	shalt  }
0x46: {  	_ =	shalt  }
0x47: {  	_ =	shalt  }
0x48: {  	_ =	shalt  }
0x49: {  	_ =	shalt  }
0x4a: {  	_ =	shalt  }
0x4b: {  	_ =	shalt  }
0x4c: {  	_ =	shalt  }
0x4d: {  	_ =	shalt  }
0x4e: {  	_ =	shalt  }
0x4f: {  	_ =	shalt  }
0x50: {  	_ =	shalt  }
0x51: {  	_ =	shalt  }
0x52: {  	_ =	shalt  }
0x53: {  	_ =	shalt  }
0x54: {  	_ =	shalt  }
0x55: {  	_ =	shalt  }
0x56: {  	_ =	shalt  }
0x57: {  	_ =	shalt  }
0x58: {  	_ =	shalt  }
0x59: {  	_ =	shalt  }
0x5a: {  	_ =	shalt  }
0x5b: {  	_ =	shalt  }
0x5c: {  	_ =	shalt  }
0x5d: {  	_ =	shalt  }
0x5e: {  	_ =	shalt  }
0x5f: {  	_ =	shalt  }
0x60: {  	_ =	shalt  }
0x61: {  	_ =	shalt  }
0x62: {  	_ =	shalt  }
0x63: {  	_ =	shalt  }
0x64: {  	_ =	shalt  }
0x65: {  	_ =	shalt  }
0x66: {  	_ =	shalt  }
0x67: {  	_ =	shalt  }
0x68: {  	_ =	shalt  }
0x69: {  	_ =	shalt  }
0x6a: {  	_ =	shalt  }
0x6b: {  	_ =	shalt  }
0x6c: {  	_ =	shalt  }
0x6d: {  	_ =	shalt  }
0x6e: {  	_ =	shalt  }
0x6f: {  	_ =	shalt  }
0x70: {  	_ =	shalt  }
0x71: {  	_ =	shalt  }
0x72: {  	_ =	shalt  }
0x73: {  	_ =	shalt  }
0x74: {  	_ =	shalt  }
0x75: {  	_ =	shalt  }
0x76: {  	_ =	shalt  }
0x77: {  	_ =	shalt  }
0x78: {  	_ =	shalt  }
0x79: {  	_ =	shalt  }
0x7a: {  	_ =	shalt  }
0x7b: {  	_ =	shalt  }
0x7c: {  	_ =	shalt  }
0x7d: {  	_ =	shalt  }
0x7e: {  	_ =	shalt  }
0x7f: {  	_ =	shalt  }
0x80: {  	_ =	shalt  }
0x81: {  	_ =	shalt  }
0x82: {  	_ =	shalt  }
0x83: {  	_ =	shalt  }
0x84: {  	_ =	shalt  }
0x85: {  	_ =	shalt  }
0x86: {  	_ =	shalt  }
0x87: {  	_ =	shalt  }
.Lfunc_end0:
.L_simem_size_0:
called_computation_lowered:
.L_overlay_start_0:
0x88: {  	s2 =	sld [smem:$0x3FD9]  }
0x89: {  	s3 =	sld [smem:$0x3FFE];
	_ =	sdelay $0x1  }
0x8a: {  	s1 =	srdreg.scid  }
0x8b: {  	s0 =	sand.u32 $0x1, s1  }
0x8c: {  	s16 =	sshll.u32 s0, $0xA;
	s2 =	sadd.s32 s3, s2  }
0x8d: {  	s2 =	sadd.s32 s2, s16  }
0x8e: {  	[smem:$0x3FC0] =	sst s2  }
0x8f: {  	_ = 	snop  }
0x90: {  	(tm) =	ssettm $0x1  }
0x91: {  	s17 =	sld [smem:$0x3FFB];
	_ =	sdelay $0x3  }
0x92: {  	_ =	strace s17  }
0x93: {  	s2 =	sld [smem:$0x3FFC];
	_ =	sdelay $0x3  }
0x94: {  	_ =	strace s2  }
0x95: {  	s2 =	sld [smem:$0x3FFD];
	_ =	sdelay $0x3  }
0x96: {  	_ =	strace s2  }
0x97: {  	_ =	strace $0x8FFFFFFF  }
0x98: {  	s18 =	sld [smem:$0x3FDB];
	_ =	sdelay $0x1  }
0x99: {  	s19 =	simm.s32 $_scs_section_size  }
0x9a: {  	s4 =	simm.s32 $_size__tile_overlayer_lowered;
	s5 =	simm.s32 $_tile_overlayer_lowered  }
0x9b: {  	s22 =	simm.s32 $0x1BFF;
	s21 =	sshll.u32 s5, $0x1;
	s2 =	sadd.s32 s19, s18  }
0x9c: {  	s6 =	simm.s32 $0x0;
	s20 =	sshll.u32 s4, $0x1;
	s4 =	sadd.s32 s21, s2  }
0x9d: {  	[timem:s6], [sflag:s22] =	dma.local [hbm:s4], s20  }
0x9e: {  	_ =	swait.ge [sflag:s22], s20  }
0x9f: {  	s3 =	ssub.s32 $0x0, s20;
	[sflag:s22] =	ssyncset.done $0x0  }
0xa0: {  	[sflag:s22] =	ssyncadd.s32 s3;
	_ =	sdelay $0x1  }
0xa1: {  	s23 =	simm.s32 $0x1B8B  }
0xa2: {  	_ =	swait.ge [sflag:s23], $0x1  }
0xa3: {  	[sflag:s23] =	ssyncset.done $0x0  }
0xa4: {  	s25 =	simm.s32 $0x1B8E;
	s24 =	sld [smem:$0x3FFE];
	[sflag:s23] =	ssyncadd.s32 $0xFFFFFFFF  }
0xa5: {  	s26 =	simm.s32 $execute0_lowered;
	[smem:$0x3FD2] =	sst s25  }
0xa6: {  	s4 =	sshll.u32 s26, $0x1;
	_ =	strace $0x80000046;
	[dreg:$0x1] =	wrdreg $0xFFFFFFFF  }
0xa7: {  	s28 =	simm.s32 $_size_execute0_lowered;
	s2 =	sadd.s32 s2, s4;
	[dreg:$0x0] =	wrdreg $0x0  }
0xa8: {  	s4 =	sshll.u32 s28, $0x1;
	[dreg:$0x2] =	wrdreg s2  }
0xa9: {  	[dreg:$0x3] =	wrdreg s4  }
0xaa: {  	[dreg:$0x4] =	wrdreg $0xC0  }
0xab: {  	_ =	task [dreg:s6], $0x5FFFF  }
0xac: {  	[dreg:$0x1] =	wrdreg $0xFFFFFFFF  }
0xad: {  	[dreg:$0x0] =	wrdreg $0x60  }
0xae: {  	[dreg:$0x2] =	wrdreg s24  }
0xaf: {  	[dreg:$0x3] =	wrdreg $0x9  }
0xb0: {  	_ =	task.clear_ibuf [dreg:s6], $0x4FFFF;
	_ =	strace $0x90000046  }
0xb1: {  	s29 =	simm.s32 $0x9;
	_ =	strace $0x80000048  }
0xb2: {  	_ =	swait.ge [sflag:s29], $0x1  }
0xb3: {  	[sflag:s29] =	ssyncadd.s32 $0xFFFFFFFF  }
0xb4: {  	_ =	strace $0x90000048  }
0xb5: {  	_ =	sfence  }
0xb6: {  	s30 =	sld [smem:$0x0];
	_ =	sdelay $0x2  }
0xb7: {  	s31 =	sshll.u32 s1, $0xD;
	s1 =	sshrl.u32 s1, $0x2  }
0xb8: {  	s3 =	sand.u32 $0x4000, s31;
	s1 =	sadd.s32 s1, s30  }
0xb9: {  	s0 =	sor.u32 s3, s0;
	s1 =	sshll.u32 s1, $0x11  }
0xba: {  	s0 =	sor.u32 s1, s0  }
0xbb: {  	s0 =	sadd.s32 $0x8F2B, s0  }
0xbc: {  	[sflag:s0] =	ssyncadd.remote.s32 $0x1  }
0xbd: {  	_ =	sfence.sel $0xFFFF  }
0xbe: {  	[dreg:$0x0] =	wrdreg $0xFFFFFFFF;
	(pc) =	sbr.abs _section_cstart, $3  }
0xbf: {  	[dreg:$0x1] =	wrdreg $0xFFFFFFFF  }
0xc0: {  	_ =	task.clear_ibuf [dreg:s6], $0x2FFFF;
	_ =	strace $0x9FFFFFFF  }
0xc1: {  	(tm) =	ssettm $0x7FFFFFFF  }
tec
execute0_lowered:
.L_overlay_start_1:
0x0: {  	(tag) =	ssettag $0x1  }
0x1: {  	s1 =	srdreg.scid  }
0x2: {  	s0 =	stileid.u32;
	s4 =	rddreg [dreg:$0x0]  }
0x3: {  	s2 =	simm.s32 $0x0;
	s3 =	sand.u32 $0x1, s1;
	s30 =	sshll.u32 s0, $0x1  }
0x4: {  	s8 =	simm.s32 $0x2;
	s9 =	simm.s32 $0x0;
	s5 =	sor.u32 s3, s30  }
0x5: {  	s1 =	rddreg [dreg:$0x1];
	s3 =	ssub.s32 $0x2, s3;
	s6 =	smul.u32 $0x4E2, s5  }
0x6: {  	[smem:$0x7FF] =	sst s2;
	s5 =	smul.u32 $0x500, s5;
	s7 =	sshrl.u32 s3, $0x1  }
0x7: {  	_ =	strace $0x80000047;
	s31 =	ssub.s32 s3, s7;
	s7 =	simm.s32 $0x2710  }
0x8: {  	s6 =	sadd.s32 s6, s4;
	s4 =	sadd.s32 s5, s4;
	s5 =	smax.u32 s31, $0x1  }
0x9: {  	v0 =	vimm.f32 $0.0e+00;
	v1 =	vimm.f32 $1.000000000e+00;
	s3 =	sadd.s32 $0xBE00, s6;
	s4 =	sadd.s32 $0x15C00, s4;
	s6 =	simm.s32 $0x1  }
.LBB2_1:
0xa: {  	[tilespmem:s2], [sflag:$0x1] =	stream.linear.gather [hbm4b:s3+s2], $0x2710, $0x38;
	[tilespmem:$0x4F10] =	vst v63  }
0xb: {  	s10 =	simm.s32 $0x2730  }
0xc: {  	[tilespmem:s10+$0xFFFFFFE0] =	vst v0  }
0xd: {  	[tilespmem:s10+$0x10] =	vst v0  }
0xe: {  	s11 =	simm.s32 $0x0;
	[tilespmem:s10+$0x0] =	vst v0  }
.LBB2_2:
0xf: {  	s11 =	sadd.s32 $0x40, s11  }
0x10: {  	[tilespmem:s10+$0xFFFFFFF0] =	vst v0;
	s10 =	sadd.s32 $0x40, s10;
	p0 =	slt.u32 s11, $0x27C0  }
.Ltmp0:
0x11: {  	[tilespmem:s10+$0xFFFFFFE0] =	vst v0;
	(pc) =	sbr.rel @p0 .LBB2_2-.Ltmp0, $3  }
0x12: {  	_ =	sdelay $0x1  }
0x13: {  	[tilespmem:s10+$0x10] =	vst v0  }
0x14: {  	[tilespmem:s10+$0x0] =	vst v0  }
0x15: {  	[tilespmem:s10+$0xFFFFFFF0] =	vst v0  }
0x16: {  	_ =	swait.ge [sflag:s6], $0x2710  }
0x17: {  	[sflag:s6] =	ssyncset.done $0x0  }
0x18: {  	s10 =	simm.s32 $0x40;
	[sflag:s6] =	ssyncadd.s32 $0xFFFFD8F0  }
0x19: {  	v3 =	vld [tilespmem:s10+$0xFFFFFFC0]  }
0x1a: {  	v4 =	vld [tilespmem:s10+$0x30]  }
0x1b: {  	v5 =	vld [tilespmem:s10+$0x20]  }
0x1c: {  	v6 =	vld [tilespmem:s10+$0x10]  }
0x1d: {  	v7 =	vld [tilespmem:s10+$0x0]  }
0x1e: {  	v8 =	vld [tilespmem:s10+$0xFFFFFFF0]  }
0x1f: {  	v9 =	vld [tilespmem:s10+$0xFFFFFFE0]  }
0x20: {  	v2 =	vld [tilespmem:s10+$0xFFFFFFD0]  }
0x21: {  	[tilespmem:v3+s7+$0x0] =	vst.idx.add.f32.msk $0xffff, v1  }
0x22: {  	[tilespmem:v4+s7+$0x0] =	vst.idx.add.f32.msk $0xffff, v1  }
0x23: {  	[tilespmem:v5+s7+$0x0] =	vst.idx.add.f32.msk $0xffff, v1  }
0x24: {  	[tilespmem:v6+s7+$0x0] =	vst.idx.add.f32.msk $0xffff, v1  }
0x25: {  	[tilespmem:v7+s7+$0x0] =	vst.idx.add.f32.msk $0xffff, v1  }
0x26: {  	[tilespmem:v8+s7+$0x0] =	vst.idx.add.f32.msk $0xffff, v1  }
0x27: {  	s11 =	simm.s32 $0x0;
	[tilespmem:v9+s7+$0x0] =	vst.idx.add.f32.msk $0xffff, v1  }
.LBB2_4:
0x28: {  	s11 =	sadd.s32 $0x80, s11;
	[tilespmem:v2+s7+$0x0] =	vst.idx.add.f32.msk $0xffff, v1;
	s10 =	sadd.s32 $0x80, s10  }
0x29: {  	v3 =	vld [tilespmem:s10+$0xFFFFFFC0];
	p0 =	slt.u32 s11, $0x2680  }
0x2a: {  	v4 =	vld [tilespmem:s10+$0x30]  }
0x2b: {  	v5 =	vld [tilespmem:s10+$0x20]  }
0x2c: {  	v6 =	vld [tilespmem:s10+$0x10]  }
0x2d: {  	v7 =	vld [tilespmem:s10+$0x0]  }
0x2e: {  	v8 =	vld [tilespmem:s10+$0xFFFFFFF0]  }
0x2f: {  	v9 =	vld [tilespmem:s10+$0xFFFFFFE0]  }
0x30: {  	v2 =	vld [tilespmem:s10+$0xFFFFFFD0]  }
0x31: {  	[tilespmem:v3+s7+$0x0] =	vst.idx.add.f32.msk $0xffff, v1  }
0x32: {  	[tilespmem:v4+s7+$0x0] =	vst.idx.add.f32.msk $0xffff, v1  }
.Ltmp1:
0x33: {  	[tilespmem:v5+s7+$0x0] =	vst.idx.add.f32.msk $0xffff, v1;
	(pc) =	sbr.rel @p0 .LBB2_4-.Ltmp1, $4  }
0x34: {  	[tilespmem:v6+s7+$0x0] =	vst.idx.add.f32.msk $0xffff, v1  }
0x35: {  	[tilespmem:v7+s7+$0x0] =	vst.idx.add.f32.msk $0xffff, v1  }
0x36: {  	[tilespmem:v8+s7+$0x0] =	vst.idx.add.f32.msk $0xffff, v1  }
0x37: {  	[tilespmem:v9+s7+$0x0] =	vst.idx.add.f32.msk $0xffff, v1  }
0x38: {  	_ =	sdelay $0x3  }
0x39: {  	[tilespmem:v2+s7+$0x0] =	vst.idx.add.f32.msk $0xffff, v1  }
0x3a: {  	v2 =	vld [tilespmem:$0x2700];
	_ =	sdelay $0x5  }
0x3b: {  	s9 =	sadd.s32 $0x1, s9  }
0x3c: {  	p0 =	sne.s32 s9, s5  }
.Ltmp2:
0x3d: {  	[tilespmem:v2+s7+$0x0] =	vst.idx.add.f32.msk $0xffff, v1;
	(pc) =	sbr.rel @p0 .LBB2_1-.Ltmp2, $4  }
0x3e: {  	[hbm4b:s4+s2] =	stream.linear.scatter [tilespmem:s7], [sflag:$0x2], $0x2800, $0x38;
	[tilespmem:$0x4F10] =	vst v63  }
0x3f: {  	_ =	swait.ge [sflag:s8], $0x2800  }
0x40: {  	[sflag:s8] =	ssyncset.done $0x0  }
0x41: {  	[sflag:s8] =	ssyncadd.s32 $0xFFFFD800  }
0x42: {  	_ =	sfence.sel $0x180000  }
0x43: {  	[bflag:$0x0] =	sbarrier.arrive $0xFFFF  }
0x44: {  	p0 =	sne.s32 s0, $0x0;
	_ =	strace $0x90000047  }
0x45: {  	s0 =	sadd.s32 @!p0 $0x100000, s1;
	[bflag:$0x2] =	sbarrier.arrive $0xFFFF  }
0x46: {  	[sflag:s0] =	ssyncadd.tile.s32 @!p0 $0x1;
	_ =	shalt  }
.Lfunc_end2:
_tile_overlayer_lowered:
.L_overlay_start_2:
0x47: {  	(tag) =	ssettag $0x2  }
0x48: {  	s0 =	rddreg [dreg:$0x0];
	s2 =	stileid.u32  }
0x49: {  	s1 =	rddreg [dreg:$0x1];
	p0 =	sne.s32 s2, $0x0  }
0x4a: {  	s3 =	rddreg [dreg:$0x2];
	[bflag:$0x3] =	sbarrier.arrive $0xFFFF;
	s2 =	simm.s32 @!p0 $0x1C02  }
0x4b: {  	[timem:s3], [sflag:s2] =	dma.local @!p0 [hbm:s0], s1  }
0x4c: {  	s0 =	simm.s32 @!p0 $0x2  }
0x4d: {  	_ =	swait.ge @!p0 [sflag:s0], s1  }
0x4e: {  	s1 =	ssub.s32 @!p0 $0x0, s1;
	[sflag:s0] =	ssyncset.done @!p0 $0x0  }
0x4f: {  	[sflag:s0] =	ssyncadd.s32 @!p0 s1  }
0x50: {  	[bflag:$0x3] =	sbarrier.arrive $0xFFFF  }
0x51: {  	_ =	shalt  }

</sc_bundles>
